<compile_context>
chip_gen: v7x
topology: tpu7x:2x2x1
jax: 0.10.2.dev20260603
libtpu: 0.0.44.dev20260713+nightly
codegen_flags: <defaults>
</compile_context>

<pallas_src>
import functools

import jax
import jax.numpy as jnp
from jax import lax
from jax.experimental import pallas as pl
from jax.experimental.pallas import tpu as pltpu
from jax.experimental.pallas import tpu_sc as plsc

MODEL_DIM = 128
MLP_DIM = 256
NUM_CLASSES = 3
B = 16
L = 2048
NUM_WORKERS = 32
GCHUNK = 128
BLK = 8
SEG0_STEPS = 256
SEG1_STEPS = L - SEG0_STEPS
CHUNK_A = 256
CHUNK_B = 448


def _build_idx(tokens_hbm, tok_v, idx_v, goff):
    t0 = goff // B
    p0 = L - 8 - t0
    pltpu.sync_copy(tokens_hbm.at[pl.ds(p0 * B, 8 * B)], tok_v)
    for tl in range(8):
        idx_v[pl.ds(tl * B, B)] = tok_v[pl.ds((7 - tl) * B, B)]


def _gather_body(tokens_hbm, table_hbm, out_hbm, tok_v, idx_a, idx_b,
                 rows_a, rows_b, gsem_a, gsem_b, wsem_a, wsem_b, *,
                 rows_per_worker, row_base):
    wid = lax.axis_index("s") * 2 + lax.axis_index("c")
    base = wid * rows_per_worker
    nchunk = rows_per_worker // GCHUNK
    idx = [idx_a, idx_b]
    rows = [rows_a, rows_b]
    gsem = [gsem_a, gsem_b]
    wsem = [wsem_a, wsem_b]
    gcopy = [None, None]
    wcopy = [None, None]

    _build_idx(tokens_hbm, tok_v, idx_a, row_base + base)
    gcopy[0] = pltpu.async_copy(table_hbm.at[idx_a], rows_a, gsem_a)
    for c in range(nchunk):
        cur = c % 2
        nxt = 1 - cur
        if c + 1 < nchunk:
            off_n = base + (c + 1) * GCHUNK
            _build_idx(tokens_hbm, tok_v, idx[nxt], row_base + off_n)
            if wcopy[nxt] is not None:
                wcopy[nxt].wait()
            gcopy[nxt] = pltpu.async_copy(table_hbm.at[idx[nxt]], rows[nxt],
                                          gsem[nxt])
        gcopy[cur].wait()
        wcopy[cur] = pltpu.async_copy(
            rows[cur], out_hbm.at[pl.ds(base + c * GCHUNK, GCHUNK)],
            wsem[cur])
    for w in wcopy:
        if w is not None:
            w.wait()


@functools.cache
def _make_sc_gather(n_rows, row_base):
    body = functools.partial(_gather_body,
                             rows_per_worker=n_rows // NUM_WORKERS,
                             row_base=row_base)
    return pl.kernel(
        body,
        out_type=jax.ShapeDtypeStruct((n_rows, MODEL_DIM), jnp.float32),
        mesh=plsc.VectorSubcoreMesh(core_axis_name="c", subcore_axis_name="s",
                                    num_cores=2, num_subcores=16),
        scratch_types=[
            pltpu.VMEM((8 * B,), jnp.int32),
            pltpu.VMEM((GCHUNK,), jnp.int32),
            pltpu.VMEM((GCHUNK,), jnp.int32),
            pltpu.VMEM((GCHUNK, MODEL_DIM), jnp.float32),
            pltpu.VMEM((GCHUNK, MODEL_DIM), jnp.float32),
            pltpu.SemaphoreType.DMA,
            pltpu.SemaphoreType.DMA,
            pltpu.SemaphoreType.DMA,
            pltpu.SemaphoreType.DMA,
        ],
    )


_DG_T = (((1,), (1,)), ((), ()))


def _dot_t(a, b):
    return lax.dot_general(a, b, _DG_T, preferred_element_type=jnp.float32)


def _scan_chunk(x_ref, wih_ref, whh_ref, bih_ref, bhh_ref, act_ref, m_ref,
                h_ref, pre_ref, t_base, chunk):
    @pl.when(m_ref[0] < t_base + chunk)
    def _active():
        pre_ref[...] = (_dot_t(x_ref[...], wih_ref[...])
                        + (bih_ref[...] + bhh_ref[...]))
        whh = whh_ref[...]
        act = act_ref[...]
        nblk0 = jnp.clip((m_ref[0] - t_base) // BLK, 0, chunk // BLK)

        def blk(kb, h):
            for jj in range(BLK):
                j = kb * BLK + jj
                x = pre_ref[pl.ds(j * B, B), :]
                h_new = jnp.tanh(
                    x + jnp.dot(h, whh, preferred_element_type=jnp.float32))
                h = jnp.where(act <= t_base + j, h_new, h)
            return h

        h_ref[...] = lax.fori_loop(nblk0, chunk // BLK, blk, h_ref[...])


def _scan_a_body(x_ref, wih_ref, whh_ref, bih_ref, bhh_ref, act_ref, m_ref,
                 out_ref, h_ref, pre_ref):
    g = pl.program_id(0)
    ng = pl.num_programs(0)

    @pl.when(g == 0)
    def _init():
        h_ref[...] = jnp.zeros_like(h_ref)

    _scan_chunk(x_ref, wih_ref, whh_ref, bih_ref, bhh_ref, act_ref, m_ref,
                h_ref, pre_ref, g * CHUNK_A, CHUNK_A)

    @pl.when(g == ng - 1)
    def _emit():
        out_ref[...] = h_ref[...]


def _scan_b_body(x_ref, wih_ref, whh_ref, bih_ref, bhh_ref, act_ref, m_ref,
                 h_in_ref, w0_ref, b0_ref, w1_ref, b1_ref, out_ref, h_ref,
                 pre_ref):
    g = pl.program_id(0)
    ng = pl.num_programs(0)

    @pl.when(g == 0)
    def _init():
        h_ref[...] = h_in_ref[...]

    _scan_chunk(x_ref, wih_ref, whh_ref, bih_ref, bhh_ref, act_ref, m_ref,
                h_ref, pre_ref, SEG0_STEPS + g * CHUNK_B, CHUNK_B)

    @pl.when(g == ng - 1)
    def _mlp():
        h1 = jnp.maximum(_dot_t(h_ref[...], w0_ref[...]) + b0_ref[...], 0.0)
        h2 = jnp.maximum(_dot_t(h1, w1_ref[...]) + b1_ref[...], 0.0)
        lane = lax.broadcasted_iota(jnp.int32, (B, MODEL_DIM), 1)
        logits = jnp.where(lane < NUM_CLASSES, h2, -1e30)
        m = jnp.max(logits, axis=-1, keepdims=True)
        s = logits - m
        y = s - jnp.log(jnp.sum(jnp.exp(s), axis=-1, keepdims=True))
        out_ref[...] = y[:, :NUM_CLASSES]


def _full(shape):
    return pl.BlockSpec(shape, lambda g: tuple(0 for _ in shape))


def _common_specs(chunk):
    return [
        pl.BlockSpec((chunk * B, MODEL_DIM), lambda g: (g, 0)),
        _full((MODEL_DIM, MODEL_DIM)),
        _full((MODEL_DIM, MODEL_DIM)),
        _full((1, MODEL_DIM)),
        _full((1, MODEL_DIM)),
        _full((B, MODEL_DIM)),
        pl.BlockSpec(memory_space=pltpu.SMEM),
    ]


def _scratch(chunk):
    return [pltpu.VMEM((B, MODEL_DIM), jnp.float32),
            pltpu.VMEM((chunk * B, MODEL_DIM), jnp.float32)]


_scan_a_call = pl.pallas_call(
    _scan_a_body,
    grid=(SEG0_STEPS // CHUNK_A,),
    in_specs=_common_specs(CHUNK_A),
    out_specs=_full((B, MODEL_DIM)),
    out_shape=jax.ShapeDtypeStruct((B, MODEL_DIM), jnp.float32),
    scratch_shapes=_scratch(CHUNK_A),
)

_scan_b_call = pl.pallas_call(
    _scan_b_body,
    grid=(SEG1_STEPS // CHUNK_B,),
    in_specs=_common_specs(CHUNK_B) + [
        _full((B, MODEL_DIM)),
        _full((MLP_DIM, MODEL_DIM)),
        _full((1, MLP_DIM)),
        _full((MODEL_DIM, MLP_DIM)),
        _full((1, MODEL_DIM)),
    ],
    out_specs=_full((B, NUM_CLASSES)),
    out_shape=jax.ShapeDtypeStruct((B, NUM_CLASSES), jnp.float32),
    scratch_shapes=_scratch(CHUNK_B),
)


@jax.jit
def kernel(tokens, lengths, embeddings, W_ih, b_ih, W_hh, b_hh, W0, b0,
           W1, b1):
    tokens_t = tokens.T.reshape(-1)
    seg0 = SEG0_STEPS * B
    x0 = _make_sc_gather(seg0, 0)(tokens_t, embeddings)
    x1 = _make_sc_gather(SEG1_STEPS * B, seg0)(tokens_t, embeddings)

    act = jnp.broadcast_to((L - lengths)[:, None], (B, MODEL_DIM))
    act = act.astype(jnp.int32)
    b0r = b0[None, :]
    w1p = jnp.zeros((MODEL_DIM, MLP_DIM), W1.dtype).at[:NUM_CLASSES].set(W1)
    b1p = jnp.zeros((1, MODEL_DIM), b1.dtype).at[0, :NUM_CLASSES].set(b1)
    m = (L - jnp.max(lengths)).astype(jnp.int32).reshape(1)

    whh_t = W_hh.T
    h_mid = _scan_a_call(x0, W_ih, whh_t, b_ih[None, :], b_hh[None, :], act,
                         m)
    return _scan_b_call(x1, W_ih, whh_t, b_ih[None, :], b_hh[None, :], act,
                        m, h_mid, W0, b0r, w1p, b1p)

# --- scband reference (transcript-rebuilt; emitter-appended) ---
"""Pipeline reference for scband-dynamic-net-40089224741417 (READ-ONLY COPY).

The authoritative reference and input builder live on the scoring server;
editing this copy changes nothing except your own understanding.
"""

import jax, jax.numpy as jnp
import numpy as np

MODEL_DIM = 128
MLP_DIM = 256
NUM_CLASSES = 3
WORD_DIM = 128
VOCAB = 100000
B = 16
L = 2048


def setup_inputs(seed: int = 0) -> dict:
    key = jax.random.key(seed)
    ks = [jax.random.fold_in(key, i) for i in range(12)]
    tokens = jax.random.randint(ks[0], (B, L), 0, VOCAB, dtype=jnp.int32)
    lengths = jax.random.randint(ks[1], (B,), 1, L + 1, dtype=jnp.int32)
    embeddings = jax.random.normal(ks[2], (VOCAB, WORD_DIM), dtype=jnp.float32) * 0.1
    s_rnn = 1.0 / np.sqrt(MODEL_DIM)
    W_ih = jax.random.uniform(ks[3], (MODEL_DIM, WORD_DIM), minval=-s_rnn, maxval=s_rnn)
    b_ih = jax.random.uniform(ks[4], (MODEL_DIM,), minval=-s_rnn, maxval=s_rnn)
    W_hh = jax.random.uniform(ks[5], (MODEL_DIM, MODEL_DIM), minval=-s_rnn, maxval=s_rnn)
    b_hh = jax.random.uniform(ks[6], (MODEL_DIM,), minval=-s_rnn, maxval=s_rnn)
    s0 = 1.0 / np.sqrt(MODEL_DIM)
    W0 = jax.random.uniform(ks[7], (MLP_DIM, MODEL_DIM), minval=-s0, maxval=s0)
    b0 = jax.random.uniform(ks[8], (MLP_DIM,), minval=-s0, maxval=s0)
    s1 = 1.0 / np.sqrt(MLP_DIM)
    W1 = jax.random.uniform(ks[9], (NUM_CLASSES, MLP_DIM), minval=-s1, maxval=s1)
    b1 = jax.random.uniform(ks[10], (NUM_CLASSES,), minval=-s1, maxval=s1)
    return {"tokens": tokens, "lengths": lengths, "embeddings": embeddings,
            "W_ih": W_ih, "b_ih": b_ih, "W_hh": W_hh, "b_hh": b_hh,
            "W0": W0, "b0": b0, "W1": W1, "b1": b1}


def reference(tokens, lengths, embeddings, W_ih, b_ih, W_hh, b_hh, W0, b0, W1, b1):
    # Faithful translation of DynamicNet.forward in eval mode (dropout = identity).
    # The original pops tokens from the END of each sequence; sequence i with
    # length l_i joins the shared RNNCell batch at step t when l_i >= max_len - t,
    # and the token consumed at global step t is position (max_len - 1 - t).
    # Equivalently: scan positions from L-1 down to 0; update h_i only where
    # position p < lengths[i] (inactive rows keep their state, initialized to 0).
    Bsz, Ln = tokens.shape
    model_dim = W_hh.shape[0]
    carry_dtype = jnp.result_type(embeddings.dtype, W_ih.dtype, b_ih.dtype,
                                  W_hh.dtype, b_hh.dtype)
    h0 = jnp.zeros((Bsz, model_dim), dtype=carry_dtype)
    positions = jnp.arange(Ln - 1, -1, -1)

    def step(h, p):
        tok = tokens[:, p]                      # gather current column
        emb = jnp.take(embeddings, tok, axis=0) # embedding lookup (SparseCore gather)
        h_new = jnp.tanh(emb @ W_ih.T + b_ih + h @ W_hh.T + b_hh)  # nn.RNNCell (tanh)
        mask = (p < lengths)[:, None]
        h = jnp.where(mask, h_new, h)
        return h, None

    h, _ = jax.lax.scan(step, h0, positions)
    h1 = jax.nn.relu(h @ W0.T + b0)   # l0 + relu (dropout skipped: eval mode)
    h2 = jax.nn.relu(h1 @ W1.T + b1)  # l1 + relu
    y = jax.nn.log_softmax(h2, axis=-1)
    return y

if __name__ == "__main__":
    import jax
    _d = setup_inputs()
    print(jax.jit(kernel)(*tuple(_d.values())))

</pallas_src>

<mosaic_0001>
#map = affine_map<(d0, d1) -> (0)>
#map1 = affine_map<(d0, d1) -> (0, 0)>
module attributes {stable_mosaic.version = 14 : i64} {
  func.func @_gather_body(%arg0: i32, %arg1: i32, %arg2: memref<32768xi32, #tpu.memory_space<hbm>>, %arg3: memref<100000x128xf32, #tpu.memory_space<hbm>>, %arg4: memref<28672x128xf32, #tpu.memory_space<hbm>>, %arg5: memref<128xi32, #tpu.memory_space<vmem>>, %arg6: memref<128xi32, #tpu.memory_space<vmem>>, %arg7: memref<128xi32, #tpu.memory_space<vmem>>, %arg8: memref<128x128xf32, #tpu.memory_space<vmem>>, %arg9: memref<128x128xf32, #tpu.memory_space<vmem>>, %arg10: memref<!tpu.dma_semaphore, #tpu.memory_space<semaphore_mem>>, %arg11: memref<!tpu.dma_semaphore, #tpu.memory_space<semaphore_mem>>, %arg12: memref<!tpu.dma_semaphore, #tpu.memory_space<semaphore_mem>>, %arg13: memref<!tpu.dma_semaphore, #tpu.memory_space<semaphore_mem>>) attributes {dimension_semantics = [#tpu.dimension_semantics<core_parallel>, #tpu.dimension_semantics<subcore_parallel>], iteration_bounds = array<i64: 2, 16>, scalar_prefetch = 0 : i64, scratch_operands = 9 : i64, tpu.core_type = #tpu.core_type<sc_vector_subcore>, window_params = [{transform_indices = #map}, {transform_indices = #map1}, {transform_indices = #map1}]} {
    %mul3A = arith.constant 2 : i32
    %mul3A_0 = arith.muli %arg1, %mul3A : i32
    %add3A = arith.addi %mul3A_0, %arg0 : i32
    %mul3A_1 = arith.constant 896 : i32
    %mul3A_2 = arith.muli %add3A, %mul3A_1 : i32
    %add3A_3 = arith.constant 4096 : i32
    %add3A_4 = arith.addi %add3A_3, %mul3A_2 : i32
    %jit3A = arith.constant 16 : i32
    %div3A = arith.divsi %add3A_4, %jit3A : i32
    %sign3A = arith.constant 0 : i32
    %sign3A_5 = arith.cmpi sgt, %add3A_4, %sign3A : i32
    %sign3A_6 = arith.extui %sign3A_5 : i1 to i32
    %sign3A_7 = arith.constant 0 : i32
    %sign3A_8 = arith.cmpi slt, %add3A_4, %sign3A_7 : i32
    %sign3A_9 = arith.extui %sign3A_8 : i1 to i32
    %sign3A_10 = arith.subi %sign3A_6, %sign3A_9 : i32
    %sign3A_11 = arith.constant 0 : i32
    %sign3A_12 = arith.cmpi sgt, %jit3A, %sign3A_11 : i32
    %sign3A_13 = arith.extui %sign3A_12 : i1 to i32
    %sign3A_14 = arith.constant 0 : i32
    %sign3A_15 = arith.cmpi slt, %jit3A, %sign3A_14 : i32
    %sign3A_16 = arith.extui %sign3A_15 : i1 to i32
    %sign3A_17 = arith.subi %sign3A_13, %sign3A_16 : i32
    %ne3A = arith.cmpi ne, %sign3A_10, %sign3A_17 : i32
    %rem3A = arith.remsi %add3A_4, %jit3A : i32
    %ne3A_18 = arith.constant 0 : i32
    %ne3A_19 = arith.cmpi ne, %rem3A, %ne3A_18 : i32
    %and3A = arith.andi %ne3A, %ne3A_19 : i1
    %sub3A = arith.constant 1 : i32
    %sub3A_20 = arith.subi %div3A, %sub3A : i32
    %select_n3A = arith.select %and3A, %sub3A_20, %div3A : i32
    %sub3A_21 = arith.constant 2040 : i32
    %sub3A_22 = arith.subi %sub3A_21, %select_n3A : i32
    %mul3A_23 = arith.constant 16 : i32
    %mul3A_24 = arith.muli %sub3A_22, %mul3A_23 : i32
    "tpu.region"() ({
      %run_scoped3A = tpu.sem_alloc : memref<!tpu.dma_semaphore, #tpu.memory_space<semaphore_mem>>
      %dma_start3A_717 = tpu.memref_slice %arg2[%mul3A_24] : memref<32768xi32, #tpu.memory_space<hbm>> -> memref<128xi32, #tpu.memory_space<hbm>>
      %dma_start3A_718 = tpu.memref_slice %arg2[%mul3A_24] : memref<32768xi32, #tpu.memory_space<hbm>> -> memref<128xi32, #tpu.memory_space<hbm>>
      tpu.enqueue_dma source(%dma_start3A_718 : memref<128xi32, #tpu.memory_space<hbm>>) target(%arg5 : memref<128xi32, #tpu.memory_space<vmem>>) target_semaphore(%run_scoped3A : memref<!tpu.dma_semaphore, #tpu.memory_space<semaphore_mem>>)
      %dma_wait3A_719 = tpu.memref_slice %arg2[%mul3A_24] : memref<32768xi32, #tpu.memory_space<hbm>> -> memref<128xi32, #tpu.memory_space<hbm>>
      %dma_wait3A_720 = tpu.memref_slice %arg2[%mul3A_24] : memref<32768xi32, #tpu.memory_space<hbm>> -> memref<128xi32, #tpu.memory_space<hbm>>
      tpu.wait_dma2 semaphore(%run_scoped3A : memref<!tpu.dma_semaphore, #tpu.memory_space<semaphore_mem>>) src(%dma_wait3A_720 : memref<128xi32, #tpu.memory_space<hbm>>) dst(%arg5 : memref<128xi32, #tpu.memory_space<vmem>>)
      tpu.yield
    }) : () -> ()
    %get3A = arith.constant 112 : index
    %get3A_25 = tpu.vector_load %arg5[%get3A] {strides = array<i32>} : memref<128xi32, #tpu.memory_space<vmem>>, vector<16xi32>,
    %get3A_26 = vector.shape_cast %get3A_25 : vector<16xi32> to vector<16xi32>
    %swap3A = arith.constant 0 : index
    %swap3A_27 = tpu.vector_load %arg6[%swap3A] {strides = array<i32>} : memref<128xi32, #tpu.memory_space<vmem>>, vector<16xi32>,
    %swap3A_28 = vector.shape_cast %swap3A_27 : vector<16xi32> to vector<16xi32>
    %swap3A_29 = vector.shape_cast %get3A_26 : vector<16xi32> to vector<16xi32>
    tpu.vector_store %arg6[%swap3A], %swap3A_29 {strides = array<i32>} : memref<128xi32, #tpu.memory_space<vmem>>, vector<16xi32>,
    %get3A_30 = arith.constant 96 : index
    %get3A_31 = tpu.vector_load %arg5[%get3A_30] {strides = array<i32>} : memref<128xi32, #tpu.memory_space<vmem>>, vector<16xi32>,
    %get3A_32 = vector.shape_cast %get3A_31 : vector<16xi32> to vector<16xi32>
    %swap3A_33 = arith.constant 16 : index
    %swap3A_34 = tpu.vector_load %arg6[%swap3A_33] {strides = array<i32>} : memref<128xi32, #tpu.memory_space<vmem>>, vector<16xi32>,
    %swap3A_35 = vector.shape_cast %swap3A_34 : vector<16xi32> to vector<16xi32>
    %swap3A_36 = vector.shape_cast %get3A_32 : vector<16xi32> to vector<16xi32>
    tpu.vector_store %arg6[%swap3A_33], %swap3A_36 {strides = array<i32>} : memref<128xi32, #tpu.memory_space<vmem>>, vector<16xi32>,
    %get3A_37 = arith.constant 80 : index
    %get3A_38 = tpu.vector_load %arg5[%get3A_37] {strides = array<i32>} : memref<128xi32, #tpu.memory_space<vmem>>, vector<16xi32>,
    %get3A_39 = vector.shape_cast %get3A_38 : vector<16xi32> to vector<16xi32>
    %swap3A_40 = arith.constant 32 : index
    %swap3A_41 = tpu.vector_load %arg6[%swap3A_40] {strides = array<i32>} : memref<128xi32, #tpu.memory_space<vmem>>, vector<16xi32>,
    %swap3A_42 = vector.shape_cast %swap3A_41 : vector<16xi32> to vector<16xi32>
    %swap3A_43 = vector.shape_cast %get3A_39 : vector<16xi32> to vector<16xi32>
    tpu.vector_store %arg6[%swap3A_40], %swap3A_43 {strides = array<i32>} : memref<128xi32, #tpu.memory_space<vmem>>, vector<16xi32>,
    %get3A_44 = arith.constant 64 : index
    %get3A_45 = tpu.vector_load %arg5[%get3A_44] {strides = array<i32>} : memref<128xi32, #tpu.memory_space<vmem>>, vector<16xi32>,
    %get3A_46 = vector.shape_cast %get3A_45 : vector<16xi32> to vector<16xi32>
    %swap3A_47 = arith.constant 48 : index
    %swap3A_48 = tpu.vector_load %arg6[%swap3A_47] {strides = array<i32>} : memref<128xi32, #tpu.memory_space<vmem>>, vector<16xi32>,
    %swap3A_49 = vector.shape_cast %swap3A_48 : vector<16xi32> to vector<16xi32>
    %swap3A_50 = vector.shape_cast %get3A_46 : vector<16xi32> to vector<16xi32>
    tpu.vector_store %arg6[%swap3A_47], %swap3A_50 {strides = array<i32>} : memref<128xi32, #tpu.memory_space<vmem>>, vector<16xi32>,
    %get3A_51 = arith.constant 48 : index
    %get3A_52 = tpu.vector_load %arg5[%get3A_51] {strides = array<i32>} : memref<128xi32, #tpu.memory_space<vmem>>, vector<16xi32>,
    %get3A_53 = vector.shape_cast %get3A_52 : vector<16xi32> to vector<16xi32>
    %swap3A_54 = arith.constant 64 : index
    %swap3A_55 = tpu.vector_load %arg6[%swap3A_54] {strides = array<i32>} : memref<128xi32, #tpu.memory_space<vmem>>, vector<16xi32>,
    %swap3A_56 = vector.shape_cast %swap3A_55 : vector<16xi32> to vector<16xi32>
    %swap3A_57 = vector.shape_cast %get3A_53 : vector<16xi32> to vector<16xi32>
    tpu.vector_store %arg6[%swap3A_54], %swap3A_57 {strides = array<i32>} : memref<128xi32, #tpu.memory_space<vmem>>, vector<16xi32>,
    %get3A_58 = arith.constant 32 : index
    %get3A_59 = tpu.vector_load %arg5[%get3A_58] {strides = array<i32>} : memref<128xi32, #tpu.memory_space<vmem>>, vector<16xi32>,
    %get3A_60 = vector.shape_cast %get3A_59 : vector<16xi32> to vector<16xi32>
    %swap3A_61 = arith.constant 80 : index
    %swap3A_62 = tpu.vector_load %arg6[%swap3A_61] {strides = array<i32>} : memref<128xi32, #tpu.memory_space<vmem>>, vector<16xi32>,
    %swap3A_63 = vector.shape_cast %swap3A_62 : vector<16xi32> to vector<16xi32>
    %swap3A_64 = vector.shape_cast %get3A_60 : vector<16xi32> to vector<16xi32>
    tpu.vector_store %arg6[%swap3A_61], %swap3A_64 {strides = array<i32>} : memref<128xi32, #tpu.memory_space<vmem>>, vector<16xi32>,
    %get3A_65 = arith.constant 16 : index
    %get3A_66 = tpu.vector_load %arg5[%get3A_65] {strides = array<i32>} : memref<128xi32, #tpu.memory_space<vmem>>, vector<16xi32>,
    %get3A_67 = vector.shape_cast %get3A_66 : vector<16xi32> to vector<16xi32>
    %swap3A_68 = arith.constant 96 : index
    %swap3A_69 = tpu.vector_load %arg6[%swap3A_68] {strides = array<i32>} : memref<128xi32, #tpu.memory_space<vmem>>, vector<16xi32>,
    %swap3A_70 = vector.shape_cast %swap3A_69 : vector<16xi32> to vector<16xi32>
    %swap3A_71 = vector.shape_cast %get3A_67 : vector<16xi32> to vector<16xi32>
    tpu.vector_store %arg6[%swap3A_68], %swap3A_71 {strides = array<i32>} : memref<128xi32, #tpu.memory_space<vmem>>, vector<16xi32>,
    %get3A_72 = arith.constant 0 : index
    %get3A_73 = tpu.vector_load %arg5[%get3A_72] {strides = array<i32>} : memref<128xi32, #tpu.memory_space<vmem>>, vector<16xi32>,
    %get3A_74 = vector.shape_cast %get3A_73 : vector<16xi32> to vector<16xi32>
    %swap3A_75 = arith.constant 112 : index
    %swap3A_76 = tpu.vector_load %arg6[%swap3A_75] {strides = array<i32>} : memref<128xi32, #tpu.memory_space<vmem>>, vector<16xi32>,
    %swap3A_77 = vector.shape_cast %swap3A_76 : vector<16xi32> to vector<16xi32>
    %swap3A_78 = vector.shape_cast %get3A_74 : vector<16xi32> to vector<16xi32>
    tpu.vector_store %arg6[%swap3A_75], %swap3A_78 {strides = array<i32>} : memref<128xi32, #tpu.memory_space<vmem>>, vector<16xi32>,
    %dma_start3A = arith.constant 0 : i32
    %dma_start3A_79 = arith.constant 0 : i32
    %dma_start3A_80 = tpu.memref_slice %arg3[%dma_start3A, %dma_start3A_79] : memref<100000x128xf32, #tpu.memory_space<hbm>> -> memref<100000x128xf32, #tpu.memory_space<hbm>>
    tpu.enqueue_indirect_dma source(%dma_start3A_80 : memref<100000x128xf32, #tpu.memory_space<hbm>>) target(%arg8 : memref<128x128xf32, #tpu.memory_space<vmem>>) offsets(%arg6 : memref<128xi32, #tpu.memory_space<vmem>>) semaphore(%arg10 : memref<!tpu.dma_semaphore, #tpu.memory_space<semaphore_mem>>)
    %add3A_81 = arith.constant 128 : i32
    %add3A_82 = arith.addi %mul3A_2, %add3A_81 : i32
    %add3A_83 = arith.constant 4096 : i32
    %add3A_84 = arith.addi %add3A_83, %add3A_82 : i32
    %jit3A_85 = arith.constant 16 : i32
    %div3A_86 = arith.divsi %add3A_84, %jit3A_85 : i32
    %sign3A_87 = arith.constant 0 : i32
    %sign3A_88 = arith.cmpi sgt, %add3A_84, %sign3A_87 : i32
    %sign3A_89 = arith.extui %sign3A_88 : i1 to i32
    %sign3A_90 = arith.constant 0 : i32
    %sign3A_91 = arith.cmpi slt, %add3A_84, %sign3A_90 : i32
    %sign3A_92 = arith.extui %sign3A_91 : i1 to i32
    %sign3A_93 = arith.subi %sign3A_89, %sign3A_92 : i32
    %sign3A_94 = arith.constant 0 : i32
    %sign3A_95 = arith.cmpi sgt, %jit3A_85, %sign3A_94 : i32
    %sign3A_96 = arith.extui %sign3A_95 : i1 to i32
    %sign3A_97 = arith.constant 0 : i32
    %sign3A_98 = arith.cmpi slt, %jit3A_85, %sign3A_97 : i32
    %sign3A_99 = arith.extui %sign3A_98 : i1 to i32
    %sign3A_100 = arith.subi %sign3A_96, %sign3A_99 : i32
    %ne3A_101 = arith.cmpi ne, %sign3A_93, %sign3A_100 : i32
    %rem3A_102 = arith.remsi %add3A_84, %jit3A_85 : i32
    %ne3A_103 = arith.constant 0 : i32
    %ne3A_104 = arith.cmpi ne, %rem3A_102, %ne3A_103 : i32
    %and3A_105 = arith.andi %ne3A_101, %ne3A_104 : i1
    %sub3A_106 = arith.constant 1 : i32
    %sub3A_107 = arith.subi %div3A_86, %sub3A_106 : i32
    %select_n3A_108 = arith.select %and3A_105, %sub3A_107, %div3A_86 : i32
    %sub3A_109 = arith.constant 2040 : i32
    %sub3A_110 = arith.subi %sub3A_109, %select_n3A_108 : i32
    %mul3A_111 = arith.constant 16 : i32
    %mul3A_112 = arith.muli %sub3A_110, %mul3A_111 : i32
    "tpu.region"() ({
      %run_scoped3A = tpu.sem_alloc : memref<!tpu.dma_semaphore, #tpu.memory_space<semaphore_mem>>
      %dma_start3A_717 = tpu.memref_slice %arg2[%mul3A_112] : memref<32768xi32, #tpu.memory_space<hbm>> -> memref<128xi32, #tpu.memory_space<hbm>>
      %dma_start3A_718 = tpu.memref_slice %arg2[%mul3A_112] : memref<32768xi32, #tpu.memory_space<hbm>> -> memref<128xi32, #tpu.memory_space<hbm>>
      tpu.enqueue_dma source(%dma_start3A_718 : memref<128xi32, #tpu.memory_space<hbm>>) target(%arg5 : memref<128xi32, #tpu.memory_space<vmem>>) target_semaphore(%run_scoped3A : memref<!tpu.dma_semaphore, #tpu.memory_space<semaphore_mem>>)
      %dma_wait3A_719 = tpu.memref_slice %arg2[%mul3A_112] : memref<32768xi32, #tpu.memory_space<hbm>> -> memref<128xi32, #tpu.memory_space<hbm>>
      %dma_wait3A_720 = tpu.memref_slice %arg2[%mul3A_112] : memref<32768xi32, #tpu.memory_space<hbm>> -> memref<128xi32, #tpu.memory_space<hbm>>
      tpu.wait_dma2 semaphore(%run_scoped3A : memref<!tpu.dma_semaphore, #tpu.memory_space<semaphore_mem>>) src(%dma_wait3A_720 : memref<128xi32, #tpu.memory_space<hbm>>) dst(%arg5 : memref<128xi32, #tpu.memory_space<vmem>>)
      tpu.yield
    }) : () -> ()
    %get3A_113 = arith.constant 112 : index
    %get3A_114 = tpu.vector_load %arg5[%get3A_113] {strides = array<i32>} : memref<128xi32, #tpu.memory_space<vmem>>, vector<16xi32>,
    %get3A_115 = vector.shape_cast %get3A_114 : vector<16xi32> to vector<16xi32>
    %swap3A_116 = arith.constant 0 : index
    %swap3A_117 = tpu.vector_load %arg7[%swap3A_116] {strides = array<i32>} : memref<128xi32, #tpu.memory_space<vmem>>, vector<16xi32>,
    %swap3A_118 = vector.shape_cast %swap3A_117 : vector<16xi32> to vector<16xi32>
    %swap3A_119 = vector.shape_cast %get3A_115 : vector<16xi32> to vector<16xi32>
    tpu.vector_store %arg7[%swap3A_116], %swap3A_119 {strides = array<i32>} : memref<128xi32, #tpu.memory_space<vmem>>, vector<16xi32>,
    %get3A_120 = arith.constant 96 : index
    %get3A_121 = tpu.vector_load %arg5[%get3A_120] {strides = array<i32>} : memref<128xi32, #tpu.memory_space<vmem>>, vector<16xi32>,
    %get3A_122 = vector.shape_cast %get3A_121 : vector<16xi32> to vector<16xi32>
    %swap3A_123 = arith.constant 16 : index
    %swap3A_124 = tpu.vector_load %arg7[%swap3A_123] {strides = array<i32>} : memref<128xi32, #tpu.memory_space<vmem>>, vector<16xi32>,
    %swap3A_125 = vector.shape_cast %swap3A_124 : vector<16xi32> to vector<16xi32>
    %swap3A_126 = vector.shape_cast %get3A_122 : vector<16xi32> to vector<16xi32>
    tpu.vector_store %arg7[%swap3A_123], %swap3A_126 {strides = array<i32>} : memref<128xi32, #tpu.memory_space<vmem>>, vector<16xi32>,
    %get3A_127 = arith.constant 80 : index
    %get3A_128 = tpu.vector_load %arg5[%get3A_127] {strides = array<i32>} : memref<128xi32, #tpu.memory_space<vmem>>, vector<16xi32>,
    %get3A_129 = vector.shape_cast %get3A_128 : vector<16xi32> to vector<16xi32>
    %swap3A_130 = arith.constant 32 : index
    %swap3A_131 = tpu.vector_load %arg7[%swap3A_130] {strides = array<i32>} : memref<128xi32, #tpu.memory_space<vmem>>, vector<16xi32>,
    %swap3A_132 = vector.shape_cast %swap3A_131 : vector<16xi32> to vector<16xi32>
    %swap3A_133 = vector.shape_cast %get3A_129 : vector<16xi32> to vector<16xi32>
    tpu.vector_store %arg7[%swap3A_130], %swap3A_133 {strides = array<i32>} : memref<128xi32, #tpu.memory_space<vmem>>, vector<16xi32>,
    %get3A_134 = arith.constant 64 : index
    %get3A_135 = tpu.vector_load %arg5[%get3A_134] {strides = array<i32>} : memref<128xi32, #tpu.memory_space<vmem>>, vector<16xi32>,
    %get3A_136 = vector.shape_cast %get3A_135 : vector<16xi32> to vector<16xi32>
    %swap3A_137 = arith.constant 48 : index
    %swap3A_138 = tpu.vector_load %arg7[%swap3A_137] {strides = array<i32>} : memref<128xi32, #tpu.memory_space<vmem>>, vector<16xi32>,
    %swap3A_139 = vector.shape_cast %swap3A_138 : vector<16xi32> to vector<16xi32>
    %swap3A_140 = vector.shape_cast %get3A_136 : vector<16xi32> to vector<16xi32>
    tpu.vector_store %arg7[%swap3A_137], %swap3A_140 {strides = array<i32>} : memref<128xi32, #tpu.memory_space<vmem>>, vector<16xi32>,
    %get3A_141 = arith.constant 48 : index
    %get3A_142 = tpu.vector_load %arg5[%get3A_141] {strides = array<i32>} : memref<128xi32, #tpu.memory_space<vmem>>, vector<16xi32>,
    %get3A_143 = vector.shape_cast %get3A_142 : vector<16xi32> to vector<16xi32>
    %swap3A_144 = arith.constant 64 : index
    %swap3A_145 = tpu.vector_load %arg7[%swap3A_144] {strides = array<i32>} : memref<128xi32, #tpu.memory_space<vmem>>, vector<16xi32>,
    %swap3A_146 = vector.shape_cast %swap3A_145 : vector<16xi32> to vector<16xi32>
    %swap3A_147 = vector.shape_cast %get3A_143 : vector<16xi32> to vector<16xi32>
    tpu.vector_store %arg7[%swap3A_144], %swap3A_147 {strides = array<i32>} : memref<128xi32, #tpu.memory_space<vmem>>, vector<16xi32>,
    %get3A_148 = arith.constant 32 : index
    %get3A_149 = tpu.vector_load %arg5[%get3A_148] {strides = array<i32>} : memref<128xi32, #tpu.memory_space<vmem>>, vector<16xi32>,
    %get3A_150 = vector.shape_cast %get3A_149 : vector<16xi32> to vector<16xi32>
    %swap3A_151 = arith.constant 80 : index
    %swap3A_152 = tpu.vector_load %arg7[%swap3A_151] {strides = array<i32>} : memref<128xi32, #tpu.memory_space<vmem>>, vector<16xi32>,
    %swap3A_153 = vector.shape_cast %swap3A_152 : vector<16xi32> to vector<16xi32>
    %swap3A_154 = vector.shape_cast %get3A_150 : vector<16xi32> to vector<16xi32>
    tpu.vector_store %arg7[%swap3A_151], %swap3A_154 {strides = array<i32>} : memref<128xi32, #tpu.memory_space<vmem>>, vector<16xi32>,
    %get3A_155 = arith.constant 16 : index
    %get3A_156 = tpu.vector_load %arg5[%get3A_155] {strides = array<i32>} : memref<128xi32, #tpu.memory_space<vmem>>, vector<16xi32>,
    %get3A_157 = vector.shape_cast %get3A_156 : vector<16xi32> to vector<16xi32>
    %swap3A_158 = arith.constant 96 : index
    %swap3A_159 = tpu.vector_load %arg7[%swap3A_158] {strides = array<i32>} : memref<128xi32, #tpu.memory_space<vmem>>, vector<16xi32>,
    %swap3A_160 = vector.shape_cast %swap3A_159 : vector<16xi32> to vector<16xi32>
    %swap3A_161 = vector.shape_cast %get3A_157 : vector<16xi32> to vector<16xi32>
    tpu.vector_store %arg7[%swap3A_158], %swap3A_161 {strides = array<i32>} : memref<128xi32, #tpu.memory_space<vmem>>, vector<16xi32>,
    %get3A_162 = arith.constant 0 : index
    %get3A_163 = tpu.vector_load %arg5[%get3A_162] {strides = array<i32>} : memref<128xi32, #tpu.memory_space<vmem>>, vector<16xi32>,
    %get3A_164 = vector.shape_cast %get3A_163 : vector<16xi32> to vector<16xi32>
    %swap3A_165 = arith.constant 112 : index
    %swap3A_166 = tpu.vector_load %arg7[%swap3A_165] {strides = array<i32>} : memref<128xi32, #tpu.memory_space<vmem>>, vector<16xi32>,
    %swap3A_167 = vector.shape_cast %swap3A_166 : vector<16xi32> to vector<16xi32>
    %swap3A_168 = vector.shape_cast %get3A_164 : vector<16xi32> to vector<16xi32>
    tpu.vector_store %arg7[%swap3A_165], %swap3A_168 {strides = array<i32>} : memref<128xi32, #tpu.memory_space<vmem>>, vector<16xi32>,
    %dma_start3A_169 = arith.constant 0 : i32
    %dma_start3A_170 = arith.constant 0 : i32
    %dma_start3A_171 = tpu.memref_slice %arg3[%dma_start3A_169, %dma_start3A_170] : memref<100000x128xf32, #tpu.memory_space<hbm>> -> memref<100000x128xf32, #tpu.memory_space<hbm>>
    tpu.enqueue_indirect_dma source(%dma_start3A_171 : memref<100000x128xf32, #tpu.memory_space<hbm>>) target(%arg9 : memref<128x128xf32, #tpu.memory_space<vmem>>) offsets(%arg7 : memref<128xi32, #tpu.memory_space<vmem>>) semaphore(%arg11 : memref<!tpu.dma_semaphore, #tpu.memory_space<semaphore_mem>>)
    %dma_wait3A = arith.constant 0 : i32
    %dma_wait3A_172 = arith.constant 0 : i32
    %dma_wait3A_173 = tpu.memref_slice %arg3[%dma_wait3A, %dma_wait3A_172] : memref<100000x128xf32, #tpu.memory_space<hbm>> -> memref<100000x128xf32, #tpu.memory_space<hbm>>
    tpu.wait_indirect_dma semaphore(%arg10 : memref<!tpu.dma_semaphore, #tpu.memory_space<semaphore_mem>>) src(%dma_wait3A_173 : memref<100000x128xf32, #tpu.memory_space<hbm>>) dst(%arg8 : memref<128x128xf32, #tpu.memory_space<vmem>>)
    %add3A_174 = arith.constant 0 : i32
    %add3A_175 = arith.addi %mul3A_2, %add3A_174 : i32
    %dma_start3A_176 = arith.constant 0 : i32
    %dma_start3A_177 = tpu.memref_slice %arg4[%add3A_175, %dma_start3A_176] : memref<28672x128xf32, #tpu.memory_space<hbm>> -> memref<128x128xf32, #tpu.memory_space<hbm>>
    %dma_start3A_178 = arith.constant 0 : i32
    %dma_start3A_179 = tpu.memref_slice %arg4[%add3A_175, %dma_start3A_178] : memref<28672x128xf32, #tpu.memory_space<hbm>> -> memref<128x128xf32, #tpu.memory_space<hbm>>
    tpu.enqueue_dma source(%arg8 : memref<128x128xf32, #tpu.memory_space<vmem>>) target(%dma_start3A_179 : memref<128x128xf32, #tpu.memory_space<hbm>>) target_semaphore(%arg12 : memref<!tpu.dma_semaphore, #tpu.memory_space<semaphore_mem>>)
    %add3A_180 = arith.constant 256 : i32
    %add3A_181 = arith.addi %mul3A_2, %add3A_180 : i32
    %add3A_182 = arith.constant 4096 : i32
    %add3A_183 = arith.addi %add3A_182, %add3A_181 : i32
    %jit3A_184 = arith.constant 16 : i32
    %div3A_185 = arith.divsi %add3A_183, %jit3A_184 : i32
    %sign3A_186 = arith.constant 0 : i32
    %sign3A_187 = arith.cmpi sgt, %add3A_183, %sign3A_186 : i32
    %sign3A_188 = arith.extui %sign3A_187 : i1 to i32
    %sign3A_189 = arith.constant 0 : i32
    %sign3A_190 = arith.cmpi slt, %add3A_183, %sign3A_189 : i32
    %sign3A_191 = arith.extui %sign3A_190 : i1 to i32
    %sign3A_192 = arith.subi %sign3A_188, %sign3A_191 : i32
    %sign3A_193 = arith.constant 0 : i32
    %sign3A_194 = arith.cmpi sgt, %jit3A_184, %sign3A_193 : i32
    %sign3A_195 = arith.extui %sign3A_194 : i1 to i32
    %sign3A_196 = arith.constant 0 : i32
    %sign3A_197 = arith.cmpi slt, %jit3A_184, %sign3A_196 : i32
    %sign3A_198 = arith.extui %sign3A_197 : i1 to i32
    %sign3A_199 = arith.subi %sign3A_195, %sign3A_198 : i32
    %ne3A_200 = arith.cmpi ne, %sign3A_192, %sign3A_199 : i32
    %rem3A_201 = arith.remsi %add3A_183, %jit3A_184 : i32
    %ne3A_202 = arith.constant 0 : i32
    %ne3A_203 = arith.cmpi ne, %rem3A_201, %ne3A_202 : i32
    %and3A_204 = arith.andi %ne3A_200, %ne3A_203 : i1
    %sub3A_205 = arith.constant 1 : i32
    %sub3A_206 = arith.subi %div3A_185, %sub3A_205 : i32
    %select_n3A_207 = arith.select %and3A_204, %sub3A_206, %div3A_185 : i32
    %sub3A_208 = arith.constant 2040 : i32
    %sub3A_209 = arith.subi %sub3A_208, %select_n3A_207 : i32
    %mul3A_210 = arith.constant 16 : i32
    %mul3A_211 = arith.muli %sub3A_209, %mul3A_210 : i32
    "tpu.region"() ({
      %run_scoped3A = tpu.sem_alloc : memref<!tpu.dma_semaphore, #tpu.memory_space<semaphore_mem>>
      %dma_start3A_717 = tpu.memref_slice %arg2[%mul3A_211] : memref<32768xi32, #tpu.memory_space<hbm>> -> memref<128xi32, #tpu.memory_space<hbm>>
      %dma_start3A_718 = tpu.memref_slice %arg2[%mul3A_211] : memref<32768xi32, #tpu.memory_space<hbm>> -> memref<128xi32, #tpu.memory_space<hbm>>
      tpu.enqueue_dma source(%dma_start3A_718 : memref<128xi32, #tpu.memory_space<hbm>>) target(%arg5 : memref<128xi32, #tpu.memory_space<vmem>>) target_semaphore(%run_scoped3A : memref<!tpu.dma_semaphore, #tpu.memory_space<semaphore_mem>>)
      %dma_wait3A_719 = tpu.memref_slice %arg2[%mul3A_211] : memref<32768xi32, #tpu.memory_space<hbm>> -> memref<128xi32, #tpu.memory_space<hbm>>
      %dma_wait3A_720 = tpu.memref_slice %arg2[%mul3A_211] : memref<32768xi32, #tpu.memory_space<hbm>> -> memref<128xi32, #tpu.memory_space<hbm>>
      tpu.wait_dma2 semaphore(%run_scoped3A : memref<!tpu.dma_semaphore, #tpu.memory_space<semaphore_mem>>) src(%dma_wait3A_720 : memref<128xi32, #tpu.memory_space<hbm>>) dst(%arg5 : memref<128xi32, #tpu.memory_space<vmem>>)
      tpu.yield
    }) : () -> ()
    %get3A_212 = arith.constant 112 : index
    %get3A_213 = tpu.vector_load %arg5[%get3A_212] {strides = array<i32>} : memref<128xi32, #tpu.memory_space<vmem>>, vector<16xi32>,
    %get3A_214 = vector.shape_cast %get3A_213 : vector<16xi32> to vector<16xi32>
    %swap3A_215 = arith.constant 0 : index
    %swap3A_216 = tpu.vector_load %arg6[%swap3A_215] {strides = array<i32>} : memref<128xi32, #tpu.memory_space<vmem>>, vector<16xi32>,
    %swap3A_217 = vector.shape_cast %swap3A_216 : vector<16xi32> to vector<16xi32>
    %swap3A_218 = vector.shape_cast %get3A_214 : vector<16xi32> to vector<16xi32>
    tpu.vector_store %arg6[%swap3A_215], %swap3A_218 {strides = array<i32>} : memref<128xi32, #tpu.memory_space<vmem>>, vector<16xi32>,
    %get3A_219 = arith.constant 96 : index
    %get3A_220 = tpu.vector_load %arg5[%get3A_219] {strides = array<i32>} : memref<128xi32, #tpu.memory_space<vmem>>, vector<16xi32>,
    %get3A_221 = vector.shape_cast %get3A_220 : vector<16xi32> to vector<16xi32>
    %swap3A_222 = arith.constant 16 : index
    %swap3A_223 = tpu.vector_load %arg6[%swap3A_222] {strides = array<i32>} : memref<128xi32, #tpu.memory_space<vmem>>, vector<16xi32>,
    %swap3A_224 = vector.shape_cast %swap3A_223 : vector<16xi32> to vector<16xi32>
    %swap3A_225 = vector.shape_cast %get3A_221 : vector<16xi32> to vector<16xi32>
    tpu.vector_store %arg6[%swap3A_222], %swap3A_225 {strides = array<i32>} : memref<128xi32, #tpu.memory_space<vmem>>, vector<16xi32>,
    %get3A_226 = arith.constant 80 : index
    %get3A_227 = tpu.vector_load %arg5[%get3A_226] {strides = array<i32>} : memref<128xi32, #tpu.memory_space<vmem>>, vector<16xi32>,
    %get3A_228 = vector.shape_cast %get3A_227 : vector<16xi32> to vector<16xi32>
    %swap3A_229 = arith.constant 32 : index
    %swap3A_230 = tpu.vector_load %arg6[%swap3A_229] {strides = array<i32>} : memref<128xi32, #tpu.memory_space<vmem>>, vector<16xi32>,
    %swap3A_231 = vector.shape_cast %swap3A_230 : vector<16xi32> to vector<16xi32>
    %swap3A_232 = vector.shape_cast %get3A_228 : vector<16xi32> to vector<16xi32>
    tpu.vector_store %arg6[%swap3A_229], %swap3A_232 {strides = array<i32>} : memref<128xi32, #tpu.memory_space<vmem>>, vector<16xi32>,
    %get3A_233 = arith.constant 64 : index
    %get3A_234 = tpu.vector_load %arg5[%get3A_233] {strides = array<i32>} : memref<128xi32, #tpu.memory_space<vmem>>, vector<16xi32>,
    %get3A_235 = vector.shape_cast %get3A_234 : vector<16xi32> to vector<16xi32>
    %swap3A_236 = arith.constant 48 : index
    %swap3A_237 = tpu.vector_load %arg6[%swap3A_236] {strides = array<i32>} : memref<128xi32, #tpu.memory_space<vmem>>, vector<16xi32>,
    %swap3A_238 = vector.shape_cast %swap3A_237 : vector<16xi32> to vector<16xi32>
    %swap3A_239 = vector.shape_cast %get3A_235 : vector<16xi32> to vector<16xi32>
    tpu.vector_store %arg6[%swap3A_236], %swap3A_239 {strides = array<i32>} : memref<128xi32, #tpu.memory_space<vmem>>, vector<16xi32>,
    %get3A_240 = arith.constant 48 : index
    %get3A_241 = tpu.vector_load %arg5[%get3A_240] {strides = array<i32>} : memref<128xi32, #tpu.memory_space<vmem>>, vector<16xi32>,
    %get3A_242 = vector.shape_cast %get3A_241 : vector<16xi32> to vector<16xi32>
    %swap3A_243 = arith.constant 64 : index
    %swap3A_244 = tpu.vector_load %arg6[%swap3A_243] {strides = array<i32>} : memref<128xi32, #tpu.memory_space<vmem>>, vector<16xi32>,
    %swap3A_245 = vector.shape_cast %swap3A_244 : vector<16xi32> to vector<16xi32>
    %swap3A_246 = vector.shape_cast %get3A_242 : vector<16xi32> to vector<16xi32>
    tpu.vector_store %arg6[%swap3A_243], %swap3A_246 {strides = array<i32>} : memref<128xi32, #tpu.memory_space<vmem>>, vector<16xi32>,
    %get3A_247 = arith.constant 32 : index
    %get3A_248 = tpu.vector_load %arg5[%get3A_247] {strides = array<i32>} : memref<128xi32, #tpu.memory_space<vmem>>, vector<16xi32>,
    %get3A_249 = vector.shape_cast %get3A_248 : vector<16xi32> to vector<16xi32>
    %swap3A_250 = arith.constant 80 : index
    %swap3A_251 = tpu.vector_load %arg6[%swap3A_250] {strides = array<i32>} : memref<128xi32, #tpu.memory_space<vmem>>, vector<16xi32>,
    %swap3A_252 = vector.shape_cast %swap3A_251 : vector<16xi32> to vector<16xi32>
    %swap3A_253 = vector.shape_cast %get3A_249 : vector<16xi32> to vector<16xi32>
    tpu.vector_store %arg6[%swap3A_250], %swap3A_253 {strides = array<i32>} : memref<128xi32, #tpu.memory_space<vmem>>, vector<16xi32>,
    %get3A_254 = arith.constant 16 : index
    %get3A_255 = tpu.vector_load %arg5[%get3A_254] {strides = array<i32>} : memref<128xi32, #tpu.memory_space<vmem>>, vector<16xi32>,
    %get3A_256 = vector.shape_cast %get3A_255 : vector<16xi32> to vector<16xi32>
    %swap3A_257 = arith.constant 96 : index
    %swap3A_258 = tpu.vector_load %arg6[%swap3A_257] {strides = array<i32>} : memref<128xi32, #tpu.memory_space<vmem>>, vector<16xi32>,
    %swap3A_259 = vector.shape_cast %swap3A_258 : vector<16xi32> to vector<16xi32>
    %swap3A_260 = vector.shape_cast %get3A_256 : vector<16xi32> to vector<16xi32>
    tpu.vector_store %arg6[%swap3A_257], %swap3A_260 {strides = array<i32>} : memref<128xi32, #tpu.memory_space<vmem>>, vector<16xi32>,
    %get3A_261 = arith.constant 0 : index
    %get3A_262 = tpu.vector_load %arg5[%get3A_261] {strides = array<i32>} : memref<128xi32, #tpu.memory_space<vmem>>, vector<16xi32>,
    %get3A_263 = vector.shape_cast %get3A_262 : vector<16xi32> to vector<16xi32>
    %swap3A_264 = arith.constant 112 : index
    %swap3A_265 = tpu.vector_load %arg6[%swap3A_264] {strides = array<i32>} : memref<128xi32, #tpu.memory_space<vmem>>, vector<16xi32>,
    %swap3A_266 = vector.shape_cast %swap3A_265 : vector<16xi32> to vector<16xi32>
    %swap3A_267 = vector.shape_cast %get3A_263 : vector<16xi32> to vector<16xi32>
    tpu.vector_store %arg6[%swap3A_264], %swap3A_267 {strides = array<i32>} : memref<128xi32, #tpu.memory_space<vmem>>, vector<16xi32>,
    %dma_wait3A_268 = arith.constant 0 : i32
    %dma_wait3A_269 = tpu.memref_slice %arg4[%add3A_175, %dma_wait3A_268] : memref<28672x128xf32, #tpu.memory_space<hbm>> -> memref<128x128xf32, #tpu.memory_space<hbm>>
    %dma_wait3A_270 = arith.constant 0 : i32
    %dma_wait3A_271 = tpu.memref_slice %arg4[%add3A_175, %dma_wait3A_270] : memref<28672x128xf32, #tpu.memory_space<hbm>> -> memref<128x128xf32, #tpu.memory_space<hbm>>
    tpu.wait_dma2 semaphore(%arg12 : memref<!tpu.dma_semaphore, #tpu.memory_space<semaphore_mem>>) src(%arg8 : memref<128x128xf32, #tpu.memory_space<vmem>>) dst(%dma_wait3A_271 : memref<128x128xf32, #tpu.memory_space<hbm>>)
    %dma_start3A_272 = arith.constant 0 : i32
    %dma_start3A_273 = arith.constant 0 : i32
    %dma_start3A_274 = tpu.memref_slice %arg3[%dma_start3A_272, %dma_start3A_273] : memref<100000x128xf32, #tpu.memory_space<hbm>> -> memref<100000x128xf32, #tpu.memory_space<hbm>>
    tpu.enqueue_indirect_dma source(%dma_start3A_274 : memref<100000x128xf32, #tpu.memory_space<hbm>>) target(%arg8 : memref<128x128xf32, #tpu.memory_space<vmem>>) offsets(%arg6 : memref<128xi32, #tpu.memory_space<vmem>>) semaphore(%arg10 : memref<!tpu.dma_semaphore, #tpu.memory_space<semaphore_mem>>)
    %dma_wait3A_275 = arith.constant 0 : i32
    %dma_wait3A_276 = arith.constant 0 : i32
    %dma_wait3A_277 = tpu.memref_slice %arg3[%dma_wait3A_275, %dma_wait3A_276] : memref<100000x128xf32, #tpu.memory_space<hbm>> -> memref<100000x128xf32, #tpu.memory_space<hbm>>
    tpu.wait_indirect_dma semaphore(%arg11 : memref<!tpu.dma_semaphore, #tpu.memory_space<semaphore_mem>>) src(%dma_wait3A_277 : memref<100000x128xf32, #tpu.memory_space<hbm>>) dst(%arg9 : memref<128x128xf32, #tpu.memory_space<vmem>>)
    %add3A_278 = arith.constant 128 : i32
    %add3A_279 = arith.addi %mul3A_2, %add3A_278 : i32
    %dma_start3A_280 = arith.constant 0 : i32
    %dma_start3A_281 = tpu.memref_slice %arg4[%add3A_279, %dma_start3A_280] : memref<28672x128xf32, #tpu.memory_space<hbm>> -> memref<128x128xf32, #tpu.memory_space<hbm>>
    %dma_start3A_282 = arith.constant 0 : i32
    %dma_start3A_283 = tpu.memref_slice %arg4[%add3A_279, %dma_start3A_282] : memref<28672x128xf32, #tpu.memory_space<hbm>> -> memref<128x128xf32, #tpu.memory_space<hbm>>
    tpu.enqueue_dma source(%arg9 : memref<128x128xf32, #tpu.memory_space<vmem>>) target(%dma_start3A_283 : memref<128x128xf32, #tpu.memory_space<hbm>>) target_semaphore(%arg13 : memref<!tpu.dma_semaphore, #tpu.memory_space<semaphore_mem>>)
    %add3A_284 = arith.constant 384 : i32
    %add3A_285 = arith.addi %mul3A_2, %add3A_284 : i32
    %add3A_286 = arith.constant 4096 : i32
    %add3A_287 = arith.addi %add3A_286, %add3A_285 : i32
    %jit3A_288 = arith.constant 16 : i32
    %div3A_289 = arith.divsi %add3A_287, %jit3A_288 : i32
    %sign3A_290 = arith.constant 0 : i32
    %sign3A_291 = arith.cmpi sgt, %add3A_287, %sign3A_290 : i32
    %sign3A_292 = arith.extui %sign3A_291 : i1 to i32
    %sign3A_293 = arith.constant 0 : i32
    %sign3A_294 = arith.cmpi slt, %add3A_287, %sign3A_293 : i32
    %sign3A_295 = arith.extui %sign3A_294 : i1 to i32
    %sign3A_296 = arith.subi %sign3A_292, %sign3A_295 : i32
    %sign3A_297 = arith.constant 0 : i32
    %sign3A_298 = arith.cmpi sgt, %jit3A_288, %sign3A_297 : i32
    %sign3A_299 = arith.extui %sign3A_298 : i1 to i32
    %sign3A_300 = arith.constant 0 : i32
    %sign3A_301 = arith.cmpi slt, %jit3A_288, %sign3A_300 : i32
    %sign3A_302 = arith.extui %sign3A_301 : i1 to i32
    %sign3A_303 = arith.subi %sign3A_299, %sign3A_302 : i32
    %ne3A_304 = arith.cmpi ne, %sign3A_296, %sign3A_303 : i32
    %rem3A_305 = arith.remsi %add3A_287, %jit3A_288 : i32
    %ne3A_306 = arith.constant 0 : i32
    %ne3A_307 = arith.cmpi ne, %rem3A_305, %ne3A_306 : i32
    %and3A_308 = arith.andi %ne3A_304, %ne3A_307 : i1
    %sub3A_309 = arith.constant 1 : i32
    %sub3A_310 = arith.subi %div3A_289, %sub3A_309 : i32
    %select_n3A_311 = arith.select %and3A_308, %sub3A_310, %div3A_289 : i32
    %sub3A_312 = arith.constant 2040 : i32
    %sub3A_313 = arith.subi %sub3A_312, %select_n3A_311 : i32
    %mul3A_314 = arith.constant 16 : i32
    %mul3A_315 = arith.muli %sub3A_313, %mul3A_314 : i32
    "tpu.region"() ({
      %run_scoped3A = tpu.sem_alloc : memref<!tpu.dma_semaphore, #tpu.memory_space<semaphore_mem>>
      %dma_start3A_717 = tpu.memref_slice %arg2[%mul3A_315] : memref<32768xi32, #tpu.memory_space<hbm>> -> memref<128xi32, #tpu.memory_space<hbm>>
      %dma_start3A_718 = tpu.memref_slice %arg2[%mul3A_315] : memref<32768xi32, #tpu.memory_space<hbm>> -> memref<128xi32, #tpu.memory_space<hbm>>
      tpu.enqueue_dma source(%dma_start3A_718 : memref<128xi32, #tpu.memory_space<hbm>>) target(%arg5 : memref<128xi32, #tpu.memory_space<vmem>>) target_semaphore(%run_scoped3A : memref<!tpu.dma_semaphore, #tpu.memory_space<semaphore_mem>>)
      %dma_wait3A_719 = tpu.memref_slice %arg2[%mul3A_315] : memref<32768xi32, #tpu.memory_space<hbm>> -> memref<128xi32, #tpu.memory_space<hbm>>
      %dma_wait3A_720 = tpu.memref_slice %arg2[%mul3A_315] : memref<32768xi32, #tpu.memory_space<hbm>> -> memref<128xi32, #tpu.memory_space<hbm>>
      tpu.wait_dma2 semaphore(%run_scoped3A : memref<!tpu.dma_semaphore, #tpu.memory_space<semaphore_mem>>) src(%dma_wait3A_720 : memref<128xi32, #tpu.memory_space<hbm>>) dst(%arg5 : memref<128xi32, #tpu.memory_space<vmem>>)
      tpu.yield
    }) : () -> ()
    %get3A_316 = arith.constant 112 : index
    %get3A_317 = tpu.vector_load %arg5[%get3A_316] {strides = array<i32>} : memref<128xi32, #tpu.memory_space<vmem>>, vector<16xi32>,
    %get3A_318 = vector.shape_cast %get3A_317 : vector<16xi32> to vector<16xi32>
    %swap3A_319 = arith.constant 0 : index
    %swap3A_320 = tpu.vector_load %arg7[%swap3A_319] {strides = array<i32>} : memref<128xi32, #tpu.memory_space<vmem>>, vector<16xi32>,
    %swap3A_321 = vector.shape_cast %swap3A_320 : vector<16xi32> to vector<16xi32>
    %swap3A_322 = vector.shape_cast %get3A_318 : vector<16xi32> to vector<16xi32>
    tpu.vector_store %arg7[%swap3A_319], %swap3A_322 {strides = array<i32>} : memref<128xi32, #tpu.memory_space<vmem>>, vector<16xi32>,
    %get3A_323 = arith.constant 96 : index
    %get3A_324 = tpu.vector_load %arg5[%get3A_323] {strides = array<i32>} : memref<128xi32, #tpu.memory_space<vmem>>, vector<16xi32>,
    %get3A_325 = vector.shape_cast %get3A_324 : vector<16xi32> to vector<16xi32>
    %swap3A_326 = arith.constant 16 : index
    %swap3A_327 = tpu.vector_load %arg7[%swap3A_326] {strides = array<i32>} : memref<128xi32, #tpu.memory_space<vmem>>, vector<16xi32>,
    %swap3A_328 = vector.shape_cast %swap3A_327 : vector<16xi32> to vector<16xi32>
    %swap3A_329 = vector.shape_cast %get3A_325 : vector<16xi32> to vector<16xi32>
    tpu.vector_store %arg7[%swap3A_326], %swap3A_329 {strides = array<i32>} : memref<128xi32, #tpu.memory_space<vmem>>, vector<16xi32>,
    %get3A_330 = arith.constant 80 : index
    %get3A_331 = tpu.vector_load %arg5[%get3A_330] {strides = array<i32>} : memref<128xi32, #tpu.memory_space<vmem>>, vector<16xi32>,
    %get3A_332 = vector.shape_cast %get3A_331 : vector<16xi32> to vector<16xi32>
    %swap3A_333 = arith.constant 32 : index
    %swap3A_334 = tpu.vector_load %arg7[%swap3A_333] {strides = array<i32>} : memref<128xi32, #tpu.memory_space<vmem>>, vector<16xi32>,
    %swap3A_335 = vector.shape_cast %swap3A_334 : vector<16xi32> to vector<16xi32>
    %swap3A_336 = vector.shape_cast %get3A_332 : vector<16xi32> to vector<16xi32>
    tpu.vector_store %arg7[%swap3A_333], %swap3A_336 {strides = array<i32>} : memref<128xi32, #tpu.memory_space<vmem>>, vector<16xi32>,
    %get3A_337 = arith.constant 64 : index
    %get3A_338 = tpu.vector_load %arg5[%get3A_337] {strides = array<i32>} : memref<128xi32, #tpu.memory_space<vmem>>, vector<16xi32>,
    %get3A_339 = vector.shape_cast %get3A_338 : vector<16xi32> to vector<16xi32>
    %swap3A_340 = arith.constant 48 : index
    %swap3A_341 = tpu.vector_load %arg7[%swap3A_340] {strides = array<i32>} : memref<128xi32, #tpu.memory_space<vmem>>, vector<16xi32>,
    %swap3A_342 = vector.shape_cast %swap3A_341 : vector<16xi32> to vector<16xi32>
    %swap3A_343 = vector.shape_cast %get3A_339 : vector<16xi32> to vector<16xi32>
    tpu.vector_store %arg7[%swap3A_340], %swap3A_343 {strides = array<i32>} : memref<128xi32, #tpu.memory_space<vmem>>, vector<16xi32>,
    %get3A_344 = arith.constant 48 : index
    %get3A_345 = tpu.vector_load %arg5[%get3A_344] {strides = array<i32>} : memref<128xi32, #tpu.memory_space<vmem>>, vector<16xi32>,
    %get3A_346 = vector.shape_cast %get3A_345 : vector<16xi32> to vector<16xi32>
    %swap3A_347 = arith.constant 64 : index
    %swap3A_348 = tpu.vector_load %arg7[%swap3A_347] {strides = array<i32>} : memref<128xi32, #tpu.memory_space<vmem>>, vector<16xi32>,
    %swap3A_349 = vector.shape_cast %swap3A_348 : vector<16xi32> to vector<16xi32>
    %swap3A_350 = vector.shape_cast %get3A_346 : vector<16xi32> to vector<16xi32>
    tpu.vector_store %arg7[%swap3A_347], %swap3A_350 {strides = array<i32>} : memref<128xi32, #tpu.memory_space<vmem>>, vector<16xi32>,
    %get3A_351 = arith.constant 32 : index
    %get3A_352 = tpu.vector_load %arg5[%get3A_351] {strides = array<i32>} : memref<128xi32, #tpu.memory_space<vmem>>, vector<16xi32>,
    %get3A_353 = vector.shape_cast %get3A_352 : vector<16xi32> to vector<16xi32>
    %swap3A_354 = arith.constant 80 : index
    %swap3A_355 = tpu.vector_load %arg7[%swap3A_354] {strides = array<i32>} : memref<128xi32, #tpu.memory_space<vmem>>, vector<16xi32>,
    %swap3A_356 = vector.shape_cast %swap3A_355 : vector<16xi32> to vector<16xi32>
    %swap3A_357 = vector.shape_cast %get3A_353 : vector<16xi32> to vector<16xi32>
    tpu.vector_store %arg7[%swap3A_354], %swap3A_357 {strides = array<i32>} : memref<128xi32, #tpu.memory_space<vmem>>, vector<16xi32>,
    %get3A_358 = arith.constant 16 : index
    %get3A_359 = tpu.vector_load %arg5[%get3A_358] {strides = array<i32>} : memref<128xi32, #tpu.memory_space<vmem>>, vector<16xi32>,
    %get3A_360 = vector.shape_cast %get3A_359 : vector<16xi32> to vector<16xi32>
    %swap3A_361 = arith.constant 96 : index
    %swap3A_362 = tpu.vector_load %arg7[%swap3A_361] {strides = array<i32>} : memref<128xi32, #tpu.memory_space<vmem>>, vector<16xi32>,
    %swap3A_363 = vector.shape_cast %swap3A_362 : vector<16xi32> to vector<16xi32>
    %swap3A_364 = vector.shape_cast %get3A_360 : vector<16xi32> to vector<16xi32>
    tpu.vector_store %arg7[%swap3A_361], %swap3A_364 {strides = array<i32>} : memref<128xi32, #tpu.memory_space<vmem>>, vector<16xi32>,
    %get3A_365 = arith.constant 0 : index
    %get3A_366 = tpu.vector_load %arg5[%get3A_365] {strides = array<i32>} : memref<128xi32, #tpu.memory_space<vmem>>, vector<16xi32>,
    %get3A_367 = vector.shape_cast %get3A_366 : vector<16xi32> to vector<16xi32>
    %swap3A_368 = arith.constant 112 : index
    %swap3A_369 = tpu.vector_load %arg7[%swap3A_368] {strides = array<i32>} : memref<128xi32, #tpu.memory_space<vmem>>, vector<16xi32>,
    %swap3A_370 = vector.shape_cast %swap3A_369 : vector<16xi32> to vector<16xi32>
    %swap3A_371 = vector.shape_cast %get3A_367 : vector<16xi32> to vector<16xi32>
    tpu.vector_store %arg7[%swap3A_368], %swap3A_371 {strides = array<i32>} : memref<128xi32, #tpu.memory_space<vmem>>, vector<16xi32>,
    %dma_wait3A_372 = arith.constant 0 : i32
    %dma_wait3A_373 = tpu.memref_slice %arg4[%add3A_279, %dma_wait3A_372] : memref<28672x128xf32, #tpu.memory_space<hbm>> -> memref<128x128xf32, #tpu.memory_space<hbm>>
    %dma_wait3A_374 = arith.constant 0 : i32
    %dma_wait3A_375 = tpu.memref_slice %arg4[%add3A_279, %dma_wait3A_374] : memref<28672x128xf32, #tpu.memory_space<hbm>> -> memref<128x128xf32, #tpu.memory_space<hbm>>
    tpu.wait_dma2 semaphore(%arg13 : memref<!tpu.dma_semaphore, #tpu.memory_space<semaphore_mem>>) src(%arg9 : memref<128x128xf32, #tpu.memory_space<vmem>>) dst(%dma_wait3A_375 : memref<128x128xf32, #tpu.memory_space<hbm>>)
    %dma_start3A_376 = arith.constant 0 : i32
    %dma_start3A_377 = arith.constant 0 : i32
    %dma_start3A_378 = tpu.memref_slice %arg3[%dma_start3A_376, %dma_start3A_377] : memref<100000x128xf32, #tpu.memory_space<hbm>> -> memref<100000x128xf32, #tpu.memory_space<hbm>>
    tpu.enqueue_indirect_dma source(%dma_start3A_378 : memref<100000x128xf32, #tpu.memory_space<hbm>>) target(%arg9 : memref<128x128xf32, #tpu.memory_space<vmem>>) offsets(%arg7 : memref<128xi32, #tpu.memory_space<vmem>>) semaphore(%arg11 : memref<!tpu.dma_semaphore, #tpu.memory_space<semaphore_mem>>)
    %dma_wait3A_379 = arith.constant 0 : i32
    %dma_wait3A_380 = arith.constant 0 : i32
    %dma_wait3A_381 = tpu.memref_slice %arg3[%dma_wait3A_379, %dma_wait3A_380] : memref<100000x128xf32, #tpu.memory_space<hbm>> -> memref<100000x128xf32, #tpu.memory_space<hbm>>
    tpu.wait_indirect_dma semaphore(%arg10 : memref<!tpu.dma_semaphore, #tpu.memory_space<semaphore_mem>>) src(%dma_wait3A_381 : memref<100000x128xf32, #tpu.memory_space<hbm>>) dst(%arg8 : memref<128x128xf32, #tpu.memory_space<vmem>>)
    %add3A_382 = arith.constant 256 : i32
    %add3A_383 = arith.addi %mul3A_2, %add3A_382 : i32
    %dma_start3A_384 = arith.constant 0 : i32
    %dma_start3A_385 = tpu.memref_slice %arg4[%add3A_383, %dma_start3A_384] : memref<28672x128xf32, #tpu.memory_space<hbm>> -> memref<128x128xf32, #tpu.memory_space<hbm>>
    %dma_start3A_386 = arith.constant 0 : i32
    %dma_start3A_387 = tpu.memref_slice %arg4[%add3A_383, %dma_start3A_386] : memref<28672x128xf32, #tpu.memory_space<hbm>> -> memref<128x128xf32, #tpu.memory_space<hbm>>
    tpu.enqueue_dma source(%arg8 : memref<128x128xf32, #tpu.memory_space<vmem>>) target(%dma_start3A_387 : memref<128x128xf32, #tpu.memory_space<hbm>>) target_semaphore(%arg12 : memref<!tpu.dma_semaphore, #tpu.memory_space<semaphore_mem>>)
    %add3A_388 = arith.constant 512 : i32
    %add3A_389 = arith.addi %mul3A_2, %add3A_388 : i32
    %add3A_390 = arith.constant 4096 : i32
    %add3A_391 = arith.addi %add3A_390, %add3A_389 : i32
    %jit3A_392 = arith.constant 16 : i32
    %div3A_393 = arith.divsi %add3A_391, %jit3A_392 : i32
    %sign3A_394 = arith.constant 0 : i32
    %sign3A_395 = arith.cmpi sgt, %add3A_391, %sign3A_394 : i32
    %sign3A_396 = arith.extui %sign3A_395 : i1 to i32
    %sign3A_397 = arith.constant 0 : i32
    %sign3A_398 = arith.cmpi slt, %add3A_391, %sign3A_397 : i32
    %sign3A_399 = arith.extui %sign3A_398 : i1 to i32
    %sign3A_400 = arith.subi %sign3A_396, %sign3A_399 : i32
    %sign3A_401 = arith.constant 0 : i32
    %sign3A_402 = arith.cmpi sgt, %jit3A_392, %sign3A_401 : i32
    %sign3A_403 = arith.extui %sign3A_402 : i1 to i32
    %sign3A_404 = arith.constant 0 : i32
    %sign3A_405 = arith.cmpi slt, %jit3A_392, %sign3A_404 : i32
    %sign3A_406 = arith.extui %sign3A_405 : i1 to i32
    %sign3A_407 = arith.subi %sign3A_403, %sign3A_406 : i32
    %ne3A_408 = arith.cmpi ne, %sign3A_400, %sign3A_407 : i32
    %rem3A_409 = arith.remsi %add3A_391, %jit3A_392 : i32
    %ne3A_410 = arith.constant 0 : i32
    %ne3A_411 = arith.cmpi ne, %rem3A_409, %ne3A_410 : i32
    %and3A_412 = arith.andi %ne3A_408, %ne3A_411 : i1
    %sub3A_413 = arith.constant 1 : i32
    %sub3A_414 = arith.subi %div3A_393, %sub3A_413 : i32
    %select_n3A_415 = arith.select %and3A_412, %sub3A_414, %div3A_393 : i32
    %sub3A_416 = arith.constant 2040 : i32
    %sub3A_417 = arith.subi %sub3A_416, %select_n3A_415 : i32
    %mul3A_418 = arith.constant 16 : i32
    %mul3A_419 = arith.muli %sub3A_417, %mul3A_418 : i32
    "tpu.region"() ({
      %run_scoped3A = tpu.sem_alloc : memref<!tpu.dma_semaphore, #tpu.memory_space<semaphore_mem>>
      %dma_start3A_717 = tpu.memref_slice %arg2[%mul3A_419] : memref<32768xi32, #tpu.memory_space<hbm>> -> memref<128xi32, #tpu.memory_space<hbm>>
      %dma_start3A_718 = tpu.memref_slice %arg2[%mul3A_419] : memref<32768xi32, #tpu.memory_space<hbm>> -> memref<128xi32, #tpu.memory_space<hbm>>
      tpu.enqueue_dma source(%dma_start3A_718 : memref<128xi32, #tpu.memory_space<hbm>>) target(%arg5 : memref<128xi32, #tpu.memory_space<vmem>>) target_semaphore(%run_scoped3A : memref<!tpu.dma_semaphore, #tpu.memory_space<semaphore_mem>>)
      %dma_wait3A_719 = tpu.memref_slice %arg2[%mul3A_419] : memref<32768xi32, #tpu.memory_space<hbm>> -> memref<128xi32, #tpu.memory_space<hbm>>
      %dma_wait3A_720 = tpu.memref_slice %arg2[%mul3A_419] : memref<32768xi32, #tpu.memory_space<hbm>> -> memref<128xi32, #tpu.memory_space<hbm>>
      tpu.wait_dma2 semaphore(%run_scoped3A : memref<!tpu.dma_semaphore, #tpu.memory_space<semaphore_mem>>) src(%dma_wait3A_720 : memref<128xi32, #tpu.memory_space<hbm>>) dst(%arg5 : memref<128xi32, #tpu.memory_space<vmem>>)
      tpu.yield
    }) : () -> ()
    %get3A_420 = arith.constant 112 : index
    %get3A_421 = tpu.vector_load %arg5[%get3A_420] {strides = array<i32>} : memref<128xi32, #tpu.memory_space<vmem>>, vector<16xi32>,
    %get3A_422 = vector.shape_cast %get3A_421 : vector<16xi32> to vector<16xi32>
    %swap3A_423 = arith.constant 0 : index
    %swap3A_424 = tpu.vector_load %arg6[%swap3A_423] {strides = array<i32>} : memref<128xi32, #tpu.memory_space<vmem>>, vector<16xi32>,
    %swap3A_425 = vector.shape_cast %swap3A_424 : vector<16xi32> to vector<16xi32>
    %swap3A_426 = vector.shape_cast %get3A_422 : vector<16xi32> to vector<16xi32>
    tpu.vector_store %arg6[%swap3A_423], %swap3A_426 {strides = array<i32>} : memref<128xi32, #tpu.memory_space<vmem>>, vector<16xi32>,
    %get3A_427 = arith.constant 96 : index
    %get3A_428 = tpu.vector_load %arg5[%get3A_427] {strides = array<i32>} : memref<128xi32, #tpu.memory_space<vmem>>, vector<16xi32>,
    %get3A_429 = vector.shape_cast %get3A_428 : vector<16xi32> to vector<16xi32>
    %swap3A_430 = arith.constant 16 : index
    %swap3A_431 = tpu.vector_load %arg6[%swap3A_430] {strides = array<i32>} : memref<128xi32, #tpu.memory_space<vmem>>, vector<16xi32>,
    %swap3A_432 = vector.shape_cast %swap3A_431 : vector<16xi32> to vector<16xi32>
    %swap3A_433 = vector.shape_cast %get3A_429 : vector<16xi32> to vector<16xi32>
    tpu.vector_store %arg6[%swap3A_430], %swap3A_433 {strides = array<i32>} : memref<128xi32, #tpu.memory_space<vmem>>, vector<16xi32>,
    %get3A_434 = arith.constant 80 : index
    %get3A_435 = tpu.vector_load %arg5[%get3A_434] {strides = array<i32>} : memref<128xi32, #tpu.memory_space<vmem>>, vector<16xi32>,
    %get3A_436 = vector.shape_cast %get3A_435 : vector<16xi32> to vector<16xi32>
    %swap3A_437 = arith.constant 32 : index
    %swap3A_438 = tpu.vector_load %arg6[%swap3A_437] {strides = array<i32>} : memref<128xi32, #tpu.memory_space<vmem>>, vector<16xi32>,
    %swap3A_439 = vector.shape_cast %swap3A_438 : vector<16xi32> to vector<16xi32>
    %swap3A_440 = vector.shape_cast %get3A_436 : vector<16xi32> to vector<16xi32>
    tpu.vector_store %arg6[%swap3A_437], %swap3A_440 {strides = array<i32>} : memref<128xi32, #tpu.memory_space<vmem>>, vector<16xi32>,
    %get3A_441 = arith.constant 64 : index
    %get3A_442 = tpu.vector_load %arg5[%get3A_441] {strides = array<i32>} : memref<128xi32, #tpu.memory_space<vmem>>, vector<16xi32>,
    %get3A_443 = vector.shape_cast %get3A_442 : vector<16xi32> to vector<16xi32>
    %swap3A_444 = arith.constant 48 : index
    %swap3A_445 = tpu.vector_load %arg6[%swap3A_444] {strides = array<i32>} : memref<128xi32, #tpu.memory_space<vmem>>, vector<16xi32>,
    %swap3A_446 = vector.shape_cast %swap3A_445 : vector<16xi32> to vector<16xi32>
    %swap3A_447 = vector.shape_cast %get3A_443 : vector<16xi32> to vector<16xi32>
    tpu.vector_store %arg6[%swap3A_444], %swap3A_447 {strides = array<i32>} : memref<128xi32, #tpu.memory_space<vmem>>, vector<16xi32>,
    %get3A_448 = arith.constant 48 : index
    %get3A_449 = tpu.vector_load %arg5[%get3A_448] {strides = array<i32>} : memref<128xi32, #tpu.memory_space<vmem>>, vector<16xi32>,
    %get3A_450 = vector.shape_cast %get3A_449 : vector<16xi32> to vector<16xi32>
    %swap3A_451 = arith.constant 64 : index
    %swap3A_452 = tpu.vector_load %arg6[%swap3A_451] {strides = array<i32>} : memref<128xi32, #tpu.memory_space<vmem>>, vector<16xi32>,
    %swap3A_453 = vector.shape_cast %swap3A_452 : vector<16xi32> to vector<16xi32>
    %swap3A_454 = vector.shape_cast %get3A_450 : vector<16xi32> to vector<16xi32>
    tpu.vector_store %arg6[%swap3A_451], %swap3A_454 {strides = array<i32>} : memref<128xi32, #tpu.memory_space<vmem>>, vector<16xi32>,
    %get3A_455 = arith.constant 32 : index
    %get3A_456 = tpu.vector_load %arg5[%get3A_455] {strides = array<i32>} : memref<128xi32, #tpu.memory_space<vmem>>, vector<16xi32>,
    %get3A_457 = vector.shape_cast %get3A_456 : vector<16xi32> to vector<16xi32>
    %swap3A_458 = arith.constant 80 : index
    %swap3A_459 = tpu.vector_load %arg6[%swap3A_458] {strides = array<i32>} : memref<128xi32, #tpu.memory_space<vmem>>, vector<16xi32>,
    %swap3A_460 = vector.shape_cast %swap3A_459 : vector<16xi32> to vector<16xi32>
    %swap3A_461 = vector.shape_cast %get3A_457 : vector<16xi32> to vector<16xi32>
    tpu.vector_store %arg6[%swap3A_458], %swap3A_461 {strides = array<i32>} : memref<128xi32, #tpu.memory_space<vmem>>, vector<16xi32>,
    %get3A_462 = arith.constant 16 : index
    %get3A_463 = tpu.vector_load %arg5[%get3A_462] {strides = array<i32>} : memref<128xi32, #tpu.memory_space<vmem>>, vector<16xi32>,
    %get3A_464 = vector.shape_cast %get3A_463 : vector<16xi32> to vector<16xi32>
    %swap3A_465 = arith.constant 96 : index
    %swap3A_466 = tpu.vector_load %arg6[%swap3A_465] {strides = array<i32>} : memref<128xi32, #tpu.memory_space<vmem>>, vector<16xi32>,
    %swap3A_467 = vector.shape_cast %swap3A_466 : vector<16xi32> to vector<16xi32>
    %swap3A_468 = vector.shape_cast %get3A_464 : vector<16xi32> to vector<16xi32>
    tpu.vector_store %arg6[%swap3A_465], %swap3A_468 {strides = array<i32>} : memref<128xi32, #tpu.memory_space<vmem>>, vector<16xi32>,
    %get3A_469 = arith.constant 0 : index
    %get3A_470 = tpu.vector_load %arg5[%get3A_469] {strides = array<i32>} : memref<128xi32, #tpu.memory_space<vmem>>, vector<16xi32>,
    %get3A_471 = vector.shape_cast %get3A_470 : vector<16xi32> to vector<16xi32>
    %swap3A_472 = arith.constant 112 : index
    %swap3A_473 = tpu.vector_load %arg6[%swap3A_472] {strides = array<i32>} : memref<128xi32, #tpu.memory_space<vmem>>, vector<16xi32>,
    %swap3A_474 = vector.shape_cast %swap3A_473 : vector<16xi32> to vector<16xi32>
    %swap3A_475 = vector.shape_cast %get3A_471 : vector<16xi32> to vector<16xi32>
    tpu.vector_store %arg6[%swap3A_472], %swap3A_475 {strides = array<i32>} : memref<128xi32, #tpu.memory_space<vmem>>, vector<16xi32>,
    %dma_wait3A_476 = arith.constant 0 : i32
    %dma_wait3A_477 = tpu.memref_slice %arg4[%add3A_383, %dma_wait3A_476] : memref<28672x128xf32, #tpu.memory_space<hbm>> -> memref<128x128xf32, #tpu.memory_space<hbm>>
    %dma_wait3A_478 = arith.constant 0 : i32
    %dma_wait3A_479 = tpu.memref_slice %arg4[%add3A_383, %dma_wait3A_478] : memref<28672x128xf32, #tpu.memory_space<hbm>> -> memref<128x128xf32, #tpu.memory_space<hbm>>
    tpu.wait_dma2 semaphore(%arg12 : memref<!tpu.dma_semaphore, #tpu.memory_space<semaphore_mem>>) src(%arg8 : memref<128x128xf32, #tpu.memory_space<vmem>>) dst(%dma_wait3A_479 : memref<128x128xf32, #tpu.memory_space<hbm>>)
    %dma_start3A_480 = arith.constant 0 : i32
    %dma_start3A_481 = arith.constant 0 : i32
    %dma_start3A_482 = tpu.memref_slice %arg3[%dma_start3A_480, %dma_start3A_481] : memref<100000x128xf32, #tpu.memory_space<hbm>> -> memref<100000x128xf32, #tpu.memory_space<hbm>>
    tpu.enqueue_indirect_dma source(%dma_start3A_482 : memref<100000x128xf32, #tpu.memory_space<hbm>>) target(%arg8 : memref<128x128xf32, #tpu.memory_space<vmem>>) offsets(%arg6 : memref<128xi32, #tpu.memory_space<vmem>>) semaphore(%arg10 : memref<!tpu.dma_semaphore, #tpu.memory_space<semaphore_mem>>)
    %dma_wait3A_483 = arith.constant 0 : i32
    %dma_wait3A_484 = arith.constant 0 : i32
    %dma_wait3A_485 = tpu.memref_slice %arg3[%dma_wait3A_483, %dma_wait3A_484] : memref<100000x128xf32, #tpu.memory_space<hbm>> -> memref<100000x128xf32, #tpu.memory_space<hbm>>
    tpu.wait_indirect_dma semaphore(%arg11 : memref<!tpu.dma_semaphore, #tpu.memory_space<semaphore_mem>>) src(%dma_wait3A_485 : memref<100000x128xf32, #tpu.memory_space<hbm>>) dst(%arg9 : memref<128x128xf32, #tpu.memory_space<vmem>>)
    %add3A_486 = arith.constant 384 : i32
    %add3A_487 = arith.addi %mul3A_2, %add3A_486 : i32
    %dma_start3A_488 = arith.constant 0 : i32
    %dma_start3A_489 = tpu.memref_slice %arg4[%add3A_487, %dma_start3A_488] : memref<28672x128xf32, #tpu.memory_space<hbm>> -> memref<128x128xf32, #tpu.memory_space<hbm>>
    %dma_start3A_490 = arith.constant 0 : i32
    %dma_start3A_491 = tpu.memref_slice %arg4[%add3A_487, %dma_start3A_490] : memref<28672x128xf32, #tpu.memory_space<hbm>> -> memref<128x128xf32, #tpu.memory_space<hbm>>
    tpu.enqueue_dma source(%arg9 : memref<128x128xf32, #tpu.memory_space<vmem>>) target(%dma_start3A_491 : memref<128x128xf32, #tpu.memory_space<hbm>>) target_semaphore(%arg13 : memref<!tpu.dma_semaphore, #tpu.memory_space<semaphore_mem>>)
    %add3A_492 = arith.constant 640 : i32
    %add3A_493 = arith.addi %mul3A_2, %add3A_492 : i32
    %add3A_494 = arith.constant 4096 : i32
    %add3A_495 = arith.addi %add3A_494, %add3A_493 : i32
    %jit3A_496 = arith.constant 16 : i32
    %div3A_497 = arith.divsi %add3A_495, %jit3A_496 : i32
    %sign3A_498 = arith.constant 0 : i32
    %sign3A_499 = arith.cmpi sgt, %add3A_495, %sign3A_498 : i32
    %sign3A_500 = arith.extui %sign3A_499 : i1 to i32
    %sign3A_501 = arith.constant 0 : i32
    %sign3A_502 = arith.cmpi slt, %add3A_495, %sign3A_501 : i32
    %sign3A_503 = arith.extui %sign3A_502 : i1 to i32
    %sign3A_504 = arith.subi %sign3A_500, %sign3A_503 : i32
    %sign3A_505 = arith.constant 0 : i32
    %sign3A_506 = arith.cmpi sgt, %jit3A_496, %sign3A_505 : i32
    %sign3A_507 = arith.extui %sign3A_506 : i1 to i32
    %sign3A_508 = arith.constant 0 : i32
    %sign3A_509 = arith.cmpi slt, %jit3A_496, %sign3A_508 : i32
    %sign3A_510 = arith.extui %sign3A_509 : i1 to i32
    %sign3A_511 = arith.subi %sign3A_507, %sign3A_510 : i32
    %ne3A_512 = arith.cmpi ne, %sign3A_504, %sign3A_511 : i32
    %rem3A_513 = arith.remsi %add3A_495, %jit3A_496 : i32
    %ne3A_514 = arith.constant 0 : i32
    %ne3A_515 = arith.cmpi ne, %rem3A_513, %ne3A_514 : i32
    %and3A_516 = arith.andi %ne3A_512, %ne3A_515 : i1
    %sub3A_517 = arith.constant 1 : i32
    %sub3A_518 = arith.subi %div3A_497, %sub3A_517 : i32
    %select_n3A_519 = arith.select %and3A_516, %sub3A_518, %div3A_497 : i32
    %sub3A_520 = arith.constant 2040 : i32
    %sub3A_521 = arith.subi %sub3A_520, %select_n3A_519 : i32
    %mul3A_522 = arith.constant 16 : i32
    %mul3A_523 = arith.muli %sub3A_521, %mul3A_522 : i32
    "tpu.region"() ({
      %run_scoped3A = tpu.sem_alloc : memref<!tpu.dma_semaphore, #tpu.memory_space<semaphore_mem>>
      %dma_start3A_717 = tpu.memref_slice %arg2[%mul3A_523] : memref<32768xi32, #tpu.memory_space<hbm>> -> memref<128xi32, #tpu.memory_space<hbm>>
      %dma_start3A_718 = tpu.memref_slice %arg2[%mul3A_523] : memref<32768xi32, #tpu.memory_space<hbm>> -> memref<128xi32, #tpu.memory_space<hbm>>
      tpu.enqueue_dma source(%dma_start3A_718 : memref<128xi32, #tpu.memory_space<hbm>>) target(%arg5 : memref<128xi32, #tpu.memory_space<vmem>>) target_semaphore(%run_scoped3A : memref<!tpu.dma_semaphore, #tpu.memory_space<semaphore_mem>>)
      %dma_wait3A_719 = tpu.memref_slice %arg2[%mul3A_523] : memref<32768xi32, #tpu.memory_space<hbm>> -> memref<128xi32, #tpu.memory_space<hbm>>
      %dma_wait3A_720 = tpu.memref_slice %arg2[%mul3A_523] : memref<32768xi32, #tpu.memory_space<hbm>> -> memref<128xi32, #tpu.memory_space<hbm>>
      tpu.wait_dma2 semaphore(%run_scoped3A : memref<!tpu.dma_semaphore, #tpu.memory_space<semaphore_mem>>) src(%dma_wait3A_720 : memref<128xi32, #tpu.memory_space<hbm>>) dst(%arg5 : memref<128xi32, #tpu.memory_space<vmem>>)
      tpu.yield
    }) : () -> ()
    %get3A_524 = arith.constant 112 : index
    %get3A_525 = tpu.vector_load %arg5[%get3A_524] {strides = array<i32>} : memref<128xi32, #tpu.memory_space<vmem>>, vector<16xi32>,
    %get3A_526 = vector.shape_cast %get3A_525 : vector<16xi32> to vector<16xi32>
    %swap3A_527 = arith.constant 0 : index
    %swap3A_528 = tpu.vector_load %arg7[%swap3A_527] {strides = array<i32>} : memref<128xi32, #tpu.memory_space<vmem>>, vector<16xi32>,
    %swap3A_529 = vector.shape_cast %swap3A_528 : vector<16xi32> to vector<16xi32>
    %swap3A_530 = vector.shape_cast %get3A_526 : vector<16xi32> to vector<16xi32>
    tpu.vector_store %arg7[%swap3A_527], %swap3A_530 {strides = array<i32>} : memref<128xi32, #tpu.memory_space<vmem>>, vector<16xi32>,
    %get3A_531 = arith.constant 96 : index
    %get3A_532 = tpu.vector_load %arg5[%get3A_531] {strides = array<i32>} : memref<128xi32, #tpu.memory_space<vmem>>, vector<16xi32>,
    %get3A_533 = vector.shape_cast %get3A_532 : vector<16xi32> to vector<16xi32>
    %swap3A_534 = arith.constant 16 : index
    %swap3A_535 = tpu.vector_load %arg7[%swap3A_534] {strides = array<i32>} : memref<128xi32, #tpu.memory_space<vmem>>, vector<16xi32>,
    %swap3A_536 = vector.shape_cast %swap3A_535 : vector<16xi32> to vector<16xi32>
    %swap3A_537 = vector.shape_cast %get3A_533 : vector<16xi32> to vector<16xi32>
    tpu.vector_store %arg7[%swap3A_534], %swap3A_537 {strides = array<i32>} : memref<128xi32, #tpu.memory_space<vmem>>, vector<16xi32>,
    %get3A_538 = arith.constant 80 : index
    %get3A_539 = tpu.vector_load %arg5[%get3A_538] {strides = array<i32>} : memref<128xi32, #tpu.memory_space<vmem>>, vector<16xi32>,
    %get3A_540 = vector.shape_cast %get3A_539 : vector<16xi32> to vector<16xi32>
    %swap3A_541 = arith.constant 32 : index
    %swap3A_542 = tpu.vector_load %arg7[%swap3A_541] {strides = array<i32>} : memref<128xi32, #tpu.memory_space<vmem>>, vector<16xi32>,
    %swap3A_543 = vector.shape_cast %swap3A_542 : vector<16xi32> to vector<16xi32>
    %swap3A_544 = vector.shape_cast %get3A_540 : vector<16xi32> to vector<16xi32>
    tpu.vector_store %arg7[%swap3A_541], %swap3A_544 {strides = array<i32>} : memref<128xi32, #tpu.memory_space<vmem>>, vector<16xi32>,
    %get3A_545 = arith.constant 64 : index
    %get3A_546 = tpu.vector_load %arg5[%get3A_545] {strides = array<i32>} : memref<128xi32, #tpu.memory_space<vmem>>, vector<16xi32>,
    %get3A_547 = vector.shape_cast %get3A_546 : vector<16xi32> to vector<16xi32>
    %swap3A_548 = arith.constant 48 : index
    %swap3A_549 = tpu.vector_load %arg7[%swap3A_548] {strides = array<i32>} : memref<128xi32, #tpu.memory_space<vmem>>, vector<16xi32>,
    %swap3A_550 = vector.shape_cast %swap3A_549 : vector<16xi32> to vector<16xi32>
    %swap3A_551 = vector.shape_cast %get3A_547 : vector<16xi32> to vector<16xi32>
    tpu.vector_store %arg7[%swap3A_548], %swap3A_551 {strides = array<i32>} : memref<128xi32, #tpu.memory_space<vmem>>, vector<16xi32>,
    %get3A_552 = arith.constant 48 : index
    %get3A_553 = tpu.vector_load %arg5[%get3A_552] {strides = array<i32>} : memref<128xi32, #tpu.memory_space<vmem>>, vector<16xi32>,
    %get3A_554 = vector.shape_cast %get3A_553 : vector<16xi32> to vector<16xi32>
    %swap3A_555 = arith.constant 64 : index
    %swap3A_556 = tpu.vector_load %arg7[%swap3A_555] {strides = array<i32>} : memref<128xi32, #tpu.memory_space<vmem>>, vector<16xi32>,
    %swap3A_557 = vector.shape_cast %swap3A_556 : vector<16xi32> to vector<16xi32>
    %swap3A_558 = vector.shape_cast %get3A_554 : vector<16xi32> to vector<16xi32>
    tpu.vector_store %arg7[%swap3A_555], %swap3A_558 {strides = array<i32>} : memref<128xi32, #tpu.memory_space<vmem>>, vector<16xi32>,
    %get3A_559 = arith.constant 32 : index
    %get3A_560 = tpu.vector_load %arg5[%get3A_559] {strides = array<i32>} : memref<128xi32, #tpu.memory_space<vmem>>, vector<16xi32>,
    %get3A_561 = vector.shape_cast %get3A_560 : vector<16xi32> to vector<16xi32>
    %swap3A_562 = arith.constant 80 : index
    %swap3A_563 = tpu.vector_load %arg7[%swap3A_562] {strides = array<i32>} : memref<128xi32, #tpu.memory_space<vmem>>, vector<16xi32>,
    %swap3A_564 = vector.shape_cast %swap3A_563 : vector<16xi32> to vector<16xi32>
    %swap3A_565 = vector.shape_cast %get3A_561 : vector<16xi32> to vector<16xi32>
    tpu.vector_store %arg7[%swap3A_562], %swap3A_565 {strides = array<i32>} : memref<128xi32, #tpu.memory_space<vmem>>, vector<16xi32>,
    %get3A_566 = arith.constant 16 : index
    %get3A_567 = tpu.vector_load %arg5[%get3A_566] {strides = array<i32>} : memref<128xi32, #tpu.memory_space<vmem>>, vector<16xi32>,
    %get3A_568 = vector.shape_cast %get3A_567 : vector<16xi32> to vector<16xi32>
    %swap3A_569 = arith.constant 96 : index
    %swap3A_570 = tpu.vector_load %arg7[%swap3A_569] {strides = array<i32>} : memref<128xi32, #tpu.memory_space<vmem>>, vector<16xi32>,
    %swap3A_571 = vector.shape_cast %swap3A_570 : vector<16xi32> to vector<16xi32>
    %swap3A_572 = vector.shape_cast %get3A_568 : vector<16xi32> to vector<16xi32>
    tpu.vector_store %arg7[%swap3A_569], %swap3A_572 {strides = array<i32>} : memref<128xi32, #tpu.memory_space<vmem>>, vector<16xi32>,
    %get3A_573 = arith.constant 0 : index
    %get3A_574 = tpu.vector_load %arg5[%get3A_573] {strides = array<i32>} : memref<128xi32, #tpu.memory_space<vmem>>, vector<16xi32>,
    %get3A_575 = vector.shape_cast %get3A_574 : vector<16xi32> to vector<16xi32>
    %swap3A_576 = arith.constant 112 : index
    %swap3A_577 = tpu.vector_load %arg7[%swap3A_576] {strides = array<i32>} : memref<128xi32, #tpu.memory_space<vmem>>, vector<16xi32>,
    %swap3A_578 = vector.shape_cast %swap3A_577 : vector<16xi32> to vector<16xi32>
    %swap3A_579 = vector.shape_cast %get3A_575 : vector<16xi32> to vector<16xi32>
    tpu.vector_store %arg7[%swap3A_576], %swap3A_579 {strides = array<i32>} : memref<128xi32, #tpu.memory_space<vmem>>, vector<16xi32>,
    %dma_wait3A_580 = arith.constant 0 : i32
    %dma_wait3A_581 = tpu.memref_slice %arg4[%add3A_487, %dma_wait3A_580] : memref<28672x128xf32, #tpu.memory_space<hbm>> -> memref<128x128xf32, #tpu.memory_space<hbm>>
    %dma_wait3A_582 = arith.constant 0 : i32
    %dma_wait3A_583 = tpu.memref_slice %arg4[%add3A_487, %dma_wait3A_582] : memref<28672x128xf32, #tpu.memory_space<hbm>> -> memref<128x128xf32, #tpu.memory_space<hbm>>
    tpu.wait_dma2 semaphore(%arg13 : memref<!tpu.dma_semaphore, #tpu.memory_space<semaphore_mem>>) src(%arg9 : memref<128x128xf32, #tpu.memory_space<vmem>>) dst(%dma_wait3A_583 : memref<128x128xf32, #tpu.memory_space<hbm>>)
    %dma_start3A_584 = arith.constant 0 : i32
    %dma_start3A_585 = arith.constant 0 : i32
    %dma_start3A_586 = tpu.memref_slice %arg3[%dma_start3A_584, %dma_start3A_585] : memref<100000x128xf32, #tpu.memory_space<hbm>> -> memref<100000x128xf32, #tpu.memory_space<hbm>>
    tpu.enqueue_indirect_dma source(%dma_start3A_586 : memref<100000x128xf32, #tpu.memory_space<hbm>>) target(%arg9 : memref<128x128xf32, #tpu.memory_space<vmem>>) offsets(%arg7 : memref<128xi32, #tpu.memory_space<vmem>>) semaphore(%arg11 : memref<!tpu.dma_semaphore, #tpu.memory_space<semaphore_mem>>)
    %dma_wait3A_587 = arith.constant 0 : i32
    %dma_wait3A_588 = arith.constant 0 : i32
    %dma_wait3A_589 = tpu.memref_slice %arg3[%dma_wait3A_587, %dma_wait3A_588] : memref<100000x128xf32, #tpu.memory_space<hbm>> -> memref<100000x128xf32, #tpu.memory_space<hbm>>
    tpu.wait_indirect_dma semaphore(%arg10 : memref<!tpu.dma_semaphore, #tpu.memory_space<semaphore_mem>>) src(%dma_wait3A_589 : memref<100000x128xf32, #tpu.memory_space<hbm>>) dst(%arg8 : memref<128x128xf32, #tpu.memory_space<vmem>>)
    %add3A_590 = arith.constant 512 : i32
    %add3A_591 = arith.addi %mul3A_2, %add3A_590 : i32
    %dma_start3A_592 = arith.constant 0 : i32
    %dma_start3A_593 = tpu.memref_slice %arg4[%add3A_591, %dma_start3A_592] : memref<28672x128xf32, #tpu.memory_space<hbm>> -> memref<128x128xf32, #tpu.memory_space<hbm>>
    %dma_start3A_594 = arith.constant 0 : i32
    %dma_start3A_595 = tpu.memref_slice %arg4[%add3A_591, %dma_start3A_594] : memref<28672x128xf32, #tpu.memory_space<hbm>> -> memref<128x128xf32, #tpu.memory_space<hbm>>
    tpu.enqueue_dma source(%arg8 : memref<128x128xf32, #tpu.memory_space<vmem>>) target(%dma_start3A_595 : memref<128x128xf32, #tpu.memory_space<hbm>>) target_semaphore(%arg12 : memref<!tpu.dma_semaphore, #tpu.memory_space<semaphore_mem>>)
    %add3A_596 = arith.constant 768 : i32
    %add3A_597 = arith.addi %mul3A_2, %add3A_596 : i32
    %add3A_598 = arith.constant 4096 : i32
    %add3A_599 = arith.addi %add3A_598, %add3A_597 : i32
    %jit3A_600 = arith.constant 16 : i32
    %div3A_601 = arith.divsi %add3A_599, %jit3A_600 : i32
    %sign3A_602 = arith.constant 0 : i32
    %sign3A_603 = arith.cmpi sgt, %add3A_599, %sign3A_602 : i32
    %sign3A_604 = arith.extui %sign3A_603 : i1 to i32
    %sign3A_605 = arith.constant 0 : i32
    %sign3A_606 = arith.cmpi slt, %add3A_599, %sign3A_605 : i32
    %sign3A_607 = arith.extui %sign3A_606 : i1 to i32
    %sign3A_608 = arith.subi %sign3A_604, %sign3A_607 : i32
    %sign3A_609 = arith.constant 0 : i32
    %sign3A_610 = arith.cmpi sgt, %jit3A_600, %sign3A_609 : i32
    %sign3A_611 = arith.extui %sign3A_610 : i1 to i32
    %sign3A_612 = arith.constant 0 : i32
    %sign3A_613 = arith.cmpi slt, %jit3A_600, %sign3A_612 : i32
    %sign3A_614 = arith.extui %sign3A_613 : i1 to i32
    %sign3A_615 = arith.subi %sign3A_611, %sign3A_614 : i32
    %ne3A_616 = arith.cmpi ne, %sign3A_608, %sign3A_615 : i32
    %rem3A_617 = arith.remsi %add3A_599, %jit3A_600 : i32
    %ne3A_618 = arith.constant 0 : i32
    %ne3A_619 = arith.cmpi ne, %rem3A_617, %ne3A_618 : i32
    %and3A_620 = arith.andi %ne3A_616, %ne3A_619 : i1
    %sub3A_621 = arith.constant 1 : i32
    %sub3A_622 = arith.subi %div3A_601, %sub3A_621 : i32
    %select_n3A_623 = arith.select %and3A_620, %sub3A_622, %div3A_601 : i32
    %sub3A_624 = arith.constant 2040 : i32
    %sub3A_625 = arith.subi %sub3A_624, %select_n3A_623 : i32
    %mul3A_626 = arith.constant 16 : i32
    %mul3A_627 = arith.muli %sub3A_625, %mul3A_626 : i32
    "tpu.region"() ({
      %run_scoped3A = tpu.sem_alloc : memref<!tpu.dma_semaphore, #tpu.memory_space<semaphore_mem>>
      %dma_start3A_717 = tpu.memref_slice %arg2[%mul3A_627] : memref<32768xi32, #tpu.memory_space<hbm>> -> memref<128xi32, #tpu.memory_space<hbm>>
      %dma_start3A_718 = tpu.memref_slice %arg2[%mul3A_627] : memref<32768xi32, #tpu.memory_space<hbm>> -> memref<128xi32, #tpu.memory_space<hbm>>
      tpu.enqueue_dma source(%dma_start3A_718 : memref<128xi32, #tpu.memory_space<hbm>>) target(%arg5 : memref<128xi32, #tpu.memory_space<vmem>>) target_semaphore(%run_scoped3A : memref<!tpu.dma_semaphore, #tpu.memory_space<semaphore_mem>>)
      %dma_wait3A_719 = tpu.memref_slice %arg2[%mul3A_627] : memref<32768xi32, #tpu.memory_space<hbm>> -> memref<128xi32, #tpu.memory_space<hbm>>
      %dma_wait3A_720 = tpu.memref_slice %arg2[%mul3A_627] : memref<32768xi32, #tpu.memory_space<hbm>> -> memref<128xi32, #tpu.memory_space<hbm>>
      tpu.wait_dma2 semaphore(%run_scoped3A : memref<!tpu.dma_semaphore, #tpu.memory_space<semaphore_mem>>) src(%dma_wait3A_720 : memref<128xi32, #tpu.memory_space<hbm>>) dst(%arg5 : memref<128xi32, #tpu.memory_space<vmem>>)
      tpu.yield
    }) : () -> ()
    %get3A_628 = arith.constant 112 : index
    %get3A_629 = tpu.vector_load %arg5[%get3A_628] {strides = array<i32>} : memref<128xi32, #tpu.memory_space<vmem>>, vector<16xi32>,
    %get3A_630 = vector.shape_cast %get3A_629 : vector<16xi32> to vector<16xi32>
    %swap3A_631 = arith.constant 0 : index
    %swap3A_632 = tpu.vector_load %arg6[%swap3A_631] {strides = array<i32>} : memref<128xi32, #tpu.memory_space<vmem>>, vector<16xi32>,
    %swap3A_633 = vector.shape_cast %swap3A_632 : vector<16xi32> to vector<16xi32>
    %swap3A_634 = vector.shape_cast %get3A_630 : vector<16xi32> to vector<16xi32>
    tpu.vector_store %arg6[%swap3A_631], %swap3A_634 {strides = array<i32>} : memref<128xi32, #tpu.memory_space<vmem>>, vector<16xi32>,
    %get3A_635 = arith.constant 96 : index
    %get3A_636 = tpu.vector_load %arg5[%get3A_635] {strides = array<i32>} : memref<128xi32, #tpu.memory_space<vmem>>, vector<16xi32>,
    %get3A_637 = vector.shape_cast %get3A_636 : vector<16xi32> to vector<16xi32>
    %swap3A_638 = arith.constant 16 : index
    %swap3A_639 = tpu.vector_load %arg6[%swap3A_638] {strides = array<i32>} : memref<128xi32, #tpu.memory_space<vmem>>, vector<16xi32>,
    %swap3A_640 = vector.shape_cast %swap3A_639 : vector<16xi32> to vector<16xi32>
    %swap3A_641 = vector.shape_cast %get3A_637 : vector<16xi32> to vector<16xi32>
    tpu.vector_store %arg6[%swap3A_638], %swap3A_641 {strides = array<i32>} : memref<128xi32, #tpu.memory_space<vmem>>, vector<16xi32>,
    %get3A_642 = arith.constant 80 : index
    %get3A_643 = tpu.vector_load %arg5[%get3A_642] {strides = array<i32>} : memref<128xi32, #tpu.memory_space<vmem>>, vector<16xi32>,
    %get3A_644 = vector.shape_cast %get3A_643 : vector<16xi32> to vector<16xi32>
    %swap3A_645 = arith.constant 32 : index
    %swap3A_646 = tpu.vector_load %arg6[%swap3A_645] {strides = array<i32>} : memref<128xi32, #tpu.memory_space<vmem>>, vector<16xi32>,
    %swap3A_647 = vector.shape_cast %swap3A_646 : vector<16xi32> to vector<16xi32>
    %swap3A_648 = vector.shape_cast %get3A_644 : vector<16xi32> to vector<16xi32>
    tpu.vector_store %arg6[%swap3A_645], %swap3A_648 {strides = array<i32>} : memref<128xi32, #tpu.memory_space<vmem>>, vector<16xi32>,
    %get3A_649 = arith.constant 64 : index
    %get3A_650 = tpu.vector_load %arg5[%get3A_649] {strides = array<i32>} : memref<128xi32, #tpu.memory_space<vmem>>, vector<16xi32>,
    %get3A_651 = vector.shape_cast %get3A_650 : vector<16xi32> to vector<16xi32>
    %swap3A_652 = arith.constant 48 : index
    %swap3A_653 = tpu.vector_load %arg6[%swap3A_652] {strides = array<i32>} : memref<128xi32, #tpu.memory_space<vmem>>, vector<16xi32>,
    %swap3A_654 = vector.shape_cast %swap3A_653 : vector<16xi32> to vector<16xi32>
    %swap3A_655 = vector.shape_cast %get3A_651 : vector<16xi32> to vector<16xi32>
    tpu.vector_store %arg6[%swap3A_652], %swap3A_655 {strides = array<i32>} : memref<128xi32, #tpu.memory_space<vmem>>, vector<16xi32>,
    %get3A_656 = arith.constant 48 : index
    %get3A_657 = tpu.vector_load %arg5[%get3A_656] {strides = array<i32>} : memref<128xi32, #tpu.memory_space<vmem>>, vector<16xi32>,
    %get3A_658 = vector.shape_cast %get3A_657 : vector<16xi32> to vector<16xi32>
    %swap3A_659 = arith.constant 64 : index
    %swap3A_660 = tpu.vector_load %arg6[%swap3A_659] {strides = array<i32>} : memref<128xi32, #tpu.memory_space<vmem>>, vector<16xi32>,
    %swap3A_661 = vector.shape_cast %swap3A_660 : vector<16xi32> to vector<16xi32>
    %swap3A_662 = vector.shape_cast %get3A_658 : vector<16xi32> to vector<16xi32>
    tpu.vector_store %arg6[%swap3A_659], %swap3A_662 {strides = array<i32>} : memref<128xi32, #tpu.memory_space<vmem>>, vector<16xi32>,
    %get3A_663 = arith.constant 32 : index
    %get3A_664 = tpu.vector_load %arg5[%get3A_663] {strides = array<i32>} : memref<128xi32, #tpu.memory_space<vmem>>, vector<16xi32>,
    %get3A_665 = vector.shape_cast %get3A_664 : vector<16xi32> to vector<16xi32>
    %swap3A_666 = arith.constant 80 : index
    %swap3A_667 = tpu.vector_load %arg6[%swap3A_666] {strides = array<i32>} : memref<128xi32, #tpu.memory_space<vmem>>, vector<16xi32>,
    %swap3A_668 = vector.shape_cast %swap3A_667 : vector<16xi32> to vector<16xi32>
    %swap3A_669 = vector.shape_cast %get3A_665 : vector<16xi32> to vector<16xi32>
    tpu.vector_store %arg6[%swap3A_666], %swap3A_669 {strides = array<i32>} : memref<128xi32, #tpu.memory_space<vmem>>, vector<16xi32>,
    %get3A_670 = arith.constant 16 : index
    %get3A_671 = tpu.vector_load %arg5[%get3A_670] {strides = array<i32>} : memref<128xi32, #tpu.memory_space<vmem>>, vector<16xi32>,
    %get3A_672 = vector.shape_cast %get3A_671 : vector<16xi32> to vector<16xi32>
    %swap3A_673 = arith.constant 96 : index
    %swap3A_674 = tpu.vector_load %arg6[%swap3A_673] {strides = array<i32>} : memref<128xi32, #tpu.memory_space<vmem>>, vector<16xi32>,
    %swap3A_675 = vector.shape_cast %swap3A_674 : vector<16xi32> to vector<16xi32>
    %swap3A_676 = vector.shape_cast %get3A_672 : vector<16xi32> to vector<16xi32>
    tpu.vector_store %arg6[%swap3A_673], %swap3A_676 {strides = array<i32>} : memref<128xi32, #tpu.memory_space<vmem>>, vector<16xi32>,
    %get3A_677 = arith.constant 0 : index
    %get3A_678 = tpu.vector_load %arg5[%get3A_677] {strides = array<i32>} : memref<128xi32, #tpu.memory_space<vmem>>, vector<16xi32>,
    %get3A_679 = vector.shape_cast %get3A_678 : vector<16xi32> to vector<16xi32>
    %swap3A_680 = arith.constant 112 : index
    %swap3A_681 = tpu.vector_load %arg6[%swap3A_680] {strides = array<i32>} : memref<128xi32, #tpu.memory_space<vmem>>, vector<16xi32>,
    %swap3A_682 = vector.shape_cast %swap3A_681 : vector<16xi32> to vector<16xi32>
    %swap3A_683 = vector.shape_cast %get3A_679 : vector<16xi32> to vector<16xi32>
    tpu.vector_store %arg6[%swap3A_680], %swap3A_683 {strides = array<i32>} : memref<128xi32, #tpu.memory_space<vmem>>, vector<16xi32>,
    %dma_wait3A_684 = arith.constant 0 : i32
    %dma_wait3A_685 = tpu.memref_slice %arg4[%add3A_591, %dma_wait3A_684] : memref<28672x128xf32, #tpu.memory_space<hbm>> -> memref<128x128xf32, #tpu.memory_space<hbm>>
    %dma_wait3A_686 = arith.constant 0 : i32
    %dma_wait3A_687 = tpu.memref_slice %arg4[%add3A_591, %dma_wait3A_686] : memref<28672x128xf32, #tpu.memory_space<hbm>> -> memref<128x128xf32, #tpu.memory_space<hbm>>
    tpu.wait_dma2 semaphore(%arg12 : memref<!tpu.dma_semaphore, #tpu.memory_space<semaphore_mem>>) src(%arg8 : memref<128x128xf32, #tpu.memory_space<vmem>>) dst(%dma_wait3A_687 : memref<128x128xf32, #tpu.memory_space<hbm>>)
    %dma_start3A_688 = arith.constant 0 : i32
    %dma_start3A_689 = arith.constant 0 : i32
    %dma_start3A_690 = tpu.memref_slice %arg3[%dma_start3A_688, %dma_start3A_689] : memref<100000x128xf32, #tpu.memory_space<hbm>> -> memref<100000x128xf32, #tpu.memory_space<hbm>>
    tpu.enqueue_indirect_dma source(%dma_start3A_690 : memref<100000x128xf32, #tpu.memory_space<hbm>>) target(%arg8 : memref<128x128xf32, #tpu.memory_space<vmem>>) offsets(%arg6 : memref<128xi32, #tpu.memory_space<vmem>>) semaphore(%arg10 : memref<!tpu.dma_semaphore, #tpu.memory_space<semaphore_mem>>)
    %dma_wait3A_691 = arith.constant 0 : i32
    %dma_wait3A_692 = arith.constant 0 : i32
    %dma_wait3A_693 = tpu.memref_slice %arg3[%dma_wait3A_691, %dma_wait3A_692] : memref<100000x128xf32, #tpu.memory_space<hbm>> -> memref<100000x128xf32, #tpu.memory_space<hbm>>
    tpu.wait_indirect_dma semaphore(%arg11 : memref<!tpu.dma_semaphore, #tpu.memory_space<semaphore_mem>>) src(%dma_wait3A_693 : memref<100000x128xf32, #tpu.memory_space<hbm>>) dst(%arg9 : memref<128x128xf32, #tpu.memory_space<vmem>>)
    %add3A_694 = arith.constant 640 : i32
    %add3A_695 = arith.addi %mul3A_2, %add3A_694 : i32
    %dma_start3A_696 = arith.constant 0 : i32
    %dma_start3A_697 = tpu.memref_slice %arg4[%add3A_695, %dma_start3A_696] : memref<28672x128xf32, #tpu.memory_space<hbm>> -> memref<128x128xf32, #tpu.memory_space<hbm>>
    %dma_start3A_698 = arith.constant 0 : i32
    %dma_start3A_699 = tpu.memref_slice %arg4[%add3A_695, %dma_start3A_698] : memref<28672x128xf32, #tpu.memory_space<hbm>> -> memref<128x128xf32, #tpu.memory_space<hbm>>
    tpu.enqueue_dma source(%arg9 : memref<128x128xf32, #tpu.memory_space<vmem>>) target(%dma_start3A_699 : memref<128x128xf32, #tpu.memory_space<hbm>>) target_semaphore(%arg13 : memref<!tpu.dma_semaphore, #tpu.memory_space<semaphore_mem>>)
    %dma_wait3A_700 = arith.constant 0 : i32
    %dma_wait3A_701 = arith.constant 0 : i32
    %dma_wait3A_702 = tpu.memref_slice %arg3[%dma_wait3A_700, %dma_wait3A_701] : memref<100000x128xf32, #tpu.memory_space<hbm>> -> memref<100000x128xf32, #tpu.memory_space<hbm>>
    tpu.wait_indirect_dma semaphore(%arg10 : memref<!tpu.dma_semaphore, #tpu.memory_space<semaphore_mem>>) src(%dma_wait3A_702 : memref<100000x128xf32, #tpu.memory_space<hbm>>) dst(%arg8 : memref<128x128xf32, #tpu.memory_space<vmem>>)
    %add3A_703 = arith.constant 768 : i32
    %add3A_704 = arith.addi %mul3A_2, %add3A_703 : i32
    %dma_start3A_705 = arith.constant 0 : i32
    %dma_start3A_706 = tpu.memref_slice %arg4[%add3A_704, %dma_start3A_705] : memref<28672x128xf32, #tpu.memory_space<hbm>> -> memref<128x128xf32, #tpu.memory_space<hbm>>
    %dma_start3A_707 = arith.constant 0 : i32
    %dma_start3A_708 = tpu.memref_slice %arg4[%add3A_704, %dma_start3A_707] : memref<28672x128xf32, #tpu.memory_space<hbm>> -> memref<128x128xf32, #tpu.memory_space<hbm>>
    tpu.enqueue_dma source(%arg8 : memref<128x128xf32, #tpu.memory_space<vmem>>) target(%dma_start3A_708 : memref<128x128xf32, #tpu.memory_space<hbm>>) target_semaphore(%arg12 : memref<!tpu.dma_semaphore, #tpu.memory_space<semaphore_mem>>)
    %dma_wait3A_709 = arith.constant 0 : i32
    %dma_wait3A_710 = tpu.memref_slice %arg4[%add3A_704, %dma_wait3A_709] : memref<28672x128xf32, #tpu.memory_space<hbm>> -> memref<128x128xf32, #tpu.memory_space<hbm>>
    %dma_wait3A_711 = arith.constant 0 : i32
    %dma_wait3A_712 = tpu.memref_slice %arg4[%add3A_704, %dma_wait3A_711] : memref<28672x128xf32, #tpu.memory_space<hbm>> -> memref<128x128xf32, #tpu.memory_space<hbm>>
    tpu.wait_dma2 semaphore(%arg12 : memref<!tpu.dma_semaphore, #tpu.memory_space<semaphore_mem>>) src(%arg8 : memref<128x128xf32, #tpu.memory_space<vmem>>) dst(%dma_wait3A_712 : memref<128x128xf32, #tpu.memory_space<hbm>>)
    %dma_wait3A_713 = arith.constant 0 : i32
    %dma_wait3A_714 = tpu.memref_slice %arg4[%add3A_695, %dma_wait3A_713] : memref<28672x128xf32, #tpu.memory_space<hbm>> -> memref<128x128xf32, #tpu.memory_space<hbm>>
    %dma_wait3A_715 = arith.constant 0 : i32
    %dma_wait3A_716 = tpu.memref_slice %arg4[%add3A_695, %dma_wait3A_715] : memref<28672x128xf32, #tpu.memory_space<hbm>> -> memref<128x128xf32, #tpu.memory_space<hbm>>
    tpu.wait_dma2 semaphore(%arg13 : memref<!tpu.dma_semaphore, #tpu.memory_space<semaphore_mem>>) src(%arg9 : memref<128x128xf32, #tpu.memory_space<vmem>>) dst(%dma_wait3A_716 : memref<128x128xf32, #tpu.memory_space<hbm>>)
    return
  }
}

#map = affine_map<(d0, d1) -> (0)>
#map1 = affine_map<(d0, d1) -> (0, 0)>
module attributes {stable_mosaic.version = 14 : i64} {
  func.func @_gather_body(%arg0: i32, %arg1: i32, %arg2: memref<32768xi32, #tpu.memory_space<hbm>>, %arg3: memref<100000x128xf32, #tpu.memory_space<hbm>>, %arg4: memref<4096x128xf32, #tpu.memory_space<hbm>>, %arg5: memref<128xi32, #tpu.memory_space<vmem>>, %arg6: memref<128xi32, #tpu.memory_space<vmem>>, %arg7: memref<128xi32, #tpu.memory_space<vmem>>, %arg8: memref<128x128xf32, #tpu.memory_space<vmem>>, %arg9: memref<128x128xf32, #tpu.memory_space<vmem>>, %arg10: memref<!tpu.dma_semaphore, #tpu.memory_space<semaphore_mem>>, %arg11: memref<!tpu.dma_semaphore, #tpu.memory_space<semaphore_mem>>, %arg12: memref<!tpu.dma_semaphore, #tpu.memory_space<semaphore_mem>>, %arg13: memref<!tpu.dma_semaphore, #tpu.memory_space<semaphore_mem>>) attributes {dimension_semantics = [#tpu.dimension_semantics<core_parallel>, #tpu.dimension_semantics<subcore_parallel>], iteration_bounds = array<i64: 2, 16>, scalar_prefetch = 0 : i64, scratch_operands = 9 : i64, tpu.core_type = #tpu.core_type<sc_vector_subcore>, window_params = [{transform_indices = #map}, {transform_indices = #map1}, {transform_indices = #map1}]} {
    %mul3A = arith.constant 2 : i32
    %mul3A_0 = arith.muli %arg1, %mul3A : i32
    %add3A = arith.addi %mul3A_0, %arg0 : i32
    %mul3A_1 = arith.constant 128 : i32
    %mul3A_2 = arith.muli %add3A, %mul3A_1 : i32
    %add3A_3 = arith.constant 0 : i32
    %add3A_4 = arith.addi %add3A_3, %mul3A_2 : i32
    %jit3A = arith.constant 16 : i32
    %div3A = arith.divsi %add3A_4, %jit3A : i32
    %sign3A = arith.constant 0 : i32
    %sign3A_5 = arith.cmpi sgt, %add3A_4, %sign3A : i32
    %sign3A_6 = arith.extui %sign3A_5 : i1 to i32
    %sign3A_7 = arith.constant 0 : i32
    %sign3A_8 = arith.cmpi slt, %add3A_4, %sign3A_7 : i32
    %sign3A_9 = arith.extui %sign3A_8 : i1 to i32
    %sign3A_10 = arith.subi %sign3A_6, %sign3A_9 : i32
    %sign3A_11 = arith.constant 0 : i32
    %sign3A_12 = arith.cmpi sgt, %jit3A, %sign3A_11 : i32
    %sign3A_13 = arith.extui %sign3A_12 : i1 to i32
    %sign3A_14 = arith.constant 0 : i32
    %sign3A_15 = arith.cmpi slt, %jit3A, %sign3A_14 : i32
    %sign3A_16 = arith.extui %sign3A_15 : i1 to i32
    %sign3A_17 = arith.subi %sign3A_13, %sign3A_16 : i32
    %ne3A = arith.cmpi ne, %sign3A_10, %sign3A_17 : i32
    %rem3A = arith.remsi %add3A_4, %jit3A : i32
    %ne3A_18 = arith.constant 0 : i32
    %ne3A_19 = arith.cmpi ne, %rem3A, %ne3A_18 : i32
    %and3A = arith.andi %ne3A, %ne3A_19 : i1
    %sub3A = arith.constant 1 : i32
    %sub3A_20 = arith.subi %div3A, %sub3A : i32
    %select_n3A = arith.select %and3A, %sub3A_20, %div3A : i32
    %sub3A_21 = arith.constant 2040 : i32
    %sub3A_22 = arith.subi %sub3A_21, %select_n3A : i32
    %mul3A_23 = arith.constant 16 : i32
    %mul3A_24 = arith.muli %sub3A_22, %mul3A_23 : i32
    "tpu.region"() ({
      %run_scoped3A = tpu.sem_alloc : memref<!tpu.dma_semaphore, #tpu.memory_space<semaphore_mem>>
      %dma_start3A_93 = tpu.memref_slice %arg2[%mul3A_24] : memref<32768xi32, #tpu.memory_space<hbm>> -> memref<128xi32, #tpu.memory_space<hbm>>
      %dma_start3A_94 = tpu.memref_slice %arg2[%mul3A_24] : memref<32768xi32, #tpu.memory_space<hbm>> -> memref<128xi32, #tpu.memory_space<hbm>>
      tpu.enqueue_dma source(%dma_start3A_94 : memref<128xi32, #tpu.memory_space<hbm>>) target(%arg5 : memref<128xi32, #tpu.memory_space<vmem>>) target_semaphore(%run_scoped3A : memref<!tpu.dma_semaphore, #tpu.memory_space<semaphore_mem>>)
      %dma_wait3A_95 = tpu.memref_slice %arg2[%mul3A_24] : memref<32768xi32, #tpu.memory_space<hbm>> -> memref<128xi32, #tpu.memory_space<hbm>>
      %dma_wait3A_96 = tpu.memref_slice %arg2[%mul3A_24] : memref<32768xi32, #tpu.memory_space<hbm>> -> memref<128xi32, #tpu.memory_space<hbm>>
      tpu.wait_dma2 semaphore(%run_scoped3A : memref<!tpu.dma_semaphore, #tpu.memory_space<semaphore_mem>>) src(%dma_wait3A_96 : memref<128xi32, #tpu.memory_space<hbm>>) dst(%arg5 : memref<128xi32, #tpu.memory_space<vmem>>)
      tpu.yield
    }) : () -> ()
    %get3A = arith.constant 112 : index
    %get3A_25 = tpu.vector_load %arg5[%get3A] {strides = array<i32>} : memref<128xi32, #tpu.memory_space<vmem>>, vector<16xi32>,
    %get3A_26 = vector.shape_cast %get3A_25 : vector<16xi32> to vector<16xi32>
    %swap3A = arith.constant 0 : index
    %swap3A_27 = tpu.vector_load %arg6[%swap3A] {strides = array<i32>} : memref<128xi32, #tpu.memory_space<vmem>>, vector<16xi32>,
    %swap3A_28 = vector.shape_cast %swap3A_27 : vector<16xi32> to vector<16xi32>
    %swap3A_29 = vector.shape_cast %get3A_26 : vector<16xi32> to vector<16xi32>
    tpu.vector_store %arg6[%swap3A], %swap3A_29 {strides = array<i32>} : memref<128xi32, #tpu.memory_space<vmem>>, vector<16xi32>,
    %get3A_30 = arith.constant 96 : index
    %get3A_31 = tpu.vector_load %arg5[%get3A_30] {strides = array<i32>} : memref<128xi32, #tpu.memory_space<vmem>>, vector<16xi32>,
    %get3A_32 = vector.shape_cast %get3A_31 : vector<16xi32> to vector<16xi32>
    %swap3A_33 = arith.constant 16 : index
    %swap3A_34 = tpu.vector_load %arg6[%swap3A_33] {strides = array<i32>} : memref<128xi32, #tpu.memory_space<vmem>>, vector<16xi32>,
    %swap3A_35 = vector.shape_cast %swap3A_34 : vector<16xi32> to vector<16xi32>
    %swap3A_36 = vector.shape_cast %get3A_32 : vector<16xi32> to vector<16xi32>
    tpu.vector_store %arg6[%swap3A_33], %swap3A_36 {strides = array<i32>} : memref<128xi32, #tpu.memory_space<vmem>>, vector<16xi32>,
    %get3A_37 = arith.constant 80 : index
    %get3A_38 = tpu.vector_load %arg5[%get3A_37] {strides = array<i32>} : memref<128xi32, #tpu.memory_space<vmem>>, vector<16xi32>,
    %get3A_39 = vector.shape_cast %get3A_38 : vector<16xi32> to vector<16xi32>
    %swap3A_40 = arith.constant 32 : index
    %swap3A_41 = tpu.vector_load %arg6[%swap3A_40] {strides = array<i32>} : memref<128xi32, #tpu.memory_space<vmem>>, vector<16xi32>,
    %swap3A_42 = vector.shape_cast %swap3A_41 : vector<16xi32> to vector<16xi32>
    %swap3A_43 = vector.shape_cast %get3A_39 : vector<16xi32> to vector<16xi32>
    tpu.vector_store %arg6[%swap3A_40], %swap3A_43 {strides = array<i32>} : memref<128xi32, #tpu.memory_space<vmem>>, vector<16xi32>,
    %get3A_44 = arith.constant 64 : index
    %get3A_45 = tpu.vector_load %arg5[%get3A_44] {strides = array<i32>} : memref<128xi32, #tpu.memory_space<vmem>>, vector<16xi32>,
    %get3A_46 = vector.shape_cast %get3A_45 : vector<16xi32> to vector<16xi32>
    %swap3A_47 = arith.constant 48 : index
    %swap3A_48 = tpu.vector_load %arg6[%swap3A_47] {strides = array<i32>} : memref<128xi32, #tpu.memory_space<vmem>>, vector<16xi32>,
    %swap3A_49 = vector.shape_cast %swap3A_48 : vector<16xi32> to vector<16xi32>
    %swap3A_50 = vector.shape_cast %get3A_46 : vector<16xi32> to vector<16xi32>
    tpu.vector_store %arg6[%swap3A_47], %swap3A_50 {strides = array<i32>} : memref<128xi32, #tpu.memory_space<vmem>>, vector<16xi32>,
    %get3A_51 = arith.constant 48 : index
    %get3A_52 = tpu.vector_load %arg5[%get3A_51] {strides = array<i32>} : memref<128xi32, #tpu.memory_space<vmem>>, vector<16xi32>,
    %get3A_53 = vector.shape_cast %get3A_52 : vector<16xi32> to vector<16xi32>
    %swap3A_54 = arith.constant 64 : index
    %swap3A_55 = tpu.vector_load %arg6[%swap3A_54] {strides = array<i32>} : memref<128xi32, #tpu.memory_space<vmem>>, vector<16xi32>,
    %swap3A_56 = vector.shape_cast %swap3A_55 : vector<16xi32> to vector<16xi32>
    %swap3A_57 = vector.shape_cast %get3A_53 : vector<16xi32> to vector<16xi32>
    tpu.vector_store %arg6[%swap3A_54], %swap3A_57 {strides = array<i32>} : memref<128xi32, #tpu.memory_space<vmem>>, vector<16xi32>,
    %get3A_58 = arith.constant 32 : index
    %get3A_59 = tpu.vector_load %arg5[%get3A_58] {strides = array<i32>} : memref<128xi32, #tpu.memory_space<vmem>>, vector<16xi32>,
    %get3A_60 = vector.shape_cast %get3A_59 : vector<16xi32> to vector<16xi32>
    %swap3A_61 = arith.constant 80 : index
    %swap3A_62 = tpu.vector_load %arg6[%swap3A_61] {strides = array<i32>} : memref<128xi32, #tpu.memory_space<vmem>>, vector<16xi32>,
    %swap3A_63 = vector.shape_cast %swap3A_62 : vector<16xi32> to vector<16xi32>
    %swap3A_64 = vector.shape_cast %get3A_60 : vector<16xi32> to vector<16xi32>
    tpu.vector_store %arg6[%swap3A_61], %swap3A_64 {strides = array<i32>} : memref<128xi32, #tpu.memory_space<vmem>>, vector<16xi32>,
    %get3A_65 = arith.constant 16 : index
    %get3A_66 = tpu.vector_load %arg5[%get3A_65] {strides = array<i32>} : memref<128xi32, #tpu.memory_space<vmem>>, vector<16xi32>,
    %get3A_67 = vector.shape_cast %get3A_66 : vector<16xi32> to vector<16xi32>
    %swap3A_68 = arith.constant 96 : index
    %swap3A_69 = tpu.vector_load %arg6[%swap3A_68] {strides = array<i32>} : memref<128xi32, #tpu.memory_space<vmem>>, vector<16xi32>,
    %swap3A_70 = vector.shape_cast %swap3A_69 : vector<16xi32> to vector<16xi32>
    %swap3A_71 = vector.shape_cast %get3A_67 : vector<16xi32> to vector<16xi32>
    tpu.vector_store %arg6[%swap3A_68], %swap3A_71 {strides = array<i32>} : memref<128xi32, #tpu.memory_space<vmem>>, vector<16xi32>,
    %get3A_72 = arith.constant 0 : index
    %get3A_73 = tpu.vector_load %arg5[%get3A_72] {strides = array<i32>} : memref<128xi32, #tpu.memory_space<vmem>>, vector<16xi32>,
    %get3A_74 = vector.shape_cast %get3A_73 : vector<16xi32> to vector<16xi32>
    %swap3A_75 = arith.constant 112 : index
    %swap3A_76 = tpu.vector_load %arg6[%swap3A_75] {strides = array<i32>} : memref<128xi32, #tpu.memory_space<vmem>>, vector<16xi32>,
    %swap3A_77 = vector.shape_cast %swap3A_76 : vector<16xi32> to vector<16xi32>
    %swap3A_78 = vector.shape_cast %get3A_74 : vector<16xi32> to vector<16xi32>
    tpu.vector_store %arg6[%swap3A_75], %swap3A_78 {strides = array<i32>} : memref<128xi32, #tpu.memory_space<vmem>>, vector<16xi32>,
    %dma_start3A = arith.constant 0 : i32
    %dma_start3A_79 = arith.constant 0 : i32
    %dma_start3A_80 = tpu.memref_slice %arg3[%dma_start3A, %dma_start3A_79] : memref<100000x128xf32, #tpu.memory_space<hbm>> -> memref<100000x128xf32, #tpu.memory_space<hbm>>
    tpu.enqueue_indirect_dma source(%dma_start3A_80 : memref<100000x128xf32, #tpu.memory_space<hbm>>) target(%arg8 : memref<128x128xf32, #tpu.memory_space<vmem>>) offsets(%arg6 : memref<128xi32, #tpu.memory_space<vmem>>) semaphore(%arg10 : memref<!tpu.dma_semaphore, #tpu.memory_space<semaphore_mem>>)
    %dma_wait3A = arith.constant 0 : i32
    %dma_wait3A_81 = arith.constant 0 : i32
    %dma_wait3A_82 = tpu.memref_slice %arg3[%dma_wait3A, %dma_wait3A_81] : memref<100000x128xf32, #tpu.memory_space<hbm>> -> memref<100000x128xf32, #tpu.memory_space<hbm>>
    tpu.wait_indirect_dma semaphore(%arg10 : memref<!tpu.dma_semaphore, #tpu.memory_space<semaphore_mem>>) src(%dma_wait3A_82 : memref<100000x128xf32, #tpu.memory_space<hbm>>) dst(%arg8 : memref<128x128xf32, #tpu.memory_space<vmem>>)
    %add3A_83 = arith.constant 0 : i32
    %add3A_84 = arith.addi %mul3A_2, %add3A_83 : i32
    %dma_start3A_85 = arith.constant 0 : i32
    %dma_start3A_86 = tpu.memref_slice %arg4[%add3A_84, %dma_start3A_85] : memref<4096x128xf32, #tpu.memory_space<hbm>> -> memref<128x128xf32, #tpu.memory_space<hbm>>
    %dma_start3A_87 = arith.constant 0 : i32
    %dma_start3A_88 = tpu.memref_slice %arg4[%add3A_84, %dma_start3A_87] : memref<4096x128xf32, #tpu.memory_space<hbm>> -> memref<128x128xf32, #tpu.memory_space<hbm>>
    tpu.enqueue_dma source(%arg8 : memref<128x128xf32, #tpu.memory_space<vmem>>) target(%dma_start3A_88 : memref<128x128xf32, #tpu.memory_space<hbm>>) target_semaphore(%arg12 : memref<!tpu.dma_semaphore, #tpu.memory_space<semaphore_mem>>)
    %dma_wait3A_89 = arith.constant 0 : i32
    %dma_wait3A_90 = tpu.memref_slice %arg4[%add3A_84, %dma_wait3A_89] : memref<4096x128xf32, #tpu.memory_space<hbm>> -> memref<128x128xf32, #tpu.memory_space<hbm>>
    %dma_wait3A_91 = arith.constant 0 : i32
    %dma_wait3A_92 = tpu.memref_slice %arg4[%add3A_84, %dma_wait3A_91] : memref<4096x128xf32, #tpu.memory_space<hbm>> -> memref<128x128xf32, #tpu.memory_space<hbm>>
    tpu.wait_dma2 semaphore(%arg12 : memref<!tpu.dma_semaphore, #tpu.memory_space<semaphore_mem>>) src(%arg8 : memref<128x128xf32, #tpu.memory_space<vmem>>) dst(%dma_wait3A_92 : memref<128x128xf32, #tpu.memory_space<hbm>>)
    return
  }
}

module attributes {stable_mosaic.version = 14 : i64} {
  func.func @_scan_a_body(%arg0: i32, %arg1: memref<4096x128xf32, #tpu.memory_space<vmem>>, %arg2: memref<128x128xf32, #tpu.memory_space<vmem>>, %arg3: memref<128x128xf32, #tpu.memory_space<vmem>>, %arg4: memref<1x128xf32, #tpu.memory_space<vmem>>, %arg5: memref<1x128xf32, #tpu.memory_space<vmem>>, %arg6: memref<16x128xi32, #tpu.memory_space<vmem>>, %arg7: memref<1xi32, #tpu.memory_space<smem>>, %arg8: memref<16x128xf32, #tpu.memory_space<vmem>>, %arg9: memref<16x128xf32, #tpu.memory_space<vmem>>, %arg10: memref<4096x128xf32, #tpu.memory_space<vmem>>) attributes {dimension_semantics = [#tpu.dimension_semantics<arbitrary>], iteration_bounds = array<i64: 1>, scalar_prefetch = 0 : i64, scratch_operands = 2 : i64, tpu.core_type = #tpu.core_type<tc>, window_params = [{transform_indices = @transform_0, window_bounds = array<i64: 4096, 128>}, {pipeline_mode = #tpu.pipeline_mode<synchronous>, transform_indices = @transform_1, window_bounds = array<i64: 128, 128>}, {pipeline_mode = #tpu.pipeline_mode<synchronous>, transform_indices = @transform_2, window_bounds = array<i64: 128, 128>}, {pipeline_mode = #tpu.pipeline_mode<synchronous>, transform_indices = @transform_3, window_bounds = array<i64: 1, 128>}, {pipeline_mode = #tpu.pipeline_mode<synchronous>, transform_indices = @transform_4, window_bounds = array<i64: 1, 128>}, {pipeline_mode = #tpu.pipeline_mode<synchronous>, transform_indices = @transform_5, window_bounds = array<i64: 16, 128>}, {transform_indices = @transform_6, window_bounds = array<i64: 1>}, {pipeline_mode = #tpu.pipeline_mode<synchronous>, transform_indices = @transform_7, window_bounds = array<i64: 16, 128>}]} {
    %eq3A = arith.constant 0 : i32
    %eq3A_0 = arith.cmpi eq, %arg0, %eq3A : i32
    %convert_element_type3A = arith.extui %eq3A_0 : i1 to i32
    %cond3A = arith.constant 0 : i32
    %cond3A_1 = arith.cmpi ne, %convert_element_type3A, %cond3A : i32
    scf.if %cond3A_1 {
      %broadcast_in_dim3A = arith.constant 0.000000e+00 : f32
      %broadcast_in_dim3A_13 = vector.broadcast %broadcast_in_dim3A : f32 to vector<16x128xf32>
      %swap3A = arith.constant 0 : index
      %swap3A_14 = arith.constant 0 : index
      %swap3A_15 = vector.load %arg9[%swap3A, %swap3A_14] : memref<16x128xf32, #tpu.memory_space<vmem>>, vector<16x128xf32>
      tpu.vector_store %arg9[%swap3A, %swap3A_14], %broadcast_in_dim3A_13 {strides = array<i32>} : memref<16x128xf32, #tpu.memory_space<vmem>>, vector<16x128xf32>,
    } else {
    }
    %mul3A = arith.constant 256 : i32
    %mul3A_2 = arith.muli %arg0, %mul3A : i32
    %get3A = arith.constant 0 : index
    %get3A_3 = memref.load %arg7[%get3A] : memref<1xi32, #tpu.memory_space<smem>>
    %add3A = arith.constant 256 : i32
    %add3A_4 = arith.addi %mul3A_2, %add3A : i32
    %lt3A = arith.cmpi slt, %get3A_3, %add3A_4 : i32
    %convert_element_type3A_5 = arith.extui %lt3A : i1 to i32
    %cond3A_6 = arith.constant 0 : i32
    %cond3A_7 = arith.cmpi ne, %convert_element_type3A_5, %cond3A_6 : i32
    scf.if %cond3A_7 {
      %get3A_13 = arith.constant 0 : index
      %get3A_14 = arith.constant 0 : index
      %get3A_15 = vector.load %arg1[%get3A_13, %get3A_14] : memref<4096x128xf32, #tpu.memory_space<vmem>>, vector<4096x128xf32>
      %get3A_16 = arith.constant 0 : index
      %get3A_17 = arith.constant 0 : index
      %get3A_18 = vector.load %arg2[%get3A_16, %get3A_17] : memref<128x128xf32, #tpu.memory_space<vmem>>, vector<128x128xf32>
      %dot_general3A = arith.constant dense<0.000000e+00> : vector<4096x128xf32>
      %dot_general3A_19 = tpu.matmul %get3A_15, %get3A_18, %dot_general3A {dimension_numbers = #tpu.dot_dimension_numbers<[1], [1], [0], [0], [0, 0, 1, 0], [], []>, transpose_lhs_hint = false} : vector<4096x128xf32>, vector<128x128xf32>, vector<4096x128xf32> -> vector<4096x128xf32>
      %get3A_20 = arith.constant 0 : index
      %get3A_21 = arith.constant 0 : index
      %get3A_22 = vector.load %arg4[%get3A_20, %get3A_21] : memref<1x128xf32, #tpu.memory_space<vmem>>, vector<1x128xf32>
      %get3A_23 = arith.constant 0 : index
      %get3A_24 = arith.constant 0 : index
      %get3A_25 = vector.load %arg5[%get3A_23, %get3A_24] : memref<1x128xf32, #tpu.memory_space<vmem>>, vector<1x128xf32>
      %add3A_26 = arith.addf %get3A_22, %get3A_25 : vector<1x128xf32>
      %add3A_27 = vector.broadcast %add3A_26 : vector<1x128xf32> to vector<4096x128xf32>
      %add3A_28 = arith.addf %dot_general3A_19, %add3A_27 : vector<4096x128xf32>
      %swap3A = arith.constant 0 : index
      %swap3A_29 = arith.constant 0 : index
      %swap3A_30 = vector.load %arg10[%swap3A, %swap3A_29] : memref<4096x128xf32, #tpu.memory_space<vmem>>, vector<4096x128xf32>
      tpu.vector_store %arg10[%swap3A, %swap3A_29], %add3A_28 {strides = array<i32>} : memref<4096x128xf32, #tpu.memory_space<vmem>>, vector<4096x128xf32>,
      %get3A_31 = arith.constant 0 : index
      %get3A_32 = arith.constant 0 : index
      %get3A_33 = vector.load %arg3[%get3A_31, %get3A_32] : memref<128x128xf32, #tpu.memory_space<vmem>>, vector<128x128xf32>
      %get3A_34 = arith.constant 0 : index
      %get3A_35 = arith.constant 0 : index
      %get3A_36 = vector.load %arg6[%get3A_34, %get3A_35] : memref<16x128xi32, #tpu.memory_space<vmem>>, vector<16x128xi32>
      %get3A_37 = arith.constant 0 : index
      %get3A_38 = memref.load %arg7[%get3A_37] : memref<1xi32, #tpu.memory_space<smem>>
      %sub3A = arith.subi %get3A_38, %mul3A_2 : i32
      %jit3A = arith.constant 8 : i32
      %div3A = arith.divsi %sub3A, %jit3A : i32
      %sign3A = arith.constant 0 : i32
      %sign3A_39 = arith.cmpi sgt, %sub3A, %sign3A : i32
      %sign3A_40 = arith.extui %sign3A_39 : i1 to i32
      %sign3A_41 = arith.constant 0 : i32
      %sign3A_42 = arith.cmpi slt, %sub3A, %sign3A_41 : i32
      %sign3A_43 = arith.extui %sign3A_42 : i1 to i32
      %sign3A_44 = arith.subi %sign3A_40, %sign3A_43 : i32
      %sign3A_45 = arith.constant 0 : i32
      %sign3A_46 = arith.cmpi sgt, %jit3A, %sign3A_45 : i32
      %sign3A_47 = arith.extui %sign3A_46 : i1 to i32
      %sign3A_48 = arith.constant 0 : i32
      %sign3A_49 = arith.cmpi slt, %jit3A, %sign3A_48 : i32
      %sign3A_50 = arith.extui %sign3A_49 : i1 to i32
      %sign3A_51 = arith.subi %sign3A_47, %sign3A_50 : i32
      %ne3A = arith.cmpi ne, %sign3A_44, %sign3A_51 : i32
      %rem3A = arith.remsi %sub3A, %jit3A : i32
      %ne3A_52 = arith.constant 0 : i32
      %ne3A_53 = arith.cmpi ne, %rem3A, %ne3A_52 : i32
      %and3A = arith.andi %ne3A, %ne3A_53 : i1
      %sub3A_54 = arith.constant 1 : i32
      %sub3A_55 = arith.subi %div3A, %sub3A_54 : i32
      %select_n3A = arith.select %and3A, %sub3A_55, %div3A : i32
      %jit3A_56 = arith.constant 0 : i32
      %jit3A_57 = arith.constant 32 : i32
      %max3A = arith.maxsi %jit3A_56, %select_n3A : i32
      %min3A = arith.minsi %jit3A_57, %max3A : i32
      %get3A_58 = arith.constant 0 : index
      %get3A_59 = arith.constant 0 : index
      %get3A_60 = vector.load %arg9[%get3A_58, %get3A_59] : memref<16x128xf32, #tpu.memory_space<vmem>>, vector<16x128xf32>
      %while3A = arith.constant 32 : i32
      %while3A_61 = arith.subi %while3A, %min3A : i32
      %while3A_62 = arith.addi %min3A, %while3A_61 : i32
      %while3A_63 = arith.constant 1 : i32
      %while3A_64 = arith.divsi %while3A_61, %while3A_63 : i32
      %while3A_65 = arith.muli %while3A_64, %while3A_63 : i32
      %while3A_66 = arith.addi %min3A, %while3A_65 : i32
      %while3A_67 = arith.constant 1 : i32
      %while3A_68 = scf.for %while3A_74 = %min3A to %while3A_66 step %while3A_67 iter_args(%while3A_75 = %get3A_60) -> (vector<16x128xf32>)  : i32 {
        %mul3A_76 = arith.constant 8 : i32
        %mul3A_77 = arith.muli %while3A_74, %mul3A_76 : i32
        %add3A_78 = arith.constant 0 : i32
        %add3A_79 = arith.addi %mul3A_77, %add3A_78 : i32
        %mul3A_80 = arith.constant 16 : i32
        %mul3A_81 = arith.muli %add3A_79, %mul3A_80 : i32
        %get3A_82 = arith.index_cast %mul3A_81 : i32 to index
        %get3A_83 = arith.constant 0 : index
        %get3A_84 = vector.load %arg10[%get3A_82, %get3A_83] : memref<4096x128xf32, #tpu.memory_space<vmem>>, vector<16x128xf32>
        %dot_general3A_85 = arith.constant dense<0.000000e+00> : vector<16x128xf32>
        %dot_general3A_86 = tpu.matmul %while3A_75, %get3A_33, %dot_general3A_85 {dimension_numbers = #tpu.dot_dimension_numbers<[1], [0], [0], [1], [0, 0, 1, 1], [], []>, transpose_lhs_hint = false} : vector<16x128xf32>, vector<128x128xf32>, vector<16x128xf32> -> vector<16x128xf32>
        %add3A_87 = arith.addf %get3A_84, %dot_general3A_86 : vector<16x128xf32>
        %tanh3A = math.tanh %add3A_87 : vector<16x128xf32>
        %add3A_88 = arith.addi %mul3A_2, %add3A_79 : i32
        %le3A = vector.broadcast %add3A_88 : i32 to vector<16x128xi32>
        %le3A_89 = arith.cmpi sle, %get3A_36, %le3A : vector<16x128xi32>
        %select_n3A_90 = arith.select %le3A_89, %tanh3A, %while3A_75 : vector<16x128xi1>, vector<16x128xf32>
        %mul3A_91 = arith.constant 8 : i32
        %mul3A_92 = arith.muli %while3A_74, %mul3A_91 : i32
        %add3A_93 = arith.constant 1 : i32
        %add3A_94 = arith.addi %mul3A_92, %add3A_93 : i32
        %mul3A_95 = arith.constant 16 : i32
        %mul3A_96 = arith.muli %add3A_94, %mul3A_95 : i32
        %get3A_97 = arith.index_cast %mul3A_96 : i32 to index
        %get3A_98 = arith.constant 0 : index
        %get3A_99 = vector.load %arg10[%get3A_97, %get3A_98] : memref<4096x128xf32, #tpu.memory_space<vmem>>, vector<16x128xf32>
        %dot_general3A_100 = arith.constant dense<0.000000e+00> : vector<16x128xf32>
        %dot_general3A_101 = tpu.matmul %select_n3A_90, %get3A_33, %dot_general3A_100 {dimension_numbers = #tpu.dot_dimension_numbers<[1], [0], [0], [1], [0, 0, 1, 1], [], []>, transpose_lhs_hint = false} : vector<16x128xf32>, vector<128x128xf32>, vector<16x128xf32> -> vector<16x128xf32>
        %add3A_102 = arith.addf %get3A_99, %dot_general3A_101 : vector<16x128xf32>
        %tanh3A_103 = math.tanh %add3A_102 : vector<16x128xf32>
        %add3A_104 = arith.addi %mul3A_2, %add3A_94 : i32
        %le3A_105 = vector.broadcast %add3A_104 : i32 to vector<16x128xi32>
        %le3A_106 = arith.cmpi sle, %get3A_36, %le3A_105 : vector<16x128xi32>
        %select_n3A_107 = arith.select %le3A_106, %tanh3A_103, %select_n3A_90 : vector<16x128xi1>, vector<16x128xf32>
        %mul3A_108 = arith.constant 8 : i32
        %mul3A_109 = arith.muli %while3A_74, %mul3A_108 : i32
        %add3A_110 = arith.constant 2 : i32
        %add3A_111 = arith.addi %mul3A_109, %add3A_110 : i32
        %mul3A_112 = arith.constant 16 : i32
        %mul3A_113 = arith.muli %add3A_111, %mul3A_112 : i32
        %get3A_114 = arith.index_cast %mul3A_113 : i32 to index
        %get3A_115 = arith.constant 0 : index
        %get3A_116 = vector.load %arg10[%get3A_114, %get3A_115] : memref<4096x128xf32, #tpu.memory_space<vmem>>, vector<16x128xf32>
        %dot_general3A_117 = arith.constant dense<0.000000e+00> : vector<16x128xf32>
        %dot_general3A_118 = tpu.matmul %select_n3A_107, %get3A_33, %dot_general3A_117 {dimension_numbers = #tpu.dot_dimension_numbers<[1], [0], [0], [1], [0, 0, 1, 1], [], []>, transpose_lhs_hint = false} : vector<16x128xf32>, vector<128x128xf32>, vector<16x128xf32> -> vector<16x128xf32>
        %add3A_119 = arith.addf %get3A_116, %dot_general3A_118 : vector<16x128xf32>
        %tanh3A_120 = math.tanh %add3A_119 : vector<16x128xf32>
        %add3A_121 = arith.addi %mul3A_2, %add3A_111 : i32
        %le3A_122 = vector.broadcast %add3A_121 : i32 to vector<16x128xi32>
        %le3A_123 = arith.cmpi sle, %get3A_36, %le3A_122 : vector<16x128xi32>
        %select_n3A_124 = arith.select %le3A_123, %tanh3A_120, %select_n3A_107 : vector<16x128xi1>, vector<16x128xf32>
        %mul3A_125 = arith.constant 8 : i32
        %mul3A_126 = arith.muli %while3A_74, %mul3A_125 : i32
        %add3A_127 = arith.constant 3 : i32
        %add3A_128 = arith.addi %mul3A_126, %add3A_127 : i32
        %mul3A_129 = arith.constant 16 : i32
        %mul3A_130 = arith.muli %add3A_128, %mul3A_129 : i32
        %get3A_131 = arith.index_cast %mul3A_130 : i32 to index
        %get3A_132 = arith.constant 0 : index
        %get3A_133 = vector.load %arg10[%get3A_131, %get3A_132] : memref<4096x128xf32, #tpu.memory_space<vmem>>, vector<16x128xf32>
        %dot_general3A_134 = arith.constant dense<0.000000e+00> : vector<16x128xf32>
        %dot_general3A_135 = tpu.matmul %select_n3A_124, %get3A_33, %dot_general3A_134 {dimension_numbers = #tpu.dot_dimension_numbers<[1], [0], [0], [1], [0, 0, 1, 1], [], []>, transpose_lhs_hint = false} : vector<16x128xf32>, vector<128x128xf32>, vector<16x128xf32> -> vector<16x128xf32>
        %add3A_136 = arith.addf %get3A_133, %dot_general3A_135 : vector<16x128xf32>
        %tanh3A_137 = math.tanh %add3A_136 : vector<16x128xf32>
        %add3A_138 = arith.addi %mul3A_2, %add3A_128 : i32
        %le3A_139 = vector.broadcast %add3A_138 : i32 to vector<16x128xi32>
        %le3A_140 = arith.cmpi sle, %get3A_36, %le3A_139 : vector<16x128xi32>
        %select_n3A_141 = arith.select %le3A_140, %tanh3A_137, %select_n3A_124 : vector<16x128xi1>, vector<16x128xf32>
        %mul3A_142 = arith.constant 8 : i32
        %mul3A_143 = arith.muli %while3A_74, %mul3A_142 : i32
        %add3A_144 = arith.constant 4 : i32
        %add3A_145 = arith.addi %mul3A_143, %add3A_144 : i32
        %mul3A_146 = arith.constant 16 : i32
        %mul3A_147 = arith.muli %add3A_145, %mul3A_146 : i32
        %get3A_148 = arith.index_cast %mul3A_147 : i32 to index
        %get3A_149 = arith.constant 0 : index
        %get3A_150 = vector.load %arg10[%get3A_148, %get3A_149] : memref<4096x128xf32, #tpu.memory_space<vmem>>, vector<16x128xf32>
        %dot_general3A_151 = arith.constant dense<0.000000e+00> : vector<16x128xf32>
        %dot_general3A_152 = tpu.matmul %select_n3A_141, %get3A_33, %dot_general3A_151 {dimension_numbers = #tpu.dot_dimension_numbers<[1], [0], [0], [1], [0, 0, 1, 1], [], []>, transpose_lhs_hint = false} : vector<16x128xf32>, vector<128x128xf32>, vector<16x128xf32> -> vector<16x128xf32>
        %add3A_153 = arith.addf %get3A_150, %dot_general3A_152 : vector<16x128xf32>
        %tanh3A_154 = math.tanh %add3A_153 : vector<16x128xf32>
        %add3A_155 = arith.addi %mul3A_2, %add3A_145 : i32
        %le3A_156 = vector.broadcast %add3A_155 : i32 to vector<16x128xi32>
        %le3A_157 = arith.cmpi sle, %get3A_36, %le3A_156 : vector<16x128xi32>
        %select_n3A_158 = arith.select %le3A_157, %tanh3A_154, %select_n3A_141 : vector<16x128xi1>, vector<16x128xf32>
        %mul3A_159 = arith.constant 8 : i32
        %mul3A_160 = arith.muli %while3A_74, %mul3A_159 : i32
        %add3A_161 = arith.constant 5 : i32
        %add3A_162 = arith.addi %mul3A_160, %add3A_161 : i32
        %mul3A_163 = arith.constant 16 : i32
        %mul3A_164 = arith.muli %add3A_162, %mul3A_163 : i32
        %get3A_165 = arith.index_cast %mul3A_164 : i32 to index
        %get3A_166 = arith.constant 0 : index
        %get3A_167 = vector.load %arg10[%get3A_165, %get3A_166] : memref<4096x128xf32, #tpu.memory_space<vmem>>, vector<16x128xf32>
        %dot_general3A_168 = arith.constant dense<0.000000e+00> : vector<16x128xf32>
        %dot_general3A_169 = tpu.matmul %select_n3A_158, %get3A_33, %dot_general3A_168 {dimension_numbers = #tpu.dot_dimension_numbers<[1], [0], [0], [1], [0, 0, 1, 1], [], []>, transpose_lhs_hint = false} : vector<16x128xf32>, vector<128x128xf32>, vector<16x128xf32> -> vector<16x128xf32>
        %add3A_170 = arith.addf %get3A_167, %dot_general3A_169 : vector<16x128xf32>
        %tanh3A_171 = math.tanh %add3A_170 : vector<16x128xf32>
        %add3A_172 = arith.addi %mul3A_2, %add3A_162 : i32
        %le3A_173 = vector.broadcast %add3A_172 : i32 to vector<16x128xi32>
        %le3A_174 = arith.cmpi sle, %get3A_36, %le3A_173 : vector<16x128xi32>
        %select_n3A_175 = arith.select %le3A_174, %tanh3A_171, %select_n3A_158 : vector<16x128xi1>, vector<16x128xf32>
        %mul3A_176 = arith.constant 8 : i32
        %mul3A_177 = arith.muli %while3A_74, %mul3A_176 : i32
        %add3A_178 = arith.constant 6 : i32
        %add3A_179 = arith.addi %mul3A_177, %add3A_178 : i32
        %mul3A_180 = arith.constant 16 : i32
        %mul3A_181 = arith.muli %add3A_179, %mul3A_180 : i32
        %get3A_182 = arith.index_cast %mul3A_181 : i32 to index
        %get3A_183 = arith.constant 0 : index
        %get3A_184 = vector.load %arg10[%get3A_182, %get3A_183] : memref<4096x128xf32, #tpu.memory_space<vmem>>, vector<16x128xf32>
        %dot_general3A_185 = arith.constant dense<0.000000e+00> : vector<16x128xf32>
        %dot_general3A_186 = tpu.matmul %select_n3A_175, %get3A_33, %dot_general3A_185 {dimension_numbers = #tpu.dot_dimension_numbers<[1], [0], [0], [1], [0, 0, 1, 1], [], []>, transpose_lhs_hint = false} : vector<16x128xf32>, vector<128x128xf32>, vector<16x128xf32> -> vector<16x128xf32>
        %add3A_187 = arith.addf %get3A_184, %dot_general3A_186 : vector<16x128xf32>
        %tanh3A_188 = math.tanh %add3A_187 : vector<16x128xf32>
        %add3A_189 = arith.addi %mul3A_2, %add3A_179 : i32
        %le3A_190 = vector.broadcast %add3A_189 : i32 to vector<16x128xi32>
        %le3A_191 = arith.cmpi sle, %get3A_36, %le3A_190 : vector<16x128xi32>
        %select_n3A_192 = arith.select %le3A_191, %tanh3A_188, %select_n3A_175 : vector<16x128xi1>, vector<16x128xf32>
        %mul3A_193 = arith.constant 8 : i32
        %mul3A_194 = arith.muli %while3A_74, %mul3A_193 : i32
        %add3A_195 = arith.constant 7 : i32
        %add3A_196 = arith.addi %mul3A_194, %add3A_195 : i32
        %mul3A_197 = arith.constant 16 : i32
        %mul3A_198 = arith.muli %add3A_196, %mul3A_197 : i32
        %get3A_199 = arith.index_cast %mul3A_198 : i32 to index
        %get3A_200 = arith.constant 0 : index
        %get3A_201 = vector.load %arg10[%get3A_199, %get3A_200] : memref<4096x128xf32, #tpu.memory_space<vmem>>, vector<16x128xf32>
        %dot_general3A_202 = arith.constant dense<0.000000e+00> : vector<16x128xf32>
        %dot_general3A_203 = tpu.matmul %select_n3A_192, %get3A_33, %dot_general3A_202 {dimension_numbers = #tpu.dot_dimension_numbers<[1], [0], [0], [1], [0, 0, 1, 1], [], []>, transpose_lhs_hint = false} : vector<16x128xf32>, vector<128x128xf32>, vector<16x128xf32> -> vector<16x128xf32>
        %add3A_204 = arith.addf %get3A_201, %dot_general3A_203 : vector<16x128xf32>
        %tanh3A_205 = math.tanh %add3A_204 : vector<16x128xf32>
        %add3A_206 = arith.addi %mul3A_2, %add3A_196 : i32
        %le3A_207 = vector.broadcast %add3A_206 : i32 to vector<16x128xi32>
        %le3A_208 = arith.cmpi sle, %get3A_36, %le3A_207 : vector<16x128xi32>
        %select_n3A_209 = arith.select %le3A_208, %tanh3A_205, %select_n3A_192 : vector<16x128xi1>, vector<16x128xf32>
        scf.yield %select_n3A_209 : vector<16x128xf32>
      }
      %while3A_69 = arith.constant 1 : i32
      %while3A_70 = scf.for %while3A_74 = %while3A_66 to %while3A_62 step %while3A_69 iter_args(%while3A_75 = %while3A_68) -> (vector<16x128xf32>)  : i32 {
        %mul3A_76 = arith.constant 8 : i32
        %mul3A_77 = arith.muli %while3A_74, %mul3A_76 : i32
        %add3A_78 = arith.constant 0 : i32
        %add3A_79 = arith.addi %mul3A_77, %add3A_78 : i32
        %mul3A_80 = arith.constant 16 : i32
        %mul3A_81 = arith.muli %add3A_79, %mul3A_80 : i32
        %get3A_82 = arith.index_cast %mul3A_81 : i32 to index
        %get3A_83 = arith.constant 0 : index
        %get3A_84 = vector.load %arg10[%get3A_82, %get3A_83] : memref<4096x128xf32, #tpu.memory_space<vmem>>, vector<16x128xf32>
        %dot_general3A_85 = arith.constant dense<0.000000e+00> : vector<16x128xf32>
        %dot_general3A_86 = tpu.matmul %while3A_75, %get3A_33, %dot_general3A_85 {dimension_numbers = #tpu.dot_dimension_numbers<[1], [0], [0], [1], [0, 0, 1, 1], [], []>, transpose_lhs_hint = false} : vector<16x128xf32>, vector<128x128xf32>, vector<16x128xf32> -> vector<16x128xf32>
        %add3A_87 = arith.addf %get3A_84, %dot_general3A_86 : vector<16x128xf32>
        %tanh3A = math.tanh %add3A_87 : vector<16x128xf32>
        %add3A_88 = arith.addi %mul3A_2, %add3A_79 : i32
        %le3A = vector.broadcast %add3A_88 : i32 to vector<16x128xi32>
        %le3A_89 = arith.cmpi sle, %get3A_36, %le3A : vector<16x128xi32>
        %select_n3A_90 = arith.select %le3A_89, %tanh3A, %while3A_75 : vector<16x128xi1>, vector<16x128xf32>
        %mul3A_91 = arith.constant 8 : i32
        %mul3A_92 = arith.muli %while3A_74, %mul3A_91 : i32
        %add3A_93 = arith.constant 1 : i32
        %add3A_94 = arith.addi %mul3A_92, %add3A_93 : i32
        %mul3A_95 = arith.constant 16 : i32
        %mul3A_96 = arith.muli %add3A_94, %mul3A_95 : i32
        %get3A_97 = arith.index_cast %mul3A_96 : i32 to index
        %get3A_98 = arith.constant 0 : index
        %get3A_99 = vector.load %arg10[%get3A_97, %get3A_98] : memref<4096x128xf32, #tpu.memory_space<vmem>>, vector<16x128xf32>
        %dot_general3A_100 = arith.constant dense<0.000000e+00> : vector<16x128xf32>
        %dot_general3A_101 = tpu.matmul %select_n3A_90, %get3A_33, %dot_general3A_100 {dimension_numbers = #tpu.dot_dimension_numbers<[1], [0], [0], [1], [0, 0, 1, 1], [], []>, transpose_lhs_hint = false} : vector<16x128xf32>, vector<128x128xf32>, vector<16x128xf32> -> vector<16x128xf32>
        %add3A_102 = arith.addf %get3A_99, %dot_general3A_101 : vector<16x128xf32>
        %tanh3A_103 = math.tanh %add3A_102 : vector<16x128xf32>
        %add3A_104 = arith.addi %mul3A_2, %add3A_94 : i32
        %le3A_105 = vector.broadcast %add3A_104 : i32 to vector<16x128xi32>
        %le3A_106 = arith.cmpi sle, %get3A_36, %le3A_105 : vector<16x128xi32>
        %select_n3A_107 = arith.select %le3A_106, %tanh3A_103, %select_n3A_90 : vector<16x128xi1>, vector<16x128xf32>
        %mul3A_108 = arith.constant 8 : i32
        %mul3A_109 = arith.muli %while3A_74, %mul3A_108 : i32
        %add3A_110 = arith.constant 2 : i32
        %add3A_111 = arith.addi %mul3A_109, %add3A_110 : i32
        %mul3A_112 = arith.constant 16 : i32
        %mul3A_113 = arith.muli %add3A_111, %mul3A_112 : i32
        %get3A_114 = arith.index_cast %mul3A_113 : i32 to index
        %get3A_115 = arith.constant 0 : index
        %get3A_116 = vector.load %arg10[%get3A_114, %get3A_115] : memref<4096x128xf32, #tpu.memory_space<vmem>>, vector<16x128xf32>
        %dot_general3A_117 = arith.constant dense<0.000000e+00> : vector<16x128xf32>
        %dot_general3A_118 = tpu.matmul %select_n3A_107, %get3A_33, %dot_general3A_117 {dimension_numbers = #tpu.dot_dimension_numbers<[1], [0], [0], [1], [0, 0, 1, 1], [], []>, transpose_lhs_hint = false} : vector<16x128xf32>, vector<128x128xf32>, vector<16x128xf32> -> vector<16x128xf32>
        %add3A_119 = arith.addf %get3A_116, %dot_general3A_118 : vector<16x128xf32>
        %tanh3A_120 = math.tanh %add3A_119 : vector<16x128xf32>
        %add3A_121 = arith.addi %mul3A_2, %add3A_111 : i32
        %le3A_122 = vector.broadcast %add3A_121 : i32 to vector<16x128xi32>
        %le3A_123 = arith.cmpi sle, %get3A_36, %le3A_122 : vector<16x128xi32>
        %select_n3A_124 = arith.select %le3A_123, %tanh3A_120, %select_n3A_107 : vector<16x128xi1>, vector<16x128xf32>
        %mul3A_125 = arith.constant 8 : i32
        %mul3A_126 = arith.muli %while3A_74, %mul3A_125 : i32
        %add3A_127 = arith.constant 3 : i32
        %add3A_128 = arith.addi %mul3A_126, %add3A_127 : i32
        %mul3A_129 = arith.constant 16 : i32
        %mul3A_130 = arith.muli %add3A_128, %mul3A_129 : i32
        %get3A_131 = arith.index_cast %mul3A_130 : i32 to index
        %get3A_132 = arith.constant 0 : index
        %get3A_133 = vector.load %arg10[%get3A_131, %get3A_132] : memref<4096x128xf32, #tpu.memory_space<vmem>>, vector<16x128xf32>
        %dot_general3A_134 = arith.constant dense<0.000000e+00> : vector<16x128xf32>
        %dot_general3A_135 = tpu.matmul %select_n3A_124, %get3A_33, %dot_general3A_134 {dimension_numbers = #tpu.dot_dimension_numbers<[1], [0], [0], [1], [0, 0, 1, 1], [], []>, transpose_lhs_hint = false} : vector<16x128xf32>, vector<128x128xf32>, vector<16x128xf32> -> vector<16x128xf32>
        %add3A_136 = arith.addf %get3A_133, %dot_general3A_135 : vector<16x128xf32>
        %tanh3A_137 = math.tanh %add3A_136 : vector<16x128xf32>
        %add3A_138 = arith.addi %mul3A_2, %add3A_128 : i32
        %le3A_139 = vector.broadcast %add3A_138 : i32 to vector<16x128xi32>
        %le3A_140 = arith.cmpi sle, %get3A_36, %le3A_139 : vector<16x128xi32>
        %select_n3A_141 = arith.select %le3A_140, %tanh3A_137, %select_n3A_124 : vector<16x128xi1>, vector<16x128xf32>
        %mul3A_142 = arith.constant 8 : i32
        %mul3A_143 = arith.muli %while3A_74, %mul3A_142 : i32
        %add3A_144 = arith.constant 4 : i32
        %add3A_145 = arith.addi %mul3A_143, %add3A_144 : i32
        %mul3A_146 = arith.constant 16 : i32
        %mul3A_147 = arith.muli %add3A_145, %mul3A_146 : i32
        %get3A_148 = arith.index_cast %mul3A_147 : i32 to index
        %get3A_149 = arith.constant 0 : index
        %get3A_150 = vector.load %arg10[%get3A_148, %get3A_149] : memref<4096x128xf32, #tpu.memory_space<vmem>>, vector<16x128xf32>
        %dot_general3A_151 = arith.constant dense<0.000000e+00> : vector<16x128xf32>
        %dot_general3A_152 = tpu.matmul %select_n3A_141, %get3A_33, %dot_general3A_151 {dimension_numbers = #tpu.dot_dimension_numbers<[1], [0], [0], [1], [0, 0, 1, 1], [], []>, transpose_lhs_hint = false} : vector<16x128xf32>, vector<128x128xf32>, vector<16x128xf32> -> vector<16x128xf32>
        %add3A_153 = arith.addf %get3A_150, %dot_general3A_152 : vector<16x128xf32>
        %tanh3A_154 = math.tanh %add3A_153 : vector<16x128xf32>
        %add3A_155 = arith.addi %mul3A_2, %add3A_145 : i32
        %le3A_156 = vector.broadcast %add3A_155 : i32 to vector<16x128xi32>
        %le3A_157 = arith.cmpi sle, %get3A_36, %le3A_156 : vector<16x128xi32>
        %select_n3A_158 = arith.select %le3A_157, %tanh3A_154, %select_n3A_141 : vector<16x128xi1>, vector<16x128xf32>
        %mul3A_159 = arith.constant 8 : i32
        %mul3A_160 = arith.muli %while3A_74, %mul3A_159 : i32
        %add3A_161 = arith.constant 5 : i32
        %add3A_162 = arith.addi %mul3A_160, %add3A_161 : i32
        %mul3A_163 = arith.constant 16 : i32
        %mul3A_164 = arith.muli %add3A_162, %mul3A_163 : i32
        %get3A_165 = arith.index_cast %mul3A_164 : i32 to index
        %get3A_166 = arith.constant 0 : index
        %get3A_167 = vector.load %arg10[%get3A_165, %get3A_166] : memref<4096x128xf32, #tpu.memory_space<vmem>>, vector<16x128xf32>
        %dot_general3A_168 = arith.constant dense<0.000000e+00> : vector<16x128xf32>
        %dot_general3A_169 = tpu.matmul %select_n3A_158, %get3A_33, %dot_general3A_168 {dimension_numbers = #tpu.dot_dimension_numbers<[1], [0], [0], [1], [0, 0, 1, 1], [], []>, transpose_lhs_hint = false} : vector<16x128xf32>, vector<128x128xf32>, vector<16x128xf32> -> vector<16x128xf32>
        %add3A_170 = arith.addf %get3A_167, %dot_general3A_169 : vector<16x128xf32>
        %tanh3A_171 = math.tanh %add3A_170 : vector<16x128xf32>
        %add3A_172 = arith.addi %mul3A_2, %add3A_162 : i32
        %le3A_173 = vector.broadcast %add3A_172 : i32 to vector<16x128xi32>
        %le3A_174 = arith.cmpi sle, %get3A_36, %le3A_173 : vector<16x128xi32>
        %select_n3A_175 = arith.select %le3A_174, %tanh3A_171, %select_n3A_158 : vector<16x128xi1>, vector<16x128xf32>
        %mul3A_176 = arith.constant 8 : i32
        %mul3A_177 = arith.muli %while3A_74, %mul3A_176 : i32
        %add3A_178 = arith.constant 6 : i32
        %add3A_179 = arith.addi %mul3A_177, %add3A_178 : i32
        %mul3A_180 = arith.constant 16 : i32
        %mul3A_181 = arith.muli %add3A_179, %mul3A_180 : i32
        %get3A_182 = arith.index_cast %mul3A_181 : i32 to index
        %get3A_183 = arith.constant 0 : index
        %get3A_184 = vector.load %arg10[%get3A_182, %get3A_183] : memref<4096x128xf32, #tpu.memory_space<vmem>>, vector<16x128xf32>
        %dot_general3A_185 = arith.constant dense<0.000000e+00> : vector<16x128xf32>
        %dot_general3A_186 = tpu.matmul %select_n3A_175, %get3A_33, %dot_general3A_185 {dimension_numbers = #tpu.dot_dimension_numbers<[1], [0], [0], [1], [0, 0, 1, 1], [], []>, transpose_lhs_hint = false} : vector<16x128xf32>, vector<128x128xf32>, vector<16x128xf32> -> vector<16x128xf32>
        %add3A_187 = arith.addf %get3A_184, %dot_general3A_186 : vector<16x128xf32>
        %tanh3A_188 = math.tanh %add3A_187 : vector<16x128xf32>
        %add3A_189 = arith.addi %mul3A_2, %add3A_179 : i32
        %le3A_190 = vector.broadcast %add3A_189 : i32 to vector<16x128xi32>
        %le3A_191 = arith.cmpi sle, %get3A_36, %le3A_190 : vector<16x128xi32>
        %select_n3A_192 = arith.select %le3A_191, %tanh3A_188, %select_n3A_175 : vector<16x128xi1>, vector<16x128xf32>
        %mul3A_193 = arith.constant 8 : i32
        %mul3A_194 = arith.muli %while3A_74, %mul3A_193 : i32
        %add3A_195 = arith.constant 7 : i32
        %add3A_196 = arith.addi %mul3A_194, %add3A_195 : i32
        %mul3A_197 = arith.constant 16 : i32
        %mul3A_198 = arith.muli %add3A_196, %mul3A_197 : i32
        %get3A_199 = arith.index_cast %mul3A_198 : i32 to index
        %get3A_200 = arith.constant 0 : index
        %get3A_201 = vector.load %arg10[%get3A_199, %get3A_200] : memref<4096x128xf32, #tpu.memory_space<vmem>>, vector<16x128xf32>
        %dot_general3A_202 = arith.constant dense<0.000000e+00> : vector<16x128xf32>
        %dot_general3A_203 = tpu.matmul %select_n3A_192, %get3A_33, %dot_general3A_202 {dimension_numbers = #tpu.dot_dimension_numbers<[1], [0], [0], [1], [0, 0, 1, 1], [], []>, transpose_lhs_hint = false} : vector<16x128xf32>, vector<128x128xf32>, vector<16x128xf32> -> vector<16x128xf32>
        %add3A_204 = arith.addf %get3A_201, %dot_general3A_203 : vector<16x128xf32>
        %tanh3A_205 = math.tanh %add3A_204 : vector<16x128xf32>
        %add3A_206 = arith.addi %mul3A_2, %add3A_196 : i32
        %le3A_207 = vector.broadcast %add3A_206 : i32 to vector<16x128xi32>
        %le3A_208 = arith.cmpi sle, %get3A_36, %le3A_207 : vector<16x128xi32>
        %select_n3A_209 = arith.select %le3A_208, %tanh3A_205, %select_n3A_192 : vector<16x128xi1>, vector<16x128xf32>
        scf.yield %select_n3A_209 : vector<16x128xf32>
      }
      %swap3A_71 = arith.constant 0 : index
      %swap3A_72 = arith.constant 0 : index
      %swap3A_73 = vector.load %arg9[%swap3A_71, %swap3A_72] : memref<16x128xf32, #tpu.memory_space<vmem>>, vector<16x128xf32>
      tpu.vector_store %arg9[%swap3A_71, %swap3A_72], %while3A_70 {strides = array<i32>} : memref<16x128xf32, #tpu.memory_space<vmem>>, vector<16x128xf32>,
    } else {
    }
    %eq3A_8 = arith.constant 0 : i32
    %eq3A_9 = arith.cmpi eq, %arg0, %eq3A_8 : i32
    %convert_element_type3A_10 = arith.extui %eq3A_9 : i1 to i32
    %cond3A_11 = arith.constant 0 : i32
    %cond3A_12 = arith.cmpi ne, %convert_element_type3A_10, %cond3A_11 : i32
    scf.if %cond3A_12 {
      %get3A_13 = arith.constant 0 : index
      %get3A_14 = arith.constant 0 : index
      %get3A_15 = vector.load %arg9[%get3A_13, %get3A_14] : memref<16x128xf32, #tpu.memory_space<vmem>>, vector<16x128xf32>
      %swap3A = arith.constant 0 : index
      %swap3A_16 = arith.constant 0 : index
      %swap3A_17 = vector.load %arg8[%swap3A, %swap3A_16] : memref<16x128xf32, #tpu.memory_space<vmem>>, vector<16x128xf32>
      tpu.vector_store %arg8[%swap3A, %swap3A_16], %get3A_15 {strides = array<i32>} : memref<16x128xf32, #tpu.memory_space<vmem>>, vector<16x128xf32>,
    } else {
    }
    return
  }
  func.func @transform_0(%arg0: i32) -> (i32, i32) {
    %c0_i32 = arith.constant 0 : i32
    %c0_i32_0 = arith.constant 0 : i32
    return %arg0, %c0_i32 : i32, i32
  }
  func.func @transform_1(%arg0: i32) -> (i32, i32) {
    %c0_i32 = arith.constant 0 : i32
    %c0_i32_0 = arith.constant 0 : i32
    %c0_i32_1 = arith.constant 0 : i32
    return %c0_i32, %c0_i32_0 : i32, i32
  }
  func.func @transform_2(%arg0: i32) -> (i32, i32) {
    %c0_i32 = arith.constant 0 : i32
    %c0_i32_0 = arith.constant 0 : i32
    %c0_i32_1 = arith.constant 0 : i32
    return %c0_i32, %c0_i32_0 : i32, i32
  }
  func.func @transform_3(%arg0: i32) -> (i32, i32) {
    %c0_i32 = arith.constant 0 : i32
    %c0_i32_0 = arith.constant 0 : i32
    %c0_i32_1 = arith.constant 0 : i32
    return %c0_i32, %c0_i32_0 : i32, i32
  }
  func.func @transform_4(%arg0: i32) -> (i32, i32) {
    %c0_i32 = arith.constant 0 : i32
    %c0_i32_0 = arith.constant 0 : i32
    %c0_i32_1 = arith.constant 0 : i32
    return %c0_i32, %c0_i32_0 : i32, i32
  }
  func.func @transform_5(%arg0: i32) -> (i32, i32) {
    %c0_i32 = arith.constant 0 : i32
    %c0_i32_0 = arith.constant 0 : i32
    %c0_i32_1 = arith.constant 0 : i32
    return %c0_i32, %c0_i32_0 : i32, i32
  }
  func.func @transform_6(%arg0: i32) -> i32 {
    %c0_i32 = arith.constant 0 : i32
    %c0_i32_0 = arith.constant 0 : i32
    return %c0_i32 : i32
  }
  func.func @transform_7(%arg0: i32) -> (i32, i32) {
    %c0_i32 = arith.constant 0 : i32
    %c0_i32_0 = arith.constant 0 : i32
    %c0_i32_1 = arith.constant 0 : i32
    return %c0_i32, %c0_i32_0 : i32, i32
  }
}

module attributes {stable_mosaic.version = 14 : i64} {
  func.func @_scan_b_body(%arg0: i32, %arg1: memref<7168x128xf32, #tpu.memory_space<vmem>>, %arg2: memref<128x128xf32, #tpu.memory_space<vmem>>, %arg3: memref<128x128xf32, #tpu.memory_space<vmem>>, %arg4: memref<1x128xf32, #tpu.memory_space<vmem>>, %arg5: memref<1x128xf32, #tpu.memory_space<vmem>>, %arg6: memref<16x128xi32, #tpu.memory_space<vmem>>, %arg7: memref<1xi32, #tpu.memory_space<smem>>, %arg8: memref<16x128xf32, #tpu.memory_space<vmem>>, %arg9: memref<256x128xf32, #tpu.memory_space<vmem>>, %arg10: memref<1x256xf32, #tpu.memory_space<vmem>>, %arg11: memref<128x256xf32, #tpu.memory_space<vmem>>, %arg12: memref<1x128xf32, #tpu.memory_space<vmem>>, %arg13: memref<16x3xf32, #tpu.memory_space<vmem>>, %arg14: memref<16x128xf32, #tpu.memory_space<vmem>>, %arg15: memref<7168x128xf32, #tpu.memory_space<vmem>>) attributes {dimension_semantics = [#tpu.dimension_semantics<arbitrary>], iteration_bounds = array<i64: 4>, scalar_prefetch = 0 : i64, scratch_operands = 2 : i64, tpu.core_type = #tpu.core_type<tc>, window_params = [{transform_indices = @transform_0, window_bounds = array<i64: 7168, 128>}, {pipeline_mode = #tpu.pipeline_mode<synchronous>, transform_indices = @transform_1, window_bounds = array<i64: 128, 128>}, {pipeline_mode = #tpu.pipeline_mode<synchronous>, transform_indices = @transform_2, window_bounds = array<i64: 128, 128>}, {pipeline_mode = #tpu.pipeline_mode<synchronous>, transform_indices = @transform_3, window_bounds = array<i64: 1, 128>}, {pipeline_mode = #tpu.pipeline_mode<synchronous>, transform_indices = @transform_4, window_bounds = array<i64: 1, 128>}, {pipeline_mode = #tpu.pipeline_mode<synchronous>, transform_indices = @transform_5, window_bounds = array<i64: 16, 128>}, {transform_indices = @transform_6, window_bounds = array<i64: 1>}, {pipeline_mode = #tpu.pipeline_mode<synchronous>, transform_indices = @transform_7, window_bounds = array<i64: 16, 128>}, {pipeline_mode = #tpu.pipeline_mode<synchronous>, transform_indices = @transform_8, window_bounds = array<i64: 256, 128>}, {pipeline_mode = #tpu.pipeline_mode<synchronous>, transform_indices = @transform_9, window_bounds = array<i64: 1, 256>}, {pipeline_mode = #tpu.pipeline_mode<synchronous>, transform_indices = @transform_10, window_bounds = array<i64: 128, 256>}, {pipeline_mode = #tpu.pipeline_mode<synchronous>, transform_indices = @transform_11, window_bounds = array<i64: 1, 128>}, {pipeline_mode = #tpu.pipeline_mode<synchronous>, transform_indices = @transform_12, window_bounds = array<i64: 16, 3>}]} {
    %eq3A = arith.constant 0 : i32
    %eq3A_0 = arith.cmpi eq, %arg0, %eq3A : i32
    %convert_element_type3A = arith.extui %eq3A_0 : i1 to i32
    %cond3A = arith.constant 0 : i32
    %cond3A_1 = arith.cmpi ne, %convert_element_type3A, %cond3A : i32
    scf.if %cond3A_1 {
      %get3A_15 = arith.constant 0 : index
      %get3A_16 = arith.constant 0 : index
      %get3A_17 = vector.load %arg8[%get3A_15, %get3A_16] : memref<16x128xf32, #tpu.memory_space<vmem>>, vector<16x128xf32>
      %swap3A = arith.constant 0 : index
      %swap3A_18 = arith.constant 0 : index
      %swap3A_19 = vector.load %arg14[%swap3A, %swap3A_18] : memref<16x128xf32, #tpu.memory_space<vmem>>, vector<16x128xf32>
      tpu.vector_store %arg14[%swap3A, %swap3A_18], %get3A_17 {strides = array<i32>} : memref<16x128xf32, #tpu.memory_space<vmem>>, vector<16x128xf32>,
    } else {
    }
    %mul3A = arith.constant 448 : i32
    %mul3A_2 = arith.muli %arg0, %mul3A : i32
    %add3A = arith.constant 256 : i32
    %add3A_3 = arith.addi %add3A, %mul3A_2 : i32
    %get3A = arith.constant 0 : index
    %get3A_4 = memref.load %arg7[%get3A] : memref<1xi32, #tpu.memory_space<smem>>
    %add3A_5 = arith.constant 448 : i32
    %add3A_6 = arith.addi %add3A_3, %add3A_5 : i32
    %lt3A = arith.cmpi slt, %get3A_4, %add3A_6 : i32
    %convert_element_type3A_7 = arith.extui %lt3A : i1 to i32
    %cond3A_8 = arith.constant 0 : i32
    %cond3A_9 = arith.cmpi ne, %convert_element_type3A_7, %cond3A_8 : i32
    scf.if %cond3A_9 {
      %get3A_15 = arith.constant 0 : index
      %get3A_16 = arith.constant 0 : index
      %get3A_17 = vector.load %arg1[%get3A_15, %get3A_16] : memref<7168x128xf32, #tpu.memory_space<vmem>>, vector<7168x128xf32>
      %get3A_18 = arith.constant 0 : index
      %get3A_19 = arith.constant 0 : index
      %get3A_20 = vector.load %arg2[%get3A_18, %get3A_19] : memref<128x128xf32, #tpu.memory_space<vmem>>, vector<128x128xf32>
      %dot_general3A = arith.constant dense<0.000000e+00> : vector<7168x128xf32>
      %dot_general3A_21 = tpu.matmul %get3A_17, %get3A_20, %dot_general3A {dimension_numbers = #tpu.dot_dimension_numbers<[1], [1], [0], [0], [0, 0, 1, 0], [], []>, transpose_lhs_hint = false} : vector<7168x128xf32>, vector<128x128xf32>, vector<7168x128xf32> -> vector<7168x128xf32>
      %get3A_22 = arith.constant 0 : index
      %get3A_23 = arith.constant 0 : index
      %get3A_24 = vector.load %arg4[%get3A_22, %get3A_23] : memref<1x128xf32, #tpu.memory_space<vmem>>, vector<1x128xf32>
      %get3A_25 = arith.constant 0 : index
      %get3A_26 = arith.constant 0 : index
      %get3A_27 = vector.load %arg5[%get3A_25, %get3A_26] : memref<1x128xf32, #tpu.memory_space<vmem>>, vector<1x128xf32>
      %add3A_28 = arith.addf %get3A_24, %get3A_27 : vector<1x128xf32>
      %add3A_29 = vector.broadcast %add3A_28 : vector<1x128xf32> to vector<7168x128xf32>
      %add3A_30 = arith.addf %dot_general3A_21, %add3A_29 : vector<7168x128xf32>
      %swap3A = arith.constant 0 : index
      %swap3A_31 = arith.constant 0 : index
      %swap3A_32 = vector.load %arg15[%swap3A, %swap3A_31] : memref<7168x128xf32, #tpu.memory_space<vmem>>, vector<7168x128xf32>
      tpu.vector_store %arg15[%swap3A, %swap3A_31], %add3A_30 {strides = array<i32>} : memref<7168x128xf32, #tpu.memory_space<vmem>>, vector<7168x128xf32>,
      %get3A_33 = arith.constant 0 : index
      %get3A_34 = arith.constant 0 : index
      %get3A_35 = vector.load %arg3[%get3A_33, %get3A_34] : memref<128x128xf32, #tpu.memory_space<vmem>>, vector<128x128xf32>
      %get3A_36 = arith.constant 0 : index
      %get3A_37 = arith.constant 0 : index
      %get3A_38 = vector.load %arg6[%get3A_36, %get3A_37] : memref<16x128xi32, #tpu.memory_space<vmem>>, vector<16x128xi32>
      %get3A_39 = arith.constant 0 : index
      %get3A_40 = memref.load %arg7[%get3A_39] : memref<1xi32, #tpu.memory_space<smem>>
      %sub3A = arith.subi %get3A_40, %add3A_3 : i32
      %jit3A = arith.constant 8 : i32
      %div3A = arith.divsi %sub3A, %jit3A : i32
      %sign3A = arith.constant 0 : i32
      %sign3A_41 = arith.cmpi sgt, %sub3A, %sign3A : i32
      %sign3A_42 = arith.extui %sign3A_41 : i1 to i32
      %sign3A_43 = arith.constant 0 : i32
      %sign3A_44 = arith.cmpi slt, %sub3A, %sign3A_43 : i32
      %sign3A_45 = arith.extui %sign3A_44 : i1 to i32
      %sign3A_46 = arith.subi %sign3A_42, %sign3A_45 : i32
      %sign3A_47 = arith.constant 0 : i32
      %sign3A_48 = arith.cmpi sgt, %jit3A, %sign3A_47 : i32
      %sign3A_49 = arith.extui %sign3A_48 : i1 to i32
      %sign3A_50 = arith.constant 0 : i32
      %sign3A_51 = arith.cmpi slt, %jit3A, %sign3A_50 : i32
      %sign3A_52 = arith.extui %sign3A_51 : i1 to i32
      %sign3A_53 = arith.subi %sign3A_49, %sign3A_52 : i32
      %ne3A = arith.cmpi ne, %sign3A_46, %sign3A_53 : i32
      %rem3A = arith.remsi %sub3A, %jit3A : i32
      %ne3A_54 = arith.constant 0 : i32
      %ne3A_55 = arith.cmpi ne, %rem3A, %ne3A_54 : i32
      %and3A = arith.andi %ne3A, %ne3A_55 : i1
      %sub3A_56 = arith.constant 1 : i32
      %sub3A_57 = arith.subi %div3A, %sub3A_56 : i32
      %select_n3A = arith.select %and3A, %sub3A_57, %div3A : i32
      %jit3A_58 = arith.constant 0 : i32
      %jit3A_59 = arith.constant 56 : i32
      %max3A = arith.maxsi %jit3A_58, %select_n3A : i32
      %min3A = arith.minsi %jit3A_59, %max3A : i32
      %get3A_60 = arith.constant 0 : index
      %get3A_61 = arith.constant 0 : index
      %get3A_62 = vector.load %arg14[%get3A_60, %get3A_61] : memref<16x128xf32, #tpu.memory_space<vmem>>, vector<16x128xf32>
      %while3A = arith.constant 56 : i32
      %while3A_63 = arith.subi %while3A, %min3A : i32
      %while3A_64 = arith.addi %min3A, %while3A_63 : i32
      %while3A_65 = arith.constant 1 : i32
      %while3A_66 = arith.divsi %while3A_63, %while3A_65 : i32
      %while3A_67 = arith.muli %while3A_66, %while3A_65 : i32
      %while3A_68 = arith.addi %min3A, %while3A_67 : i32
      %while3A_69 = arith.constant 1 : i32
      %while3A_70 = scf.for %while3A_76 = %min3A to %while3A_68 step %while3A_69 iter_args(%while3A_77 = %get3A_62) -> (vector<16x128xf32>)  : i32 {
        %mul3A_78 = arith.constant 8 : i32
        %mul3A_79 = arith.muli %while3A_76, %mul3A_78 : i32
        %add3A_80 = arith.constant 0 : i32
        %add3A_81 = arith.addi %mul3A_79, %add3A_80 : i32
        %mul3A_82 = arith.constant 16 : i32
        %mul3A_83 = arith.muli %add3A_81, %mul3A_82 : i32
        %get3A_84 = arith.index_cast %mul3A_83 : i32 to index
        %get3A_85 = arith.constant 0 : index
        %get3A_86 = vector.load %arg15[%get3A_84, %get3A_85] : memref<7168x128xf32, #tpu.memory_space<vmem>>, vector<16x128xf32>
        %dot_general3A_87 = arith.constant dense<0.000000e+00> : vector<16x128xf32>
        %dot_general3A_88 = tpu.matmul %while3A_77, %get3A_35, %dot_general3A_87 {dimension_numbers = #tpu.dot_dimension_numbers<[1], [0], [0], [1], [0, 0, 1, 1], [], []>, transpose_lhs_hint = false} : vector<16x128xf32>, vector<128x128xf32>, vector<16x128xf32> -> vector<16x128xf32>
        %add3A_89 = arith.addf %get3A_86, %dot_general3A_88 : vector<16x128xf32>
        %tanh3A = math.tanh %add3A_89 : vector<16x128xf32>
        %add3A_90 = arith.addi %add3A_3, %add3A_81 : i32
        %le3A = vector.broadcast %add3A_90 : i32 to vector<16x128xi32>
        %le3A_91 = arith.cmpi sle, %get3A_38, %le3A : vector<16x128xi32>
        %select_n3A_92 = arith.select %le3A_91, %tanh3A, %while3A_77 : vector<16x128xi1>, vector<16x128xf32>
        %mul3A_93 = arith.constant 8 : i32
        %mul3A_94 = arith.muli %while3A_76, %mul3A_93 : i32
        %add3A_95 = arith.constant 1 : i32
        %add3A_96 = arith.addi %mul3A_94, %add3A_95 : i32
        %mul3A_97 = arith.constant 16 : i32
        %mul3A_98 = arith.muli %add3A_96, %mul3A_97 : i32
        %get3A_99 = arith.index_cast %mul3A_98 : i32 to index
        %get3A_100 = arith.constant 0 : index
        %get3A_101 = vector.load %arg15[%get3A_99, %get3A_100] : memref<7168x128xf32, #tpu.memory_space<vmem>>, vector<16x128xf32>
        %dot_general3A_102 = arith.constant dense<0.000000e+00> : vector<16x128xf32>
        %dot_general3A_103 = tpu.matmul %select_n3A_92, %get3A_35, %dot_general3A_102 {dimension_numbers = #tpu.dot_dimension_numbers<[1], [0], [0], [1], [0, 0, 1, 1], [], []>, transpose_lhs_hint = false} : vector<16x128xf32>, vector<128x128xf32>, vector<16x128xf32> -> vector<16x128xf32>
        %add3A_104 = arith.addf %get3A_101, %dot_general3A_103 : vector<16x128xf32>
        %tanh3A_105 = math.tanh %add3A_104 : vector<16x128xf32>
        %add3A_106 = arith.addi %add3A_3, %add3A_96 : i32
        %le3A_107 = vector.broadcast %add3A_106 : i32 to vector<16x128xi32>
        %le3A_108 = arith.cmpi sle, %get3A_38, %le3A_107 : vector<16x128xi32>
        %select_n3A_109 = arith.select %le3A_108, %tanh3A_105, %select_n3A_92 : vector<16x128xi1>, vector<16x128xf32>
        %mul3A_110 = arith.constant 8 : i32
        %mul3A_111 = arith.muli %while3A_76, %mul3A_110 : i32
        %add3A_112 = arith.constant 2 : i32
        %add3A_113 = arith.addi %mul3A_111, %add3A_112 : i32
        %mul3A_114 = arith.constant 16 : i32
        %mul3A_115 = arith.muli %add3A_113, %mul3A_114 : i32
        %get3A_116 = arith.index_cast %mul3A_115 : i32 to index
        %get3A_117 = arith.constant 0 : index
        %get3A_118 = vector.load %arg15[%get3A_116, %get3A_117] : memref<7168x128xf32, #tpu.memory_space<vmem>>, vector<16x128xf32>
        %dot_general3A_119 = arith.constant dense<0.000000e+00> : vector<16x128xf32>
        %dot_general3A_120 = tpu.matmul %select_n3A_109, %get3A_35, %dot_general3A_119 {dimension_numbers = #tpu.dot_dimension_numbers<[1], [0], [0], [1], [0, 0, 1, 1], [], []>, transpose_lhs_hint = false} : vector<16x128xf32>, vector<128x128xf32>, vector<16x128xf32> -> vector<16x128xf32>
        %add3A_121 = arith.addf %get3A_118, %dot_general3A_120 : vector<16x128xf32>
        %tanh3A_122 = math.tanh %add3A_121 : vector<16x128xf32>
        %add3A_123 = arith.addi %add3A_3, %add3A_113 : i32
        %le3A_124 = vector.broadcast %add3A_123 : i32 to vector<16x128xi32>
        %le3A_125 = arith.cmpi sle, %get3A_38, %le3A_124 : vector<16x128xi32>
        %select_n3A_126 = arith.select %le3A_125, %tanh3A_122, %select_n3A_109 : vector<16x128xi1>, vector<16x128xf32>
        %mul3A_127 = arith.constant 8 : i32
        %mul3A_128 = arith.muli %while3A_76, %mul3A_127 : i32
        %add3A_129 = arith.constant 3 : i32
        %add3A_130 = arith.addi %mul3A_128, %add3A_129 : i32
        %mul3A_131 = arith.constant 16 : i32
        %mul3A_132 = arith.muli %add3A_130, %mul3A_131 : i32
        %get3A_133 = arith.index_cast %mul3A_132 : i32 to index
        %get3A_134 = arith.constant 0 : index
        %get3A_135 = vector.load %arg15[%get3A_133, %get3A_134] : memref<7168x128xf32, #tpu.memory_space<vmem>>, vector<16x128xf32>
        %dot_general3A_136 = arith.constant dense<0.000000e+00> : vector<16x128xf32>
        %dot_general3A_137 = tpu.matmul %select_n3A_126, %get3A_35, %dot_general3A_136 {dimension_numbers = #tpu.dot_dimension_numbers<[1], [0], [0], [1], [0, 0, 1, 1], [], []>, transpose_lhs_hint = false} : vector<16x128xf32>, vector<128x128xf32>, vector<16x128xf32> -> vector<16x128xf32>
        %add3A_138 = arith.addf %get3A_135, %dot_general3A_137 : vector<16x128xf32>
        %tanh3A_139 = math.tanh %add3A_138 : vector<16x128xf32>
        %add3A_140 = arith.addi %add3A_3, %add3A_130 : i32
        %le3A_141 = vector.broadcast %add3A_140 : i32 to vector<16x128xi32>
        %le3A_142 = arith.cmpi sle, %get3A_38, %le3A_141 : vector<16x128xi32>
        %select_n3A_143 = arith.select %le3A_142, %tanh3A_139, %select_n3A_126 : vector<16x128xi1>, vector<16x128xf32>
        %mul3A_144 = arith.constant 8 : i32
        %mul3A_145 = arith.muli %while3A_76, %mul3A_144 : i32
        %add3A_146 = arith.constant 4 : i32
        %add3A_147 = arith.addi %mul3A_145, %add3A_146 : i32
        %mul3A_148 = arith.constant 16 : i32
        %mul3A_149 = arith.muli %add3A_147, %mul3A_148 : i32
        %get3A_150 = arith.index_cast %mul3A_149 : i32 to index
        %get3A_151 = arith.constant 0 : index
        %get3A_152 = vector.load %arg15[%get3A_150, %get3A_151] : memref<7168x128xf32, #tpu.memory_space<vmem>>, vector<16x128xf32>
        %dot_general3A_153 = arith.constant dense<0.000000e+00> : vector<16x128xf32>
        %dot_general3A_154 = tpu.matmul %select_n3A_143, %get3A_35, %dot_general3A_153 {dimension_numbers = #tpu.dot_dimension_numbers<[1], [0], [0], [1], [0, 0, 1, 1], [], []>, transpose_lhs_hint = false} : vector<16x128xf32>, vector<128x128xf32>, vector<16x128xf32> -> vector<16x128xf32>
        %add3A_155 = arith.addf %get3A_152, %dot_general3A_154 : vector<16x128xf32>
        %tanh3A_156 = math.tanh %add3A_155 : vector<16x128xf32>
        %add3A_157 = arith.addi %add3A_3, %add3A_147 : i32
        %le3A_158 = vector.broadcast %add3A_157 : i32 to vector<16x128xi32>
        %le3A_159 = arith.cmpi sle, %get3A_38, %le3A_158 : vector<16x128xi32>
        %select_n3A_160 = arith.select %le3A_159, %tanh3A_156, %select_n3A_143 : vector<16x128xi1>, vector<16x128xf32>
        %mul3A_161 = arith.constant 8 : i32
        %mul3A_162 = arith.muli %while3A_76, %mul3A_161 : i32
        %add3A_163 = arith.constant 5 : i32
        %add3A_164 = arith.addi %mul3A_162, %add3A_163 : i32
        %mul3A_165 = arith.constant 16 : i32
        %mul3A_166 = arith.muli %add3A_164, %mul3A_165 : i32
        %get3A_167 = arith.index_cast %mul3A_166 : i32 to index
        %get3A_168 = arith.constant 0 : index
        %get3A_169 = vector.load %arg15[%get3A_167, %get3A_168] : memref<7168x128xf32, #tpu.memory_space<vmem>>, vector<16x128xf32>
        %dot_general3A_170 = arith.constant dense<0.000000e+00> : vector<16x128xf32>
        %dot_general3A_171 = tpu.matmul %select_n3A_160, %get3A_35, %dot_general3A_170 {dimension_numbers = #tpu.dot_dimension_numbers<[1], [0], [0], [1], [0, 0, 1, 1], [], []>, transpose_lhs_hint = false} : vector<16x128xf32>, vector<128x128xf32>, vector<16x128xf32> -> vector<16x128xf32>
        %add3A_172 = arith.addf %get3A_169, %dot_general3A_171 : vector<16x128xf32>
        %tanh3A_173 = math.tanh %add3A_172 : vector<16x128xf32>
        %add3A_174 = arith.addi %add3A_3, %add3A_164 : i32
        %le3A_175 = vector.broadcast %add3A_174 : i32 to vector<16x128xi32>
        %le3A_176 = arith.cmpi sle, %get3A_38, %le3A_175 : vector<16x128xi32>
        %select_n3A_177 = arith.select %le3A_176, %tanh3A_173, %select_n3A_160 : vector<16x128xi1>, vector<16x128xf32>
        %mul3A_178 = arith.constant 8 : i32
        %mul3A_179 = arith.muli %while3A_76, %mul3A_178 : i32
        %add3A_180 = arith.constant 6 : i32
        %add3A_181 = arith.addi %mul3A_179, %add3A_180 : i32
        %mul3A_182 = arith.constant 16 : i32
        %mul3A_183 = arith.muli %add3A_181, %mul3A_182 : i32
        %get3A_184 = arith.index_cast %mul3A_183 : i32 to index
        %get3A_185 = arith.constant 0 : index
        %get3A_186 = vector.load %arg15[%get3A_184, %get3A_185] : memref<7168x128xf32, #tpu.memory_space<vmem>>, vector<16x128xf32>
        %dot_general3A_187 = arith.constant dense<0.000000e+00> : vector<16x128xf32>
        %dot_general3A_188 = tpu.matmul %select_n3A_177, %get3A_35, %dot_general3A_187 {dimension_numbers = #tpu.dot_dimension_numbers<[1], [0], [0], [1], [0, 0, 1, 1], [], []>, transpose_lhs_hint = false} : vector<16x128xf32>, vector<128x128xf32>, vector<16x128xf32> -> vector<16x128xf32>
        %add3A_189 = arith.addf %get3A_186, %dot_general3A_188 : vector<16x128xf32>
        %tanh3A_190 = math.tanh %add3A_189 : vector<16x128xf32>
        %add3A_191 = arith.addi %add3A_3, %add3A_181 : i32
        %le3A_192 = vector.broadcast %add3A_191 : i32 to vector<16x128xi32>
        %le3A_193 = arith.cmpi sle, %get3A_38, %le3A_192 : vector<16x128xi32>
        %select_n3A_194 = arith.select %le3A_193, %tanh3A_190, %select_n3A_177 : vector<16x128xi1>, vector<16x128xf32>
        %mul3A_195 = arith.constant 8 : i32
        %mul3A_196 = arith.muli %while3A_76, %mul3A_195 : i32
        %add3A_197 = arith.constant 7 : i32
        %add3A_198 = arith.addi %mul3A_196, %add3A_197 : i32
        %mul3A_199 = arith.constant 16 : i32
        %mul3A_200 = arith.muli %add3A_198, %mul3A_199 : i32
        %get3A_201 = arith.index_cast %mul3A_200 : i32 to index
        %get3A_202 = arith.constant 0 : index
        %get3A_203 = vector.load %arg15[%get3A_201, %get3A_202] : memref<7168x128xf32, #tpu.memory_space<vmem>>, vector<16x128xf32>
        %dot_general3A_204 = arith.constant dense<0.000000e+00> : vector<16x128xf32>
        %dot_general3A_205 = tpu.matmul %select_n3A_194, %get3A_35, %dot_general3A_204 {dimension_numbers = #tpu.dot_dimension_numbers<[1], [0], [0], [1], [0, 0, 1, 1], [], []>, transpose_lhs_hint = false} : vector<16x128xf32>, vector<128x128xf32>, vector<16x128xf32> -> vector<16x128xf32>
        %add3A_206 = arith.addf %get3A_203, %dot_general3A_205 : vector<16x128xf32>
        %tanh3A_207 = math.tanh %add3A_206 : vector<16x128xf32>
        %add3A_208 = arith.addi %add3A_3, %add3A_198 : i32
        %le3A_209 = vector.broadcast %add3A_208 : i32 to vector<16x128xi32>
        %le3A_210 = arith.cmpi sle, %get3A_38, %le3A_209 : vector<16x128xi32>
        %select_n3A_211 = arith.select %le3A_210, %tanh3A_207, %select_n3A_194 : vector<16x128xi1>, vector<16x128xf32>
        scf.yield %select_n3A_211 : vector<16x128xf32>
      }
      %while3A_71 = arith.constant 1 : i32
      %while3A_72 = scf.for %while3A_76 = %while3A_68 to %while3A_64 step %while3A_71 iter_args(%while3A_77 = %while3A_70) -> (vector<16x128xf32>)  : i32 {
        %mul3A_78 = arith.constant 8 : i32
        %mul3A_79 = arith.muli %while3A_76, %mul3A_78 : i32
        %add3A_80 = arith.constant 0 : i32
        %add3A_81 = arith.addi %mul3A_79, %add3A_80 : i32
        %mul3A_82 = arith.constant 16 : i32
        %mul3A_83 = arith.muli %add3A_81, %mul3A_82 : i32
        %get3A_84 = arith.index_cast %mul3A_83 : i32 to index
        %get3A_85 = arith.constant 0 : index
        %get3A_86 = vector.load %arg15[%get3A_84, %get3A_85] : memref<7168x128xf32, #tpu.memory_space<vmem>>, vector<16x128xf32>
        %dot_general3A_87 = arith.constant dense<0.000000e+00> : vector<16x128xf32>
        %dot_general3A_88 = tpu.matmul %while3A_77, %get3A_35, %dot_general3A_87 {dimension_numbers = #tpu.dot_dimension_numbers<[1], [0], [0], [1], [0, 0, 1, 1], [], []>, transpose_lhs_hint = false} : vector<16x128xf32>, vector<128x128xf32>, vector<16x128xf32> -> vector<16x128xf32>
        %add3A_89 = arith.addf %get3A_86, %dot_general3A_88 : vector<16x128xf32>
        %tanh3A = math.tanh %add3A_89 : vector<16x128xf32>
        %add3A_90 = arith.addi %add3A_3, %add3A_81 : i32
        %le3A = vector.broadcast %add3A_90 : i32 to vector<16x128xi32>
        %le3A_91 = arith.cmpi sle, %get3A_38, %le3A : vector<16x128xi32>
        %select_n3A_92 = arith.select %le3A_91, %tanh3A, %while3A_77 : vector<16x128xi1>, vector<16x128xf32>
        %mul3A_93 = arith.constant 8 : i32
        %mul3A_94 = arith.muli %while3A_76, %mul3A_93 : i32
        %add3A_95 = arith.constant 1 : i32
        %add3A_96 = arith.addi %mul3A_94, %add3A_95 : i32
        %mul3A_97 = arith.constant 16 : i32
        %mul3A_98 = arith.muli %add3A_96, %mul3A_97 : i32
        %get3A_99 = arith.index_cast %mul3A_98 : i32 to index
        %get3A_100 = arith.constant 0 : index
        %get3A_101 = vector.load %arg15[%get3A_99, %get3A_100] : memref<7168x128xf32, #tpu.memory_space<vmem>>, vector<16x128xf32>
        %dot_general3A_102 = arith.constant dense<0.000000e+00> : vector<16x128xf32>
        %dot_general3A_103 = tpu.matmul %select_n3A_92, %get3A_35, %dot_general3A_102 {dimension_numbers = #tpu.dot_dimension_numbers<[1], [0], [0], [1], [0, 0, 1, 1], [], []>, transpose_lhs_hint = false} : vector<16x128xf32>, vector<128x128xf32>, vector<16x128xf32> -> vector<16x128xf32>
        %add3A_104 = arith.addf %get3A_101, %dot_general3A_103 : vector<16x128xf32>
        %tanh3A_105 = math.tanh %add3A_104 : vector<16x128xf32>
        %add3A_106 = arith.addi %add3A_3, %add3A_96 : i32
        %le3A_107 = vector.broadcast %add3A_106 : i32 to vector<16x128xi32>
        %le3A_108 = arith.cmpi sle, %get3A_38, %le3A_107 : vector<16x128xi32>
        %select_n3A_109 = arith.select %le3A_108, %tanh3A_105, %select_n3A_92 : vector<16x128xi1>, vector<16x128xf32>
        %mul3A_110 = arith.constant 8 : i32
        %mul3A_111 = arith.muli %while3A_76, %mul3A_110 : i32
        %add3A_112 = arith.constant 2 : i32
        %add3A_113 = arith.addi %mul3A_111, %add3A_112 : i32
        %mul3A_114 = arith.constant 16 : i32
        %mul3A_115 = arith.muli %add3A_113, %mul3A_114 : i32
        %get3A_116 = arith.index_cast %mul3A_115 : i32 to index
        %get3A_117 = arith.constant 0 : index
        %get3A_118 = vector.load %arg15[%get3A_116, %get3A_117] : memref<7168x128xf32, #tpu.memory_space<vmem>>, vector<16x128xf32>
        %dot_general3A_119 = arith.constant dense<0.000000e+00> : vector<16x128xf32>
        %dot_general3A_120 = tpu.matmul %select_n3A_109, %get3A_35, %dot_general3A_119 {dimension_numbers = #tpu.dot_dimension_numbers<[1], [0], [0], [1], [0, 0, 1, 1], [], []>, transpose_lhs_hint = false} : vector<16x128xf32>, vector<128x128xf32>, vector<16x128xf32> -> vector<16x128xf32>
        %add3A_121 = arith.addf %get3A_118, %dot_general3A_120 : vector<16x128xf32>
        %tanh3A_122 = math.tanh %add3A_121 : vector<16x128xf32>
        %add3A_123 = arith.addi %add3A_3, %add3A_113 : i32
        %le3A_124 = vector.broadcast %add3A_123 : i32 to vector<16x128xi32>
        %le3A_125 = arith.cmpi sle, %get3A_38, %le3A_124 : vector<16x128xi32>
        %select_n3A_126 = arith.select %le3A_125, %tanh3A_122, %select_n3A_109 : vector<16x128xi1>, vector<16x128xf32>
        %mul3A_127 = arith.constant 8 : i32
        %mul3A_128 = arith.muli %while3A_76, %mul3A_127 : i32
        %add3A_129 = arith.constant 3 : i32
        %add3A_130 = arith.addi %mul3A_128, %add3A_129 : i32
        %mul3A_131 = arith.constant 16 : i32
        %mul3A_132 = arith.muli %add3A_130, %mul3A_131 : i32
        %get3A_133 = arith.index_cast %mul3A_132 : i32 to index
        %get3A_134 = arith.constant 0 : index
        %get3A_135 = vector.load %arg15[%get3A_133, %get3A_134] : memref<7168x128xf32, #tpu.memory_space<vmem>>, vector<16x128xf32>
        %dot_general3A_136 = arith.constant dense<0.000000e+00> : vector<16x128xf32>
        %dot_general3A_137 = tpu.matmul %select_n3A_126, %get3A_35, %dot_general3A_136 {dimension_numbers = #tpu.dot_dimension_numbers<[1], [0], [0], [1], [0, 0, 1, 1], [], []>, transpose_lhs_hint = false} : vector<16x128xf32>, vector<128x128xf32>, vector<16x128xf32> -> vector<16x128xf32>
        %add3A_138 = arith.addf %get3A_135, %dot_general3A_137 : vector<16x128xf32>
        %tanh3A_139 = math.tanh %add3A_138 : vector<16x128xf32>
        %add3A_140 = arith.addi %add3A_3, %add3A_130 : i32
        %le3A_141 = vector.broadcast %add3A_140 : i32 to vector<16x128xi32>
        %le3A_142 = arith.cmpi sle, %get3A_38, %le3A_141 : vector<16x128xi32>
        %select_n3A_143 = arith.select %le3A_142, %tanh3A_139, %select_n3A_126 : vector<16x128xi1>, vector<16x128xf32>
        %mul3A_144 = arith.constant 8 : i32
        %mul3A_145 = arith.muli %while3A_76, %mul3A_144 : i32
        %add3A_146 = arith.constant 4 : i32
        %add3A_147 = arith.addi %mul3A_145, %add3A_146 : i32
        %mul3A_148 = arith.constant 16 : i32
        %mul3A_149 = arith.muli %add3A_147, %mul3A_148 : i32
        %get3A_150 = arith.index_cast %mul3A_149 : i32 to index
        %get3A_151 = arith.constant 0 : index
        %get3A_152 = vector.load %arg15[%get3A_150, %get3A_151] : memref<7168x128xf32, #tpu.memory_space<vmem>>, vector<16x128xf32>
        %dot_general3A_153 = arith.constant dense<0.000000e+00> : vector<16x128xf32>
        %dot_general3A_154 = tpu.matmul %select_n3A_143, %get3A_35, %dot_general3A_153 {dimension_numbers = #tpu.dot_dimension_numbers<[1], [0], [0], [1], [0, 0, 1, 1], [], []>, transpose_lhs_hint = false} : vector<16x128xf32>, vector<128x128xf32>, vector<16x128xf32> -> vector<16x128xf32>
        %add3A_155 = arith.addf %get3A_152, %dot_general3A_154 : vector<16x128xf32>
        %tanh3A_156 = math.tanh %add3A_155 : vector<16x128xf32>
        %add3A_157 = arith.addi %add3A_3, %add3A_147 : i32
        %le3A_158 = vector.broadcast %add3A_157 : i32 to vector<16x128xi32>
        %le3A_159 = arith.cmpi sle, %get3A_38, %le3A_158 : vector<16x128xi32>
        %select_n3A_160 = arith.select %le3A_159, %tanh3A_156, %select_n3A_143 : vector<16x128xi1>, vector<16x128xf32>
        %mul3A_161 = arith.constant 8 : i32
        %mul3A_162 = arith.muli %while3A_76, %mul3A_161 : i32
        %add3A_163 = arith.constant 5 : i32
        %add3A_164 = arith.addi %mul3A_162, %add3A_163 : i32
        %mul3A_165 = arith.constant 16 : i32
        %mul3A_166 = arith.muli %add3A_164, %mul3A_165 : i32
        %get3A_167 = arith.index_cast %mul3A_166 : i32 to index
        %get3A_168 = arith.constant 0 : index
        %get3A_169 = vector.load %arg15[%get3A_167, %get3A_168] : memref<7168x128xf32, #tpu.memory_space<vmem>>, vector<16x128xf32>
        %dot_general3A_170 = arith.constant dense<0.000000e+00> : vector<16x128xf32>
        %dot_general3A_171 = tpu.matmul %select_n3A_160, %get3A_35, %dot_general3A_170 {dimension_numbers = #tpu.dot_dimension_numbers<[1], [0], [0], [1], [0, 0, 1, 1], [], []>, transpose_lhs_hint = false} : vector<16x128xf32>, vector<128x128xf32>, vector<16x128xf32> -> vector<16x128xf32>
        %add3A_172 = arith.addf %get3A_169, %dot_general3A_171 : vector<16x128xf32>
        %tanh3A_173 = math.tanh %add3A_172 : vector<16x128xf32>
        %add3A_174 = arith.addi %add3A_3, %add3A_164 : i32
        %le3A_175 = vector.broadcast %add3A_174 : i32 to vector<16x128xi32>
        %le3A_176 = arith.cmpi sle, %get3A_38, %le3A_175 : vector<16x128xi32>
        %select_n3A_177 = arith.select %le3A_176, %tanh3A_173, %select_n3A_160 : vector<16x128xi1>, vector<16x128xf32>
        %mul3A_178 = arith.constant 8 : i32
        %mul3A_179 = arith.muli %while3A_76, %mul3A_178 : i32
        %add3A_180 = arith.constant 6 : i32
        %add3A_181 = arith.addi %mul3A_179, %add3A_180 : i32
        %mul3A_182 = arith.constant 16 : i32
        %mul3A_183 = arith.muli %add3A_181, %mul3A_182 : i32
        %get3A_184 = arith.index_cast %mul3A_183 : i32 to index
        %get3A_185 = arith.constant 0 : index
        %get3A_186 = vector.load %arg15[%get3A_184, %get3A_185] : memref<7168x128xf32, #tpu.memory_space<vmem>>, vector<16x128xf32>
        %dot_general3A_187 = arith.constant dense<0.000000e+00> : vector<16x128xf32>
        %dot_general3A_188 = tpu.matmul %select_n3A_177, %get3A_35, %dot_general3A_187 {dimension_numbers = #tpu.dot_dimension_numbers<[1], [0], [0], [1], [0, 0, 1, 1], [], []>, transpose_lhs_hint = false} : vector<16x128xf32>, vector<128x128xf32>, vector<16x128xf32> -> vector<16x128xf32>
        %add3A_189 = arith.addf %get3A_186, %dot_general3A_188 : vector<16x128xf32>
        %tanh3A_190 = math.tanh %add3A_189 : vector<16x128xf32>
        %add3A_191 = arith.addi %add3A_3, %add3A_181 : i32
        %le3A_192 = vector.broadcast %add3A_191 : i32 to vector<16x128xi32>
        %le3A_193 = arith.cmpi sle, %get3A_38, %le3A_192 : vector<16x128xi32>
        %select_n3A_194 = arith.select %le3A_193, %tanh3A_190, %select_n3A_177 : vector<16x128xi1>, vector<16x128xf32>
        %mul3A_195 = arith.constant 8 : i32
        %mul3A_196 = arith.muli %while3A_76, %mul3A_195 : i32
        %add3A_197 = arith.constant 7 : i32
        %add3A_198 = arith.addi %mul3A_196, %add3A_197 : i32
        %mul3A_199 = arith.constant 16 : i32
        %mul3A_200 = arith.muli %add3A_198, %mul3A_199 : i32
        %get3A_201 = arith.index_cast %mul3A_200 : i32 to index
        %get3A_202 = arith.constant 0 : index
        %get3A_203 = vector.load %arg15[%get3A_201, %get3A_202] : memref<7168x128xf32, #tpu.memory_space<vmem>>, vector<16x128xf32>
        %dot_general3A_204 = arith.constant dense<0.000000e+00> : vector<16x128xf32>
        %dot_general3A_205 = tpu.matmul %select_n3A_194, %get3A_35, %dot_general3A_204 {dimension_numbers = #tpu.dot_dimension_numbers<[1], [0], [0], [1], [0, 0, 1, 1], [], []>, transpose_lhs_hint = false} : vector<16x128xf32>, vector<128x128xf32>, vector<16x128xf32> -> vector<16x128xf32>
        %add3A_206 = arith.addf %get3A_203, %dot_general3A_205 : vector<16x128xf32>
        %tanh3A_207 = math.tanh %add3A_206 : vector<16x128xf32>
        %add3A_208 = arith.addi %add3A_3, %add3A_198 : i32
        %le3A_209 = vector.broadcast %add3A_208 : i32 to vector<16x128xi32>
        %le3A_210 = arith.cmpi sle, %get3A_38, %le3A_209 : vector<16x128xi32>
        %select_n3A_211 = arith.select %le3A_210, %tanh3A_207, %select_n3A_194 : vector<16x128xi1>, vector<16x128xf32>
        scf.yield %select_n3A_211 : vector<16x128xf32>
      }
      %swap3A_73 = arith.constant 0 : index
      %swap3A_74 = arith.constant 0 : index
      %swap3A_75 = vector.load %arg14[%swap3A_73, %swap3A_74] : memref<16x128xf32, #tpu.memory_space<vmem>>, vector<16x128xf32>
      tpu.vector_store %arg14[%swap3A_73, %swap3A_74], %while3A_72 {strides = array<i32>} : memref<16x128xf32, #tpu.memory_space<vmem>>, vector<16x128xf32>,
    } else {
    }
    %eq3A_10 = arith.constant 3 : i32
    %eq3A_11 = arith.cmpi eq, %arg0, %eq3A_10 : i32
    %convert_element_type3A_12 = arith.extui %eq3A_11 : i1 to i32
    %cond3A_13 = arith.constant 0 : i32
    %cond3A_14 = arith.cmpi ne, %convert_element_type3A_12, %cond3A_13 : i32
    scf.if %cond3A_14 {
      %get3A_15 = arith.constant 0 : index
      %get3A_16 = arith.constant 0 : index
      %get3A_17 = vector.load %arg14[%get3A_15, %get3A_16] : memref<16x128xf32, #tpu.memory_space<vmem>>, vector<16x128xf32>
      %get3A_18 = arith.constant 0 : index
      %get3A_19 = arith.constant 0 : index
      %get3A_20 = vector.load %arg9[%get3A_18, %get3A_19] : memref<256x128xf32, #tpu.memory_space<vmem>>, vector<256x128xf32>
      %dot_general3A = arith.constant dense<0.000000e+00> : vector<16x256xf32>
      %dot_general3A_21 = tpu.matmul %get3A_17, %get3A_20, %dot_general3A {dimension_numbers = #tpu.dot_dimension_numbers<[1], [1], [0], [0], [0, 0, 1, 0], [], []>, transpose_lhs_hint = false} : vector<16x128xf32>, vector<256x128xf32>, vector<16x256xf32> -> vector<16x256xf32>
      %get3A_22 = arith.constant 0 : index
      %get3A_23 = arith.constant 0 : index
      %get3A_24 = vector.load %arg10[%get3A_22, %get3A_23] : memref<1x256xf32, #tpu.memory_space<vmem>>, vector<1x256xf32>
      %add3A_25 = vector.broadcast %get3A_24 : vector<1x256xf32> to vector<16x256xf32>
      %add3A_26 = arith.addf %dot_general3A_21, %add3A_25 : vector<16x256xf32>
      %max3A = arith.constant 0.000000e+00 : f32
      %max3A_27 = vector.broadcast %max3A : f32 to vector<16x256xf32>
      %max3A_28 = arith.maximumf %add3A_26, %max3A_27 : vector<16x256xf32>
      %get3A_29 = arith.constant 0 : index
      %get3A_30 = arith.constant 0 : index
      %get3A_31 = vector.load %arg11[%get3A_29, %get3A_30] : memref<128x256xf32, #tpu.memory_space<vmem>>, vector<128x256xf32>
      %dot_general3A_32 = arith.constant dense<0.000000e+00> : vector<16x128xf32>
      %dot_general3A_33 = tpu.matmul %max3A_28, %get3A_31, %dot_general3A_32 {dimension_numbers = #tpu.dot_dimension_numbers<[1], [1], [0], [0], [0, 0, 1, 0], [], []>, transpose_lhs_hint = false} : vector<16x256xf32>, vector<128x256xf32>, vector<16x128xf32> -> vector<16x128xf32>
      %get3A_34 = arith.constant 0 : index
      %get3A_35 = arith.constant 0 : index
      %get3A_36 = vector.load %arg12[%get3A_34, %get3A_35] : memref<1x128xf32, #tpu.memory_space<vmem>>, vector<1x128xf32>
      %add3A_37 = vector.broadcast %get3A_36 : vector<1x128xf32> to vector<16x128xf32>
      %add3A_38 = arith.addf %dot_general3A_33, %add3A_37 : vector<16x128xf32>
      %max3A_39 = arith.constant 0.000000e+00 : f32
      %max3A_40 = vector.broadcast %max3A_39 : f32 to vector<16x128xf32>
      %max3A_41 = arith.maximumf %add3A_38, %max3A_40 : vector<16x128xf32>
      %iota3A = tpu.iota {dimensions = array<i32: 1>} : vector<16x128xi32>
      %lt3A_42 = arith.constant 3 : i32
      %lt3A_43 = vector.broadcast %lt3A_42 : i32 to vector<16x128xi32>
      %lt3A_44 = arith.cmpi slt, %iota3A, %lt3A_43 : vector<16x128xi32>
      %jit3A = arith.constant -1.000000e+30 : f32
      %broadcast_in_dim3A = vector.broadcast %jit3A : f32 to vector<16x128xf32>
      %select_n3A = arith.select %lt3A_44, %max3A_41, %broadcast_in_dim3A : vector<16x128xi1>, vector<16x128xf32>
      %reduce_max3A = arith.constant dense<0xFF800000> : vector<16xf32>
      %reduce_max3A_45 = vector.multi_reduction <maximumf>, %select_n3A, %reduce_max3A [1] : vector<16x128xf32> to vector<16xf32>
      %broadcast_in_dim3A_46 = vector.shape_cast %reduce_max3A_45 : vector<16xf32> to vector<16x1xf32>
      %sub3A = vector.broadcast %broadcast_in_dim3A_46 : vector<16x1xf32> to vector<16x128xf32>
      %sub3A_47 = arith.subf %select_n3A, %sub3A : vector<16x128xf32>
      %exp3A = math.exp %sub3A_47 : vector<16x128xf32>
      %reduce_sum3A = arith.constant dense<0.000000e+00> : vector<16xf32>
      %reduce_sum3A_48 = vector.multi_reduction <add>, %exp3A, %reduce_sum3A [1] : vector<16x128xf32> to vector<16xf32>
      %broadcast_in_dim3A_49 = vector.shape_cast %reduce_sum3A_48 : vector<16xf32> to vector<16x1xf32>
      %log3A = math.log %broadcast_in_dim3A_49 : vector<16x1xf32>
      %sub3A_50 = vector.broadcast %log3A : vector<16x1xf32> to vector<16x128xf32>
      %sub3A_51 = arith.subf %sub3A_47, %sub3A_50 : vector<16x128xf32>
      %slice3A = vector.extract_strided_slice %sub3A_51 {offsets = [0, 0], sizes = [16, 3], strides = [1, 1]} : vector<16x128xf32> to vector<16x3xf32>
      %swap3A = arith.constant 0 : index
      %swap3A_52 = arith.constant 0 : index
      %swap3A_53 = vector.load %arg13[%swap3A, %swap3A_52] : memref<16x3xf32, #tpu.memory_space<vmem>>, vector<16x3xf32>
      tpu.vector_store %arg13[%swap3A, %swap3A_52], %slice3A {strides = array<i32>} : memref<16x3xf32, #tpu.memory_space<vmem>>, vector<16x3xf32>,
    } else {
    }
    return
  }
  func.func @transform_0(%arg0: i32) -> (i32, i32) {
    %c0_i32 = arith.constant 0 : i32
    %c0_i32_0 = arith.constant 0 : i32
    return %arg0, %c0_i32 : i32, i32
  }
  func.func @transform_1(%arg0: i32) -> (i32, i32) {
    %c0_i32 = arith.constant 0 : i32
    %c0_i32_0 = arith.constant 0 : i32
    %c0_i32_1 = arith.constant 0 : i32
    return %c0_i32, %c0_i32_0 : i32, i32
  }
  func.func @transform_2(%arg0: i32) -> (i32, i32) {
    %c0_i32 = arith.constant 0 : i32
    %c0_i32_0 = arith.constant 0 : i32
    %c0_i32_1 = arith.constant 0 : i32
    return %c0_i32, %c0_i32_0 : i32, i32
  }
  func.func @transform_3(%arg0: i32) -> (i32, i32) {
    %c0_i32 = arith.constant 0 : i32
    %c0_i32_0 = arith.constant 0 : i32
    %c0_i32_1 = arith.constant 0 : i32
    return %c0_i32, %c0_i32_0 : i32, i32
  }
  func.func @transform_4(%arg0: i32) -> (i32, i32) {
    %c0_i32 = arith.constant 0 : i32
    %c0_i32_0 = arith.constant 0 : i32
    %c0_i32_1 = arith.constant 0 : i32
    return %c0_i32, %c0_i32_0 : i32, i32
  }
  func.func @transform_5(%arg0: i32) -> (i32, i32) {
    %c0_i32 = arith.constant 0 : i32
    %c0_i32_0 = arith.constant 0 : i32
    %c0_i32_1 = arith.constant 0 : i32
    return %c0_i32, %c0_i32_0 : i32, i32
  }
  func.func @transform_6(%arg0: i32) -> i32 {
    %c0_i32 = arith.constant 0 : i32
    %c0_i32_0 = arith.constant 0 : i32
    return %c0_i32 : i32
  }
  func.func @transform_7(%arg0: i32) -> (i32, i32) {
    %c0_i32 = arith.constant 0 : i32
    %c0_i32_0 = arith.constant 0 : i32
    %c0_i32_1 = arith.constant 0 : i32
    return %c0_i32, %c0_i32_0 : i32, i32
  }
  func.func @transform_8(%arg0: i32) -> (i32, i32) {
    %c0_i32 = arith.constant 0 : i32
    %c0_i32_0 = arith.constant 0 : i32
    %c0_i32_1 = arith.constant 0 : i32
    return %c0_i32, %c0_i32_0 : i32, i32
  }
  func.func @transform_9(%arg0: i32) -> (i32, i32) {
    %c0_i32 = arith.constant 0 : i32
    %c0_i32_0 = arith.constant 0 : i32
    %c0_i32_1 = arith.constant 0 : i32
    return %c0_i32, %c0_i32_0 : i32, i32
  }
  func.func @transform_10(%arg0: i32) -> (i32, i32) {
    %c0_i32 = arith.constant 0 : i32
    %c0_i32_0 = arith.constant 0 : i32
    %c0_i32_1 = arith.constant 0 : i32
    return %c0_i32, %c0_i32_0 : i32, i32
  }
  func.func @transform_11(%arg0: i32) -> (i32, i32) {
    %c0_i32 = arith.constant 0 : i32
    %c0_i32_0 = arith.constant 0 : i32
    %c0_i32_1 = arith.constant 0 : i32
    return %c0_i32, %c0_i32_0 : i32, i32
  }
  func.func @transform_12(%arg0: i32) -> (i32, i32) {
    %c0_i32 = arith.constant 0 : i32
    %c0_i32_0 = arith.constant 0 : i32
    %c0_i32_1 = arith.constant 0 : i32
    return %c0_i32, %c0_i32_0 : i32, i32
  }
}

</mosaic_0001>

<sc_bundles>
// kernel: kernel.6.cloned.1.call-start
scs
__scs_entry_jumppad:
0x0: {  	(pc) =	sbr.rel $0x88, $3  }
0x1: {  	(tag) =	ssettag $0x0;
	lr =	simm.s32 $0x1  }
0x2: {  	[smem:$0x3F96] =	sst lr;
	_ =	strace $0xD0000000  }
0x3: {  	_ = 	snop  }
0x4: {  	_ = 	snop  }
0x5: {  	_ = 	snop  }
0x6: {  	_ = 	snop  }
0x7: {  	_ = 	snop  }
__scs_overlays_trampoline_lowered:
0x8: {  	[smem:$0x3FA5] =	sst s0  }
0x9: {  	[smem:$0x3FA6] =	sst s1  }
0xa: {  	[smem:$0x3FA7] =	sst s2  }
0xb: {  	[smem:$0x3FA8] =	sst s3  }
0xc: {  	[smem:$0x3FA9] =	sst s4  }
0xd: {  	[smem:$0x3FAA] =	sst s5  }
0xe: {  	[smem:$0x3FAB] =	sst s6  }
0xf: {  	[smem:$0x3FAC] =	sst s7  }
0x10: {  	[smem:$0x3FAD] =	sst s8  }
0x11: {  	[smem:$0x3FAE] =	sst s9;
	s0 =	simm.s32 @!p0 $0x0  }
0x12: {  	s1 =	sld [smem:$0x3F94];
	s0 =	simm.s32 @p0 $0x1  }
0x13: {  	[smem:$0x3FAF] =	sst s0;
	s0 =	simm.s32 @!p1 $0x0  }
0x14: {  	s2 =	sld [smem:$0x3F93];
	s0 =	simm.s32 @p1 $0x1  }
0x15: {  	[smem:$0x3FB0] =	sst s0;
	s0 =	simm.s32 @!p2 $0x0  }
0x16: {  	s3 =	sld [smem:$0x3FDB];
	s0 =	simm.s32 @p2 $0x1  }
0x17: {  	s4 =	simm.s32 $0x1BF5;
	[smem:$0x3FB2] =	sst s0  }
0x18: {  	s0 =	sld [smem:$0x3F95];
	_ =	swait.ge [sflag:s4], $0x0  }
0x19: {  	s7 =	sld [smem:$0x3F96]  }
0x1a: {  	s8 =	sadd.s32 $0xFFFFE003, lr  }
0x1b: {  	s9 =	sadd.s32 $0xFFFFFEF7, lr;
	s5 =	simm.s32 $0xFFFFFFFF;
	p2 =	slt.u32 s8, $0xFFFFF086  }
0x1c: {  	p1 =	slt.u32 s9, $0xF7A;
	s5 =	simm.s32 @!p2 $0x0  }
0x1d: {  	s5 =	simm.s32 @p1 $0x1;
	p0 =	seq.s32 s7, s2  }
0x1e: {  	s7 =	smul.u32 @!p0 $0xF7A, s2;
	p2 =	seq.s32 @!p0 s5, $0x0  }
0x1f: {  	s9 =	smul.u32 $0xF7A, s1;
	s8 =	simm.s32 @!p0 $0x1BF5;
	p2 =	por !p2, p0  }
0x20: {  	[sflag:s8] =	ssyncset.s32 @!p0 $0xFFFFF086;
	s6 =	sadd.s32 @!p0 s3, s7;
	s7 =	simm.s32 @!p0 $0x108  }
0x21: {  	s3 =	sadd.s32 s3, s9;
	s6 =	sadd.s32 @!p0 $0x88, s6;
	s7 =	simm.s32 @p2 $0x1082  }
0x22: {  	[simem:s7], [sflag:s8] =	dma.local @!p0 [hbm:s6], $0xF7A  }
0x23: {  	s9 =	sor.u32 $0xD0000000, s2;
	s6 =	simm.s32 $0x108;
	_ =	swait.ge @!p0 [sflag:s8], $0x0  }
0x24: {  	s3 =	sadd.s32 $0x88, s3;
	s6 =	simm.s32 @!p1 $0x1082;
	[sflag:s4] =	ssyncset.s32 $0xFFFFF086  }
0x25: {  	[simem:s6], [sflag:s4] =	dma.local [hbm:s3], $0xF7A  }
0x26: {  	[smem:$0x3F96] =	sst s1;
	(tag) =	ssettag s2;
	_ =	strace s9  }
0x27: {  	s1 =	sld [smem:$0x3FA6]  }
0x28: {  	s2 =	sld [smem:$0x3FA7]  }
0x29: {  	s4 =	sld [smem:$0x3FA9]  }
0x2a: {  	p0 =	seq.s32 s5, $0x0;
	s5 =	sld [smem:$0x3FAA]  }
0x2b: {  	s6 =	sld [smem:$0x3FAB]  }
0x2c: {  	s7 =	sld [smem:$0x3FAC]  }
0x2d: {  	s3 =	simm.s32 $0x108;
	s8 =	sld [smem:$0x3FAD]  }
0x2e: {  	s3 =	simm.s32 @!p0 $0x1082;
	s9 =	sld [smem:$0x3FAE]  }
0x2f: {  	lr =	sadd.s32 s0, s3;
	s0 =	sld [smem:$0x3FA5]  }
0x30: {  	s3 =	sld [smem:$0x3FA8]  }
0x31: {  	[smem:$0x3FB1] =	sst s10  }
0x32: {  	s10 =	sld [smem:$0x3FAF];
	_ =	sdelay $0x3  }
0x33: {  	p0 =	seq.s32 s10, $0x1;
	s10 =	sld [smem:$0x3FB1];
	_ =	sdelay $0x3  }
0x34: {  	[smem:$0x3FB1] =	sst s10  }
0x35: {  	s10 =	sld [smem:$0x3FB0];
	_ =	sdelay $0x3  }
0x36: {  	p1 =	seq.s32 s10, $0x1;
	s10 =	sld [smem:$0x3FB1];
	_ =	sdelay $0x3  }
0x37: {  	[smem:$0x3FB1] =	sst s10  }
0x38: {  	s10 =	sld [smem:$0x3FB2]  }
0x39: {  	_ = 	snop;
	(pc) =	sbr.ind lr, $3  }
0x3a: {  	_ = 	snop  }
0x3b: {  	_ = 	snop  }
0x3c: {  	p2 =	seq.s32 s10, $0x1;
	s10 =	sld [smem:$0x3FB1]  }
0x3d: {  	_ =	shalt  }
0x3e: {  	_ =	shalt  }
0x3f: {  	_ =	shalt  }
0x40: {  	_ =	shalt  }
0x41: {  	_ =	shalt  }
0x42: {  	_ =	shalt  }
0x43: {  	_ =	shalt  }
0x44: {  	_ =	shalt  }
0x45: {  	_ =	shalt  }
0x46: {  	_ =	shalt  }
0x47: {  	_ =	shalt  }
0x48: {  	_ =	shalt  }
0x49: {  	_ =	shalt  }
0x4a: {  	_ =	shalt  }
0x4b: {  	_ =	shalt  }
0x4c: {  	_ =	shalt  }
0x4d: {  	_ =	shalt  }
0x4e: {  	_ =	shalt  }
0x4f: {  	_ =	shalt  }
0x50: {  	_ =	shalt  }
0x51: {  	_ =	shalt  }
0x52: {  	_ =	shalt  }
0x53: {  	_ =	shalt  }
0x54: {  	_ =	shalt  }
0x55: {  	_ =	shalt  }
0x56: {  	_ =	shalt  }
0x57: {  	_ =	shalt  }
0x58: {  	_ =	shalt  }
0x59: {  	_ =	shalt  }
0x5a: {  	_ =	shalt  }
0x5b: {  	_ =	shalt  }
0x5c: {  	_ =	shalt  }
0x5d: {  	_ =	shalt  }
0x5e: {  	_ =	shalt  }
0x5f: {  	_ =	shalt  }
0x60: {  	_ =	shalt  }
0x61: {  	_ =	shalt  }
0x62: {  	_ =	shalt  }
0x63: {  	_ =	shalt  }
0x64: {  	_ =	shalt  }
0x65: {  	_ =	shalt  }
0x66: {  	_ =	shalt  }
0x67: {  	_ =	shalt  }
0x68: {  	_ =	shalt  }
0x69: {  	_ =	shalt  }
0x6a: {  	_ =	shalt  }
0x6b: {  	_ =	shalt  }
0x6c: {  	_ =	shalt  }
0x6d: {  	_ =	shalt  }
0x6e: {  	_ =	shalt  }
0x6f: {  	_ =	shalt  }
0x70: {  	_ =	shalt  }
0x71: {  	_ =	shalt  }
0x72: {  	_ =	shalt  }
0x73: {  	_ =	shalt  }
0x74: {  	_ =	shalt  }
0x75: {  	_ =	shalt  }
0x76: {  	_ =	shalt  }
0x77: {  	_ =	shalt  }
0x78: {  	_ =	shalt  }
0x79: {  	_ =	shalt  }
0x7a: {  	_ =	shalt  }
0x7b: {  	_ =	shalt  }
0x7c: {  	_ =	shalt  }
0x7d: {  	_ =	shalt  }
0x7e: {  	_ =	shalt  }
0x7f: {  	_ =	shalt  }
0x80: {  	_ =	shalt  }
0x81: {  	_ =	shalt  }
0x82: {  	_ =	shalt  }
0x83: {  	_ =	shalt  }
0x84: {  	_ =	shalt  }
0x85: {  	_ =	shalt  }
0x86: {  	_ =	shalt  }
0x87: {  	_ =	shalt  }
.Lfunc_end0:
.L_simem_size_0:
called_computation_lowered:
.L_overlay_start_0:
0x88: {  	s2 =	sld [smem:$0x3FD9]  }
0x89: {  	s3 =	sld [smem:$0x3FFE];
	_ =	sdelay $0x1  }
0x8a: {  	s1 =	srdreg.scid  }
0x8b: {  	s0 =	sand.u32 $0x1, s1  }
0x8c: {  	s17 =	sshll.u32 s0, $0xA;
	s2 =	sadd.s32 s3, s2  }
0x8d: {  	s2 =	sadd.s32 s2, s17  }
0x8e: {  	[smem:$0x3FBD] =	sst s2  }
0x8f: {  	_ = 	snop  }
0x90: {  	s2 =	sld [smem:$0x3FC7];
	(tm) =	ssettm $0x1  }
0x91: {  	s18 =	sld [smem:$0x3FFB];
	_ =	sdelay $0x3  }
0x92: {  	_ =	strace s18  }
0x93: {  	s3 =	sld [smem:$0x3FFC];
	_ =	sdelay $0x3  }
0x94: {  	_ =	strace s3  }
0x95: {  	s3 =	sld [smem:$0x3FFD];
	_ =	sdelay $0x3  }
0x96: {  	_ =	strace s3  }
0x97: {  	_ =	strace $0x8FFFFFFF  }
0x98: {  	s19 =	sld [smem:$0x3FDB];
	_ =	sdelay $0x1  }
0x99: {  	s4 =	simm.s32 $_scs_section_size  }
0x9a: {  	s5 =	simm.s32 $_size__tile_overlayer_lowered;
	s6 =	simm.s32 $_tile_overlayer_lowered  }
0x9b: {  	s22 =	simm.s32 $0x1BFF;
	s21 =	sshll.u32 s6, $0x1;
	s3 =	sadd.s32 s4, s19  }
0x9c: {  	s7 =	simm.s32 $0x0;
	s20 =	sshll.u32 s5, $0x1;
	s5 =	sadd.s32 s21, s3  }
0x9d: {  	[timem:s7], [sflag:s22] =	dma.local [hbm:s5], s20  }
0x9e: {  	_ =	swait.ge [sflag:s22], s20  }
0x9f: {  	s4 =	ssub.s32 $0x0, s20;
	[sflag:s22] =	ssyncset.done $0x0  }
0xa0: {  	[sflag:s22] =	ssyncadd.s32 s4;
	_ =	sdelay $0x1  }
0xa1: {  	s23 =	simm.s32 $0x1B8B  }
0xa2: {  	_ =	swait.ge [sflag:s23], $0x1  }
0xa3: {  	[sflag:s23] =	ssyncset.done $0x0  }
0xa4: {  	s25 =	simm.s32 $0x1B8E;
	s24 =	sld [smem:$0x3FFE];
	[sflag:s23] =	ssyncadd.s32 $0xFFFFFFFF  }
0xa5: {  	s26 =	simm.s32 $execute0_lowered;
	[smem:$0x3FD2] =	sst s25  }
0xa6: {  	s5 =	sshll.u32 s26, $0x1;
	_ =	strace $0x80000046;
	[dreg:$0x1] =	wrdreg $0xFFFFFFFF  }
0xa7: {  	s28 =	simm.s32 $_size_execute0_lowered;
	s3 =	sadd.s32 s3, s5;
	[dreg:$0x0] =	wrdreg $0x0  }
0xa8: {  	s5 =	sshll.u32 s28, $0x1;
	[dreg:$0x2] =	wrdreg s3  }
0xa9: {  	[dreg:$0x3] =	wrdreg s5  }
0xaa: {  	[dreg:$0x4] =	wrdreg $0xC0  }
0xab: {  	_ =	task [dreg:s7], $0x5FFFF  }
0xac: {  	[dreg:$0x1] =	wrdreg $0xFFFFFFFF  }
0xad: {  	[dreg:$0x0] =	wrdreg $0x60  }
0xae: {  	[dreg:$0x2] =	wrdreg s24  }
0xaf: {  	[dreg:$0x3] =	wrdreg s2  }
0xb0: {  	[dreg:$0x4] =	wrdreg $0x9  }
0xb1: {  	_ =	task.clear_ibuf [dreg:s7], $0x5FFFF;
	_ =	strace $0x90000046  }
0xb2: {  	s29 =	simm.s32 $0x9;
	_ =	strace $0x80000048  }
0xb3: {  	_ =	swait.ge [sflag:s29], $0x1  }
0xb4: {  	[sflag:s29] =	ssyncadd.s32 $0xFFFFFFFF  }
0xb5: {  	_ =	strace $0x90000048  }
0xb6: {  	_ =	sfence  }
0xb7: {  	s30 =	sld [smem:$0x0];
	_ =	sdelay $0x2  }
0xb8: {  	s31 =	sshll.u32 s1, $0xD;
	s1 =	sshrl.u32 s1, $0x2  }
0xb9: {  	s3 =	sand.u32 $0x4000, s31;
	s1 =	sadd.s32 s1, s30  }
0xba: {  	s0 =	sor.u32 s3, s0;
	s1 =	sshll.u32 s1, $0x11  }
0xbb: {  	s0 =	sor.u32 s1, s0  }
0xbc: {  	s0 =	sadd.s32 $0x8F2B, s0  }
0xbd: {  	[sflag:s0] =	ssyncadd.remote.s32 $0x1  }
0xbe: {  	_ =	sfence.sel $0xFFFF  }
0xbf: {  	[dreg:$0x0] =	wrdreg $0xFFFFFFFF;
	(pc) =	sbr.abs _section_cstart, $3  }
0xc0: {  	[dreg:$0x1] =	wrdreg $0xFFFFFFFF  }
0xc1: {  	_ =	task.clear_ibuf [dreg:s7], $0x2FFFF;
	_ =	strace $0x9FFFFFFF  }
0xc2: {  	(tm) =	ssettm $0x7FFFFFFF  }
0xc3: {  	_ =	shalt  }
tec
execute0_lowered:
.L_overlay_start_1:
0x0: {  	(tag) =	ssettag $0x1  }
0x1: {  	s1 =	srdreg.scid  }
0x2: {  	s0 =	stileid.u32;
	s6 =	sand.u32 $0x1, s1  }
0x3: {  	s30 =	sshll.u32 s0, $0x8;
	s2 =	sshll.u32 s6, $0x7  }
0x4: {  	s8 =	sor.u32 s2, s30  }
0x5: {  	s7 =	rddreg [dreg:$0x0];
	s4 =	sxor.u32 $0x7F80, s8  }
0x6: {  	s3 =	rddreg [dreg:$0x1];
	s2 =	simm.s32 $0x0;
	s4 =	sshrl.u32 s4, $0x3  }
0x7: {  	s5 =	simm.s32 $0x3;
	[smem:$0x7FF] =	sst s2;
	s4 =	sadd.s32 s4, s7  }
0x8: {  	s1 =	rddreg [dreg:$0x2];
	_ =	strace $0x80000047;
	s4 =	sadd.s32 $0x1600, s4  }
0x9: {  	[tilespmem:s2], [sflag:$0x3] =	stream.linear.gather [hbm4b:s4+s2], $0x80, $0x38;
	[tilespmem:$0x4100] =	vst v63  }
0xa: {  	_ =	swait.ge [sflag:s5], $0x80  }
0xb: {  	[sflag:s5] =	ssyncset.done $0x0  }
0xc: {  	[sflag:s5] =	ssyncadd.s32 $0xFFFFFF80  }
0xd: {  	v0 =	vld [tilespmem:$0x0]  }
0xe: {  	v1 =	vld [tilespmem:$0x20]  }
0xf: {  	v2 =	vld [tilespmem:$0x10]  }
0x10: {  	s6 =	ssub.s32 $0x2, s6;
	v3 =	vld [tilespmem:$0x40]  }
0x11: {  	s9 =	sshrl.u32 s6, $0x1;
	v4 =	vld [tilespmem:$0x70]  }
0x12: {  	s31 =	ssub.s32 s6, s9;
	v5 =	vld [tilespmem:$0x30];
	[tilespmem:$0xF0] =	vst v0  }
0x13: {  	s11 =	smax.u32 s31, $0x1;
	v62 =	vld [tilespmem:$0x50];
	[tilespmem:$0xD0] =	vst v1  }
0x14: {  	p0 =	sne.s32 s11, $0x1;
	v63 =	vld [tilespmem:$0x60];
	[tilespmem:$0xE0] =	vst v2  }
.Ltmp0:
0x15: {  	[tilespmem:$0xB0] =	vst v3;
	(pc) =	sbr.rel @!p0 .LBB2_2-.Ltmp0, $4  }
0x16: {  	[tilespmem:$0x80] =	vst v4  }
0x17: {  	s10 =	simm.s32 $0x1;
	s8 =	sshll.u32 s8, $0x4;
	[tilespmem:$0xC0] =	vst v5  }
0x18: {  	s9 =	simm.s32 $0x80;
	s7 =	sadd.s32 s8, s7;
	s8 =	simm.s32 $0x2;
	[tilespmem:$0xA0] =	vst v62  }
0x19: {  	s11 =	sadd.s32 $0xFFFFFFFF, s11;
	s6 =	sadd.s32 $0x2600, s7;
	s7 =	simm.s32 $0x100;
	[tilespmem:$0x90] =	vst v63  }
.LBB2_1:
0x1a: {  	[tilespmem:s7], [sflag:$0x1] =	stream.indirect.gather [hbm4b:s3+s9], $0x80, s9, s9, $0xb8;
	[tilespmem:$0x4100] =	vst v63  }
0x1b: {  	p0 =	sne.s32 s11, $0x1;
	s11 =	sadd.s32 $0xFFFFFFFF, s11;
	_ =	swait.ge [sflag:s10], $0x4000  }
0x1c: {  	[sflag:s10] =	ssyncset.done $0x0  }
0x1d: {  	[sflag:s10] =	ssyncadd.s32 $0xFFFFC000  }
0x1e: {  	[hbm4b:s6+s2] =	stream.linear.scatter [tilespmem:s7], [sflag:$0x2], $0x4000, $0x38;
	[tilespmem:$0x4100] =	vst v63  }
0x1f: {  	_ =	swait.ge [sflag:s8], $0x4000  }
0x20: {  	[sflag:s8] =	ssyncset.done $0x0  }
0x21: {  	[sflag:s8] =	ssyncadd.s32 $0xFFFFC000  }
0x22: {  	[tilespmem:s2], [sflag:$0x3] =	stream.linear.gather [hbm4b:s4+s2], $0x80, $0x38;
	[tilespmem:$0x4100] =	vst v63  }
0x23: {  	_ =	swait.ge [sflag:s5], $0x80  }
0x24: {  	[sflag:s5] =	ssyncset.done $0x0  }
0x25: {  	[sflag:s5] =	ssyncadd.s32 $0xFFFFFF80  }
0x26: {  	v0 =	vld [tilespmem:$0x0]  }
0x27: {  	v1 =	vld [tilespmem:$0x20]  }
0x28: {  	v2 =	vld [tilespmem:$0x10]  }
0x29: {  	v3 =	vld [tilespmem:$0x40]  }
0x2a: {  	v4 =	vld [tilespmem:$0x70]  }
0x2b: {  	v5 =	vld [tilespmem:$0x30];
	[tilespmem:$0xF0] =	vst v0  }
0x2c: {  	v0 =	vld [tilespmem:$0x50];
	[tilespmem:$0xD0] =	vst v1  }
0x2d: {  	v1 =	vld [tilespmem:$0x60];
	[tilespmem:$0xE0] =	vst v2  }
.Ltmp1:
0x2e: {  	[tilespmem:$0xB0] =	vst v3;
	(pc) =	sbr.rel @p0 .LBB2_1-.Ltmp1, $4  }
0x2f: {  	[tilespmem:$0x80] =	vst v4  }
0x30: {  	[tilespmem:$0xC0] =	vst v5  }
0x31: {  	[tilespmem:$0xA0] =	vst v0  }
0x32: {  	[tilespmem:$0x90] =	vst v1  }
.LBB2_2:
0x33: {  	[tilespmem:s7], [sflag:$0x1] =	stream.indirect.gather [hbm4b:s3+s9], $0x80, s9, s9, $0xb8;
	[tilespmem:$0x4100] =	vst v63  }
0x34: {  	_ =	swait.ge [sflag:s10], $0x4000  }
0x35: {  	[sflag:s10] =	ssyncset.done $0x0  }
0x36: {  	[sflag:s10] =	ssyncadd.s32 $0xFFFFC000  }
0x37: {  	[hbm4b:s6+s2] =	stream.linear.scatter [tilespmem:s7], [sflag:$0x2], $0x4000, $0x38;
	[tilespmem:$0x4100] =	vst v63  }
0x38: {  	_ =	swait.ge [sflag:s8], $0x4000  }
0x39: {  	[sflag:s8] =	ssyncset.done $0x0  }
0x3a: {  	[sflag:s8] =	ssyncadd.s32 $0xFFFFC000  }
0x3b: {  	_ =	sfence.sel $0x180000  }
0x3c: {  	[bflag:$0x0] =	sbarrier.arrive $0xFFFF  }
0x3d: {  	p0 =	sne.s32 s0, $0x0;
	_ =	strace $0x90000047  }
0x3e: {  	s0 =	sadd.s32 @!p0 $0x100000, s1;
	[bflag:$0x2] =	sbarrier.arrive $0xFFFF  }
0x3f: {  	[sflag:s0] =	ssyncadd.tile.s32 @!p0 $0x1;
	_ =	shalt  }
.Lfunc_end2:
_tile_overlayer_lowered:
.L_overlay_start_2:
0x40: {  	(tag) =	ssettag $0x2  }
0x41: {  	s0 =	rddreg [dreg:$0x0];
	s2 =	stileid.u32  }
0x42: {  	s1 =	rddreg [dreg:$0x1];
	p0 =	sne.s32 s2, $0x0  }
0x43: {  	s3 =	rddreg [dreg:$0x2];
	[bflag:$0x3] =	sbarrier.arrive $0xFFFF;
	s2 =	simm.s32 @!p0 $0x1C03  }
0x44: {  	[timem:s3], [sflag:s2] =	dma.local @!p0 [hbm:s0], s1  }
0x45: {  	s0 =	simm.s32 @!p0 $0x3  }
0x46: {  	_ =	swait.ge @!p0 [sflag:s0], s1  }
0x47: {  	s1 =	ssub.s32 @!p0 $0x0, s1;
	[sflag:s0] =	ssyncset.done @!p0 $0x0  }
0x48: {  	[sflag:s0] =	ssyncadd.s32 @!p0 s1  }
0x49: {  	[bflag:$0x3] =	sbarrier.arrive $0xFFFF  }
0x4a: {  	_ =	shalt  }

// kernel: kernel.9.cloned.1.call-start
scs
__scs_entry_jumppad:
0x0: {  	(pc) =	sbr.rel $0x88, $3  }
0x1: {  	(tag) =	ssettag $0x0;
	lr =	simm.s32 $0x1  }
0x2: {  	[smem:$0x3F96] =	sst lr;
	_ =	strace $0xD0000000  }
0x3: {  	_ = 	snop  }
0x4: {  	_ = 	snop  }
0x5: {  	_ = 	snop  }
0x6: {  	_ = 	snop  }
0x7: {  	_ = 	snop  }
__scs_overlays_trampoline_lowered:
0x8: {  	[smem:$0x3FA5] =	sst s0  }
0x9: {  	[smem:$0x3FA6] =	sst s1  }
0xa: {  	[smem:$0x3FA7] =	sst s2  }
0xb: {  	[smem:$0x3FA8] =	sst s3  }
0xc: {  	[smem:$0x3FA9] =	sst s4  }
0xd: {  	[smem:$0x3FAA] =	sst s5  }
0xe: {  	[smem:$0x3FAB] =	sst s6  }
0xf: {  	[smem:$0x3FAC] =	sst s7  }
0x10: {  	[smem:$0x3FAD] =	sst s8  }
0x11: {  	[smem:$0x3FAE] =	sst s9;
	s0 =	simm.s32 @!p0 $0x0  }
0x12: {  	s1 =	sld [smem:$0x3F94];
	s0 =	simm.s32 @p0 $0x1  }
0x13: {  	[smem:$0x3FAF] =	sst s0;
	s0 =	simm.s32 @!p1 $0x0  }
0x14: {  	s2 =	sld [smem:$0x3F93];
	s0 =	simm.s32 @p1 $0x1  }
0x15: {  	[smem:$0x3FB0] =	sst s0;
	s0 =	simm.s32 @!p2 $0x0  }
0x16: {  	s3 =	sld [smem:$0x3FDB];
	s0 =	simm.s32 @p2 $0x1  }
0x17: {  	s4 =	simm.s32 $0x1BF5;
	[smem:$0x3FB2] =	sst s0  }
0x18: {  	s0 =	sld [smem:$0x3F95];
	_ =	swait.ge [sflag:s4], $0x0  }
0x19: {  	s7 =	sld [smem:$0x3F96]  }
0x1a: {  	s8 =	sadd.s32 $0xFFFFE003, lr  }
0x1b: {  	s9 =	sadd.s32 $0xFFFFFEF7, lr;
	s5 =	simm.s32 $0xFFFFFFFF;
	p2 =	slt.u32 s8, $0xFFFFF086  }
0x1c: {  	p1 =	slt.u32 s9, $0xF7A;
	s5 =	simm.s32 @!p2 $0x0  }
0x1d: {  	s5 =	simm.s32 @p1 $0x1;
	p0 =	seq.s32 s7, s2  }
0x1e: {  	s7 =	smul.u32 @!p0 $0xF7A, s2;
	p2 =	seq.s32 @!p0 s5, $0x0  }
0x1f: {  	s9 =	smul.u32 $0xF7A, s1;
	s8 =	simm.s32 @!p0 $0x1BF5;
	p2 =	por !p2, p0  }
0x20: {  	[sflag:s8] =	ssyncset.s32 @!p0 $0xFFFFF086;
	s6 =	sadd.s32 @!p0 s3, s7;
	s7 =	simm.s32 @!p0 $0x108  }
0x21: {  	s3 =	sadd.s32 s3, s9;
	s6 =	sadd.s32 @!p0 $0x88, s6;
	s7 =	simm.s32 @p2 $0x1082  }
0x22: {  	[simem:s7], [sflag:s8] =	dma.local @!p0 [hbm:s6], $0xF7A  }
0x23: {  	s9 =	sor.u32 $0xD0000000, s2;
	s6 =	simm.s32 $0x108;
	_ =	swait.ge @!p0 [sflag:s8], $0x0  }
0x24: {  	s3 =	sadd.s32 $0x88, s3;
	s6 =	simm.s32 @!p1 $0x1082;
	[sflag:s4] =	ssyncset.s32 $0xFFFFF086  }
0x25: {  	[simem:s6], [sflag:s4] =	dma.local [hbm:s3], $0xF7A  }
0x26: {  	[smem:$0x3F96] =	sst s1;
	(tag) =	ssettag s2;
	_ =	strace s9  }
0x27: {  	s1 =	sld [smem:$0x3FA6]  }
0x28: {  	s2 =	sld [smem:$0x3FA7]  }
0x29: {  	s4 =	sld [smem:$0x3FA9]  }
0x2a: {  	p0 =	seq.s32 s5, $0x0;
	s5 =	sld [smem:$0x3FAA]  }
0x2b: {  	s6 =	sld [smem:$0x3FAB]  }
0x2c: {  	s7 =	sld [smem:$0x3FAC]  }
0x2d: {  	s3 =	simm.s32 $0x108;
	s8 =	sld [smem:$0x3FAD]  }
0x2e: {  	s3 =	simm.s32 @!p0 $0x1082;
	s9 =	sld [smem:$0x3FAE]  }
0x2f: {  	lr =	sadd.s32 s0, s3;
	s0 =	sld [smem:$0x3FA5]  }
0x30: {  	s3 =	sld [smem:$0x3FA8]  }
0x31: {  	[smem:$0x3FB1] =	sst s10  }
0x32: {  	s10 =	sld [smem:$0x3FAF];
	_ =	sdelay $0x3  }
0x33: {  	p0 =	seq.s32 s10, $0x1;
	s10 =	sld [smem:$0x3FB1];
	_ =	sdelay $0x3  }
0x34: {  	[smem:$0x3FB1] =	sst s10  }
0x35: {  	s10 =	sld [smem:$0x3FB0];
	_ =	sdelay $0x3  }
0x36: {  	p1 =	seq.s32 s10, $0x1;
	s10 =	sld [smem:$0x3FB1];
	_ =	sdelay $0x3  }
0x37: {  	[smem:$0x3FB1] =	sst s10  }
0x38: {  	s10 =	sld [smem:$0x3FB2]  }
0x39: {  	_ = 	snop;
	(pc) =	sbr.ind lr, $3  }
0x3a: {  	_ = 	snop  }
0x3b: {  	_ = 	snop  }
0x3c: {  	p2 =	seq.s32 s10, $0x1;
	s10 =	sld [smem:$0x3FB1]  }
0x3d: {  	_ =	shalt  }
0x3e: {  	_ =	shalt  }
0x3f: {  	_ =	shalt  }
0x40: {  	_ =	shalt  }
0x41: {  	_ =	shalt  }
0x42: {  	_ =	shalt  }
0x43: {  	_ =	shalt  }
0x44: {  	_ =	shalt  }
0x45: {  	_ =	shalt  }
0x46: {  	_ =	shalt  }
0x47: {  	_ =	shalt  }
0x48: {  	_ =	shalt  }
0x49: {  	_ =	shalt  }
0x4a: {  	_ =	shalt  }
0x4b: {  	_ =	shalt  }
0x4c: {  	_ =	shalt  }
0x4d: {  	_ =	shalt  }
0x4e: {  	_ =	shalt  }
0x4f: {  	_ =	shalt  }
0x50: {  	_ =	shalt  }
0x51: {  	_ =	shalt  }
0x52: {  	_ =	shalt  }
0x53: {  	_ =	shalt  }
0x54: {  	_ =	shalt  }
0x55: {  	_ =	shalt  }
0x56: {  	_ =	shalt  }
0x57: {  	_ =	shalt  }
0x58: {  	_ =	shalt  }
0x59: {  	_ =	shalt  }
0x5a: {  	_ =	shalt  }
0x5b: {  	_ =	shalt  }
0x5c: {  	_ =	shalt  }
0x5d: {  	_ =	shalt  }
0x5e: {  	_ =	shalt  }
0x5f: {  	_ =	shalt  }
0x60: {  	_ =	shalt  }
0x61: {  	_ =	shalt  }
0x62: {  	_ =	shalt  }
0x63: {  	_ =	shalt  }
0x64: {  	_ =	shalt  }
0x65: {  	_ =	shalt  }
0x66: {  	_ =	shalt  }
0x67: {  	_ =	shalt  }
0x68: {  	_ =	shalt  }
0x69: {  	_ =	shalt  }
0x6a: {  	_ =	shalt  }
0x6b: {  	_ =	shalt  }
0x6c: {  	_ =	shalt  }
0x6d: {  	_ =	shalt  }
0x6e: {  	_ =	shalt  }
0x6f: {  	_ =	shalt  }
0x70: {  	_ =	shalt  }
0x71: {  	_ =	shalt  }
0x72: {  	_ =	shalt  }
0x73: {  	_ =	shalt  }
0x74: {  	_ =	shalt  }
0x75: {  	_ =	shalt  }
0x76: {  	_ =	shalt  }
0x77: {  	_ =	shalt  }
0x78: {  	_ =	shalt  }
0x79: {  	_ =	shalt  }
0x7a: {  	_ =	shalt  }
0x7b: {  	_ =	shalt  }
0x7c: {  	_ =	shalt  }
0x7d: {  	_ =	shalt  }
0x7e: {  	_ =	shalt  }
0x7f: {  	_ =	shalt  }
0x80: {  	_ =	shalt  }
0x81: {  	_ =	shalt  }
0x82: {  	_ =	shalt  }
0x83: {  	_ =	shalt  }
0x84: {  	_ =	shalt  }
0x85: {  	_ =	shalt  }
0x86: {  	_ =	shalt  }
0x87: {  	_ =	shalt  }
.Lfunc_end0:
.L_simem_size_0:
called_computation.1_lowered:
.L_overlay_start_0:
0x88: {  	s2 =	sld [smem:$0x3FD9]  }
0x89: {  	s3 =	sld [smem:$0x3FFE];
	_ =	sdelay $0x1  }
0x8a: {  	s1 =	srdreg.scid  }
0x8b: {  	s0 =	sand.u32 $0x1, s1  }
0x8c: {  	s17 =	sshll.u32 s0, $0xA;
	s2 =	sadd.s32 s3, s2  }
0x8d: {  	s2 =	sadd.s32 s2, s17  }
0x8e: {  	[smem:$0x3FBD] =	sst s2  }
0x8f: {  	_ = 	snop  }
0x90: {  	s18 =	sld [smem:$0x3FC7];
	(tm) =	ssettm $0x1  }
0x91: {  	s19 =	sld [smem:$0x3FFB];
	_ =	sdelay $0x3  }
0x92: {  	_ =	strace s19  }
0x93: {  	s2 =	sld [smem:$0x3FFC];
	_ =	sdelay $0x3  }
0x94: {  	_ =	strace s2  }
0x95: {  	s2 =	sld [smem:$0x3FFD];
	_ =	sdelay $0x3  }
0x96: {  	_ =	strace s2  }
0x97: {  	_ =	strace $0x8FFFFFFF  }
0x98: {  	s20 =	sld [smem:$0x3FDB];
	_ =	sdelay $0x1  }
0x99: {  	s4 =	simm.s32 $_scs_section_size  }
0x9a: {  	s5 =	simm.s32 $_size__tile_overlayer_lowered;
	s6 =	simm.s32 $_tile_overlayer_lowered  }
0x9b: {  	s7 =	simm.s32 $0x1BFF;
	s21 =	sshll.u32 s6, $0x1;
	s4 =	sadd.s32 s4, s20  }
0x9c: {  	s22 =	simm.s32 $0x0;
	s5 =	sshll.u32 s5, $0x1;
	s6 =	sadd.s32 s21, s4  }
0x9d: {  	[timem:s22], [sflag:s7] =	dma.local [hbm:s6], s5  }
0x9e: {  	_ =	swait.ge [sflag:s7], s5  }
0x9f: {  	s5 =	ssub.s32 $0x0, s5;
	[sflag:s7] =	ssyncset.done $0x0  }
0xa0: {  	[sflag:s7] =	ssyncadd.s32 s5;
	_ =	sdelay $0x1  }
0xa1: {  	s23 =	simm.s32 $0x1B8B  }
0xa2: {  	_ =	swait.ge [sflag:s23], $0x1  }
0xa3: {  	[sflag:s23] =	ssyncset.done $0x0  }
0xa4: {  	[sflag:s23] =	ssyncadd.s32 $0xFFFFFFFF  }
0xa5: {  	s5 =	sld [smem:$0x0]  }
0xa6: {  	s6 =	sand.u32 $0xFFFFFFFE, s1  }
0xa7: {  	p0 =	sne.s32 s1, s6  }
0xa8: {  	s6 =	sshll.u32 @p0 s6, $0xE  }
0xa9: {  	s6 =	sadd.s32 @p0 $0x11B8D, s6;
	s7 =	sshll.u32 @p0 s5, $0x11  }
0xaa: {  	s6 =	sor.u32 @p0 s7, s6  }
0xab: {  	[sflag:s6] =	ssyncadd.remote.s32 @p0 $0x1;
	_ =	sdelay $0x1  }
0xac: {  	s6 =	simm.s32 @p0 $0x1B8D  }
0xad: {  	_ =	swait.eq @p0 [sflag:s6], $0x1  }
0xae: {  	[sflag:s6] =	ssyncadd.s32 @p0 $0xFFFFFFFF  }
0xaf: {  	s7 =	sshll.u32 @!p0 s1, $0xE  }
0xb0: {  	s7 =	sor.u32 @!p0 $0x4000, s7;
	s6 =	simm.s32 @!p0 $0x1B8D  }
0xb1: {  	s5 =	sshll.u32 @!p0 s5, $0x11;
	s7 =	sadd.s32 @!p0 $0x11B8D, s7;
	_ =	swait.eq @!p0 [sflag:s6], $0x1  }
0xb2: {  	s5 =	sor.u32 @!p0 s5, s7;
	[sflag:s6] =	ssyncadd.s32 @!p0 $0xFFFFFFFF  }
0xb3: {  	s25 =	simm.s32 $0x1B8E;
	s24 =	sld [smem:$0x3FFE];
	[sflag:s5] =	ssyncadd.remote.s32 @!p0 $0x1  }
0xb4: {  	s26 =	simm.s32 $execute0_lowered;
	[smem:$0x3FD2] =	sst s25  }
0xb5: {  	s6 =	sshll.u32 s26, $0x1;
	_ =	strace $0x80000049;
	[dreg:$0x1] =	wrdreg $0xFFFFFFFF  }
0xb6: {  	s28 =	simm.s32 $_size_execute0_lowered;
	s4 =	sadd.s32 s4, s6;
	[dreg:$0x0] =	wrdreg $0x0  }
0xb7: {  	s6 =	sshll.u32 s28, $0x1;
	[dreg:$0x2] =	wrdreg s4  }
0xb8: {  	[dreg:$0x3] =	wrdreg s6  }
0xb9: {  	[dreg:$0x4] =	wrdreg $0xC0  }
0xba: {  	_ =	task [dreg:s22], $0x5FFFF  }
0xbb: {  	[dreg:$0x1] =	wrdreg $0xFFFFFFFF  }
0xbc: {  	[dreg:$0x0] =	wrdreg $0x60  }
0xbd: {  	[dreg:$0x2] =	wrdreg s24  }
0xbe: {  	[dreg:$0x3] =	wrdreg s18  }
0xbf: {  	[dreg:$0x4] =	wrdreg $0xA  }
0xc0: {  	_ =	task.clear_ibuf [dreg:s22], $0x5FFFF;
	_ =	strace $0x90000049  }
0xc1: {  	s29 =	simm.s32 $0xA;
	_ =	strace $0x8000004B  }
0xc2: {  	_ =	swait.ge [sflag:s29], $0x1  }
0xc3: {  	[sflag:s29] =	ssyncadd.s32 $0xFFFFFFFF  }
0xc4: {  	_ =	strace $0x9000004B  }
0xc5: {  	_ =	sfence  }
0xc6: {  	s30 =	sld [smem:$0x0];
	_ =	sdelay $0x2  }
0xc7: {  	s31 =	sshll.u32 s1, $0xD;
	s1 =	sshrl.u32 s1, $0x2  }
0xc8: {  	s4 =	sand.u32 $0x4000, s31;
	s1 =	sadd.s32 s1, s30  }
0xc9: {  	s0 =	sor.u32 s4, s0;
	s1 =	sshll.u32 s1, $0x11  }
0xca: {  	s0 =	sor.u32 s1, s0  }
0xcb: {  	s0 =	sadd.s32 $0x8F2B, s0  }
0xcc: {  	[sflag:s0] =	ssyncadd.remote.s32 $0x1  }
0xcd: {  	_ =	sfence.sel $0xFFFF  }
0xce: {  	[dreg:$0x0] =	wrdreg $0xFFFFFFFF;
	(pc) =	sbr.abs _section_cstart, $3  }
0xcf: {  	[dreg:$0x1] =	wrdreg $0xFFFFFFFF  }
0xd0: {  	_ =	task.clear_ibuf [dreg:s22], $0x2FFFF;
	_ =	strace $0x9FFFFFFF  }
0xd1: {  	(tm) =	ssettm $0x7FFFFFFF  }
tec
execute0_lowered:
.L_overlay_start_1:
0x0: {  	(tag) =	ssettag $0x1  }
0x1: {  	s1 =	srdreg.scid;
	s0 =	stileid.u32  }
0x2: {  	s24 =	sand.u32 $0x1, s1;
	s26 =	sshll.u32 s0, $0x1  }
0x3: {  	s13 =	sor.u32 s24, s26  }
0x4: {  	s11 =	rddreg [dreg:$0x0];
	s21 =	smul.u32 $0x380, s13  }
0x5: {  	s3 =	rddreg [dreg:$0x1]  }
0x6: {  	s2 =	simm.s32 $0x0;
	s5 =	simm.s32 $0x5;
	s4 =	ssub.s32 $0x6F80, s21  }
0x7: {  	[smem:$0x7FF] =	sst s2;
	s22 =	sadd.s32 $0x1600, s11;
	s4 =	sshrl.u32 s4, $0x3  }
0x8: {  	s1 =	rddreg [dreg:$0x2];
	_ =	strace $0x8000004A;
	s7 =	sadd.s32 s22, s4  }
0x9: {  	[tilespmem:s2], [sflag:$0x5] =	stream.linear.gather [hbm4b:s7+s2], $0x80, $0x38;
	[tilespmem:$0x8180] =	vst v63  }
0xa: {  	_ =	swait.ge [sflag:s5], $0x80  }
0xb: {  	[sflag:s5] =	ssyncset.done $0x0  }
0xc: {  	[sflag:s5] =	ssyncadd.s32 $0xFFFFFF80  }
0xd: {  	v0 =	vld [tilespmem:$0x0]  }
0xe: {  	v1 =	vld [tilespmem:$0x20]  }
0xf: {  	v2 =	vld [tilespmem:$0x40]  }
0x10: {  	v3 =	vld [tilespmem:$0x10]  }
0x11: {  	v4 =	vld [tilespmem:$0x30]  }
0x12: {  	v5 =	vld [tilespmem:$0x70];
	[tilespmem:$0xF0] =	vst v0  }
0x13: {  	v0 =	vld [tilespmem:$0x50];
	[tilespmem:$0xD0] =	vst v1  }
0x14: {  	v1 =	vld [tilespmem:$0x60];
	[tilespmem:$0xB0] =	vst v2  }
0x15: {  	[tilespmem:$0xE0] =	vst v3  }
0x16: {  	[tilespmem:$0xC0] =	vst v4  }
0x17: {  	[tilespmem:$0x80] =	vst v5  }
0x18: {  	s29 =	ssub.s32 $0x6F00, s21;
	[tilespmem:$0xA0] =	vst v0  }
0x19: {  	s6 =	simm.s32 $0x80;
	s8 =	sshrl.u32 s29, $0x3;
	s4 =	simm.s32 $0x180;
	[tilespmem:$0x90] =	vst v1  }
0x1a: {  	[tilespmem:s4], [sflag:$0x1] =	stream.indirect.gather [hbm4b:s3+s6], $0x80, s6, s6, $0xb8;
	[tilespmem:$0x8180] =	vst v63  }
0x1b: {  	s10 =	sadd.s32 s22, s8  }
0x1c: {  	[tilespmem:s2], [sflag:$0x5] =	stream.linear.gather [hbm4b:s10+s2], $0x80, $0x38;
	[tilespmem:$0x8180] =	vst v63  }
0x1d: {  	_ =	swait.ge [sflag:s5], $0x80  }
0x1e: {  	[sflag:s5] =	ssyncset.done $0x0  }
0x1f: {  	[sflag:s5] =	ssyncadd.s32 $0xFFFFFF80  }
0x20: {  	v0 =	vld [tilespmem:$0x0]  }
0x21: {  	v1 =	vld [tilespmem:$0x10]  }
0x22: {  	v2 =	vld [tilespmem:$0x60]  }
0x23: {  	v3 =	vld [tilespmem:$0x50]  }
0x24: {  	v4 =	vld [tilespmem:$0x20]  }
0x25: {  	v5 =	vld [tilespmem:$0x30];
	[tilespmem:$0x170] =	vst v0  }
0x26: {  	v0 =	vld [tilespmem:$0x40];
	[tilespmem:$0x160] =	vst v1  }
0x27: {  	v1 =	vld [tilespmem:$0x70];
	[tilespmem:$0x110] =	vst v2  }
0x28: {  	[tilespmem:$0x120] =	vst v3  }
0x29: {  	[tilespmem:$0x150] =	vst v4  }
0x2a: {  	[tilespmem:$0x140] =	vst v5  }
0x2b: {  	[tilespmem:$0x130] =	vst v0  }
0x2c: {  	s12 =	simm.s32 $0x100;
	s9 =	simm.s32 $0x4180;
	s8 =	simm.s32 $0x1;
	[tilespmem:$0x100] =	vst v1  }
0x2d: {  	[tilespmem:s9], [sflag:$0x2] =	stream.indirect.gather [hbm4b:s3+s6], $0x80, s12, s6, $0xb8;
	[tilespmem:$0x8180] =	vst v63  }
0x2e: {  	s14 =	smul.u32 $0x3800, s13;
	_ =	swait.ge [sflag:s8], $0x4000  }
0x2f: {  	s16 =	sadd.s32 $0x12600, s11;
	s30 =	ssub.s32 $0x6E80, s21;
	[sflag:s8] =	ssyncset.done $0x0  }
0x30: {  	s14 =	sadd.s32 s16, s14;
	s11 =	sshrl.u32 s30, $0x3;
	[sflag:s8] =	ssyncadd.s32 $0xFFFFC000  }
0x31: {  	[hbm4b:s14+s2] =	stream.linear.scatter [tilespmem:s4], [sflag:$0x3], $0x4000, $0x38;
	[tilespmem:$0x8180] =	vst v63  }
0x32: {  	s15 =	sadd.s32 s22, s11  }
0x33: {  	[tilespmem:s2], [sflag:$0x5] =	stream.linear.gather [hbm4b:s15+s2], $0x80, $0x38;
	[tilespmem:$0x8180] =	vst v63  }
0x34: {  	_ =	swait.ge [sflag:s5], $0x80  }
0x35: {  	[sflag:s5] =	ssyncset.done $0x0  }
0x36: {  	[sflag:s5] =	ssyncadd.s32 $0xFFFFFF80  }
0x37: {  	v0 =	vld [tilespmem:$0x10]  }
0x38: {  	v1 =	vld [tilespmem:$0x30]  }
0x39: {  	v2 =	vld [tilespmem:$0x0]  }
0x3a: {  	v3 =	vld [tilespmem:$0x20]  }
0x3b: {  	v4 =	vld [tilespmem:$0x50]  }
0x3c: {  	v5 =	vld [tilespmem:$0x60];
	[tilespmem:$0xE0] =	vst v0  }
0x3d: {  	v0 =	vld [tilespmem:$0x40];
	[tilespmem:$0xC0] =	vst v1  }
0x3e: {  	v1 =	vld [tilespmem:$0x70];
	[tilespmem:$0xF0] =	vst v2  }
0x3f: {  	[tilespmem:$0xD0] =	vst v3  }
0x40: {  	[tilespmem:$0xA0] =	vst v4  }
0x41: {  	[tilespmem:$0x90] =	vst v5  }
0x42: {  	[tilespmem:$0xB0] =	vst v0  }
0x43: {  	s11 =	simm.s32 $0x3;
	[tilespmem:$0x80] =	vst v1  }
0x44: {  	_ =	swait.ge [sflag:s11], $0x4000  }
0x45: {  	[sflag:s11] =	ssyncset.done $0x0  }
0x46: {  	s17 =	smul.u32 $0x1C000, s13;
	s13 =	simm.s32 $0x2;
	[sflag:s11] =	ssyncadd.s32 $0xFFFFC000  }
0x47: {  	[tilespmem:s4], [sflag:$0x1] =	stream.indirect.gather [hbm4b:s3+s6], $0x80, s6, s6, $0xb8;
	[tilespmem:$0x8180] =	vst v63  }
0x48: {  	s17 =	sshrl.u32 s17, $0x3;
	_ =	swait.ge [sflag:s13], $0x4000  }
0x49: {  	s31 =	ssub.s32 $0x6E00, s21;
	s28 =	sadd.s32 s16, s17;
	[sflag:s13] =	ssyncset.done $0x0  }
0x4a: {  	s16 =	sshrl.u32 s31, $0x3;
	s17 =	sadd.s32 $0x800, s28;
	[sflag:s13] =	ssyncadd.s32 $0xFFFFC000  }
0x4b: {  	[hbm4b:s17+s2] =	stream.linear.scatter [tilespmem:s9], [sflag:$0x4], $0x4000, $0x38;
	[tilespmem:$0x8180] =	vst v63  }
0x4c: {  	s18 =	sadd.s32 s22, s16  }
0x4d: {  	[tilespmem:s2], [sflag:$0x5] =	stream.linear.gather [hbm4b:s18+s2], $0x80, $0x38;
	[tilespmem:$0x8180] =	vst v63  }
0x4e: {  	_ =	swait.ge [sflag:s5], $0x80  }
0x4f: {  	[sflag:s5] =	ssyncset.done $0x0  }
0x50: {  	[sflag:s5] =	ssyncadd.s32 $0xFFFFFF80  }
0x51: {  	v0 =	vld [tilespmem:$0x10]  }
0x52: {  	v1 =	vld [tilespmem:$0x30]  }
0x53: {  	v2 =	vld [tilespmem:$0x0]  }
0x54: {  	v3 =	vld [tilespmem:$0x20]  }
0x55: {  	v4 =	vld [tilespmem:$0x60]  }
0x56: {  	v5 =	vld [tilespmem:$0x50];
	[tilespmem:$0x160] =	vst v0  }
0x57: {  	v0 =	vld [tilespmem:$0x40];
	[tilespmem:$0x140] =	vst v1  }
0x58: {  	v1 =	vld [tilespmem:$0x70];
	[tilespmem:$0x170] =	vst v2  }
0x59: {  	[tilespmem:$0x150] =	vst v3  }
0x5a: {  	[tilespmem:$0x110] =	vst v4  }
0x5b: {  	[tilespmem:$0x120] =	vst v5  }
0x5c: {  	[tilespmem:$0x130] =	vst v0  }
0x5d: {  	s16 =	simm.s32 $0x4;
	[tilespmem:$0x100] =	vst v1  }
0x5e: {  	_ =	swait.ge [sflag:s16], $0x4000  }
0x5f: {  	[sflag:s16] =	ssyncset.done $0x0  }
0x60: {  	[sflag:s16] =	ssyncadd.s32 $0xFFFFC000  }
0x61: {  	[tilespmem:s9], [sflag:$0x2] =	stream.indirect.gather [hbm4b:s3+s6], $0x80, s12, s6, $0xb8;
	[tilespmem:$0x8180] =	vst v63  }
0x62: {  	_ =	swait.ge [sflag:s8], $0x4000  }
0x63: {  	s20 =	ssub.s32 $0x6D80, s21;
	[sflag:s8] =	ssyncset.done $0x0  }
0x64: {  	s20 =	sshrl.u32 s20, $0x3;
	s19 =	sadd.s32 $0x1000, s28;
	[sflag:s8] =	ssyncadd.s32 $0xFFFFC000  }
0x65: {  	[hbm4b:s19+s2] =	stream.linear.scatter [tilespmem:s4], [sflag:$0x3], $0x4000, $0x38;
	[tilespmem:$0x8180] =	vst v63  }
0x66: {  	s20 =	sadd.s32 s22, s20  }
0x67: {  	[tilespmem:s2], [sflag:$0x5] =	stream.linear.gather [hbm4b:s20+s2], $0x80, $0x38;
	[tilespmem:$0x8180] =	vst v63  }
0x68: {  	_ =	swait.ge [sflag:s5], $0x80  }
0x69: {  	[sflag:s5] =	ssyncset.done $0x0  }
0x6a: {  	[sflag:s5] =	ssyncadd.s32 $0xFFFFFF80  }
0x6b: {  	v0 =	vld [tilespmem:$0x10]  }
0x6c: {  	v1 =	vld [tilespmem:$0x0]  }
0x6d: {  	v2 =	vld [tilespmem:$0x20]  }
0x6e: {  	v3 =	vld [tilespmem:$0x50]  }
0x6f: {  	v4 =	vld [tilespmem:$0x60]  }
0x70: {  	v5 =	vld [tilespmem:$0x30];
	[tilespmem:$0xE0] =	vst v0  }
0x71: {  	v0 =	vld [tilespmem:$0x40];
	[tilespmem:$0xF0] =	vst v1  }
0x72: {  	v1 =	vld [tilespmem:$0x70];
	[tilespmem:$0xD0] =	vst v2  }
0x73: {  	[tilespmem:$0xA0] =	vst v3  }
0x74: {  	[tilespmem:$0x90] =	vst v4  }
0x75: {  	[tilespmem:$0xC0] =	vst v5  }
0x76: {  	[tilespmem:$0xB0] =	vst v0  }
0x77: {  	[tilespmem:$0x80] =	vst v1  }
0x78: {  	_ =	swait.ge [sflag:s11], $0x4000  }
0x79: {  	[sflag:s11] =	ssyncset.done $0x0  }
0x7a: {  	[sflag:s11] =	ssyncadd.s32 $0xFFFFC000  }
0x7b: {  	[tilespmem:s4], [sflag:$0x1] =	stream.indirect.gather [hbm4b:s3+s6], $0x80, s6, s6, $0xb8;
	[tilespmem:$0x8180] =	vst v63  }
0x7c: {  	_ =	swait.ge [sflag:s13], $0x4000  }
0x7d: {  	s23 =	ssub.s32 $0x6D00, s21;
	[sflag:s13] =	ssyncset.done $0x0  }
0x7e: {  	s25 =	sshrl.u32 s23, $0x3;
	s23 =	sadd.s32 $0x1800, s28;
	[sflag:s13] =	ssyncadd.s32 $0xFFFFC000  }
0x7f: {  	[hbm4b:s23+s2] =	stream.linear.scatter [tilespmem:s9], [sflag:$0x4], $0x4000, $0x38;
	[tilespmem:$0x8180] =	vst v63  }
0x80: {  	s25 =	sadd.s32 s22, s25  }
0x81: {  	[tilespmem:s2], [sflag:$0x5] =	stream.linear.gather [hbm4b:s25+s2], $0x80, $0x38;
	[tilespmem:$0x8180] =	vst v63  }
0x82: {  	s24 =	ssub.s32 $0x2, s24;
	_ =	swait.ge [sflag:s5], $0x80  }
0x83: {  	s26 =	sshrl.u32 s24, $0x1;
	[sflag:s5] =	ssyncset.done $0x0  }
0x84: {  	s24 =	ssub.s32 s24, s26;
	[sflag:s5] =	ssyncadd.s32 $0xFFFFFF80  }
0x85: {  	s29 =	smax.u32 s24, $0x1;
	v3 =	vld [tilespmem:$0x70]  }
0x86: {  	p0 =	sne.s32 s29, $0x1;
	v4 =	vld [tilespmem:$0x60]  }
.Ltmp0:
0x87: {  	v0 =	vld [tilespmem:$0x50];
	(pc) =	sbr.rel @!p0 .LBB2_2-.Ltmp0, $4  }
0x88: {  	s21 =	ssub.s32 $0x6C80, s21;
	v1 =	vld [tilespmem:$0x40]  }
0x89: {  	s21 =	sshrl.u32 s21, $0x3;
	v2 =	vld [tilespmem:$0x30]  }
0x8a: {  	s24 =	sadd.s32 s22, s21;
	s26 =	sadd.s32 $0x2000, s28;
	[tilespmem:$0x100] =	vst v3;
	v3 =	vld [tilespmem:$0x20]  }
0x8b: {  	s22 =	sadd.s32 $0x2800, s28;
	s21 =	sadd.s32 $0x3000, s28;
	s28 =	sadd.s32 $0xFFFFFFFF, s29;
	[tilespmem:$0x110] =	vst v4;
	v4 =	vld [tilespmem:$0x10]  }
.LBB2_1:
0x8c: {  	p0 =	sne.s32 s28, $0x1;
	s28 =	sadd.s32 $0xFFFFFFFF, s28;
	v5 =	vld [tilespmem:$0x0]  }
0x8d: {  	[tilespmem:$0x130] =	vst v1  }
0x8e: {  	[tilespmem:$0x140] =	vst v2  }
0x8f: {  	[tilespmem:$0x150] =	vst v3  }
0x90: {  	[tilespmem:$0x160] =	vst v4  }
0x91: {  	[tilespmem:$0x170] =	vst v5;
	_ =	sdelay $0x3  }
0x92: {  	[tilespmem:$0x120] =	vst v0  }
0x93: {  	_ =	swait.ge [sflag:s16], $0x4000  }
0x94: {  	[sflag:s16] =	ssyncset.done $0x0  }
0x95: {  	[sflag:s16] =	ssyncadd.s32 $0xFFFFC000  }
0x96: {  	[tilespmem:s9], [sflag:$0x2] =	stream.indirect.gather [hbm4b:s3+s6], $0x80, s12, s6, $0xb8;
	[tilespmem:$0x8180] =	vst v63  }
0x97: {  	_ =	swait.ge [sflag:s8], $0x4000  }
0x98: {  	[sflag:s8] =	ssyncset.done $0x0  }
0x99: {  	[sflag:s8] =	ssyncadd.s32 $0xFFFFC000  }
0x9a: {  	[hbm4b:s26+s2] =	stream.linear.scatter [tilespmem:s4], [sflag:$0x3], $0x4000, $0x38;
	[tilespmem:$0x8180] =	vst v63  }
0x9b: {  	_ = 	snop  }
0x9c: {  	[tilespmem:s2], [sflag:$0x5] =	stream.linear.gather [hbm4b:s24+s2], $0x80, $0x38;
	[tilespmem:$0x8180] =	vst v63  }
0x9d: {  	_ =	swait.ge [sflag:s5], $0x80  }
0x9e: {  	[sflag:s5] =	ssyncset.done $0x0  }
0x9f: {  	[sflag:s5] =	ssyncadd.s32 $0xFFFFFF80  }
0xa0: {  	v0 =	vld [tilespmem:$0x0]  }
0xa1: {  	v1 =	vld [tilespmem:$0x10]  }
0xa2: {  	v2 =	vld [tilespmem:$0x30]  }
0xa3: {  	v3 =	vld [tilespmem:$0x70]  }
0xa4: {  	v4 =	vld [tilespmem:$0x20]  }
0xa5: {  	v5 =	vld [tilespmem:$0x40];
	[tilespmem:$0xF0] =	vst v0  }
0xa6: {  	v0 =	vld [tilespmem:$0x50];
	[tilespmem:$0xE0] =	vst v1  }
0xa7: {  	v1 =	vld [tilespmem:$0x60];
	[tilespmem:$0xC0] =	vst v2  }
0xa8: {  	[tilespmem:$0x80] =	vst v3  }
0xa9: {  	[tilespmem:$0xD0] =	vst v4  }
0xaa: {  	[tilespmem:$0xB0] =	vst v5  }
0xab: {  	[tilespmem:$0xA0] =	vst v0  }
0xac: {  	[tilespmem:$0x90] =	vst v1  }
0xad: {  	_ =	swait.ge [sflag:s11], $0x4000  }
0xae: {  	[sflag:s11] =	ssyncset.done $0x0  }
0xaf: {  	[sflag:s11] =	ssyncadd.s32 $0xFFFFC000  }
0xb0: {  	[tilespmem:s4], [sflag:$0x1] =	stream.indirect.gather [hbm4b:s3+s6], $0x80, s6, s6, $0xb8;
	[tilespmem:$0x8180] =	vst v63  }
0xb1: {  	_ =	swait.ge [sflag:s13], $0x4000  }
0xb2: {  	[sflag:s13] =	ssyncset.done $0x0  }
0xb3: {  	[sflag:s13] =	ssyncadd.s32 $0xFFFFC000  }
0xb4: {  	[hbm4b:s22+s2] =	stream.linear.scatter [tilespmem:s9], [sflag:$0x4], $0x4000, $0x38;
	[tilespmem:$0x8180] =	vst v63  }
0xb5: {  	_ =	swait.ge [sflag:s8], $0x4000  }
0xb6: {  	[sflag:s8] =	ssyncset.done $0x0  }
0xb7: {  	[sflag:s8] =	ssyncadd.s32 $0xFFFFC000  }
0xb8: {  	[hbm4b:s21+s2] =	stream.linear.scatter [tilespmem:s4], [sflag:$0x3], $0x4000, $0x38;
	[tilespmem:$0x8180] =	vst v63  }
0xb9: {  	_ =	swait.ge [sflag:s11], $0x4000  }
0xba: {  	[sflag:s11] =	ssyncset.done $0x0  }
0xbb: {  	[sflag:s11] =	ssyncadd.s32 $0xFFFFC000  }
0xbc: {  	_ =	swait.ge [sflag:s16], $0x4000  }
0xbd: {  	[sflag:s16] =	ssyncset.done $0x0  }
0xbe: {  	[sflag:s16] =	ssyncadd.s32 $0xFFFFC000  }
0xbf: {  	[tilespmem:s2], [sflag:$0x5] =	stream.linear.gather [hbm4b:s7+s2], $0x80, $0x38;
	[tilespmem:$0x8180] =	vst v63  }
0xc0: {  	_ =	swait.ge [sflag:s5], $0x80  }
0xc1: {  	[sflag:s5] =	ssyncset.done $0x0  }
0xc2: {  	[sflag:s5] =	ssyncadd.s32 $0xFFFFFF80  }
0xc3: {  	v0 =	vld [tilespmem:$0x0]  }
0xc4: {  	v1 =	vld [tilespmem:$0x20]  }
0xc5: {  	v2 =	vld [tilespmem:$0x40]  }
0xc6: {  	v3 =	vld [tilespmem:$0x10]  }
0xc7: {  	v4 =	vld [tilespmem:$0x30]  }
0xc8: {  	v5 =	vld [tilespmem:$0x70];
	[tilespmem:$0xF0] =	vst v0  }
0xc9: {  	v0 =	vld [tilespmem:$0x50];
	[tilespmem:$0xD0] =	vst v1  }
0xca: {  	v1 =	vld [tilespmem:$0x60];
	[tilespmem:$0xB0] =	vst v2  }
0xcb: {  	[tilespmem:$0xE0] =	vst v3  }
0xcc: {  	[tilespmem:$0xC0] =	vst v4  }
0xcd: {  	[tilespmem:$0x80] =	vst v5  }
0xce: {  	[tilespmem:$0xA0] =	vst v0  }
0xcf: {  	[tilespmem:$0x90] =	vst v1  }
0xd0: {  	[tilespmem:s4], [sflag:$0x1] =	stream.indirect.gather [hbm4b:s3+s6], $0x80, s6, s6, $0xb8;
	[tilespmem:$0x8180] =	vst v63  }
0xd1: {  	_ = 	snop  }
0xd2: {  	[tilespmem:s2], [sflag:$0x5] =	stream.linear.gather [hbm4b:s10+s2], $0x80, $0x38;
	[tilespmem:$0x8180] =	vst v63  }
0xd3: {  	_ =	swait.ge [sflag:s5], $0x80  }
0xd4: {  	[sflag:s5] =	ssyncset.done $0x0  }
0xd5: {  	[sflag:s5] =	ssyncadd.s32 $0xFFFFFF80  }
0xd6: {  	v0 =	vld [tilespmem:$0x0]  }
0xd7: {  	v1 =	vld [tilespmem:$0x10]  }
0xd8: {  	v2 =	vld [tilespmem:$0x60]  }
0xd9: {  	v3 =	vld [tilespmem:$0x50]  }
0xda: {  	v4 =	vld [tilespmem:$0x20]  }
0xdb: {  	v5 =	vld [tilespmem:$0x30];
	[tilespmem:$0x170] =	vst v0  }
0xdc: {  	v0 =	vld [tilespmem:$0x40];
	[tilespmem:$0x160] =	vst v1  }
0xdd: {  	v1 =	vld [tilespmem:$0x70];
	[tilespmem:$0x110] =	vst v2  }
0xde: {  	[tilespmem:$0x120] =	vst v3  }
0xdf: {  	[tilespmem:$0x150] =	vst v4  }
0xe0: {  	[tilespmem:$0x140] =	vst v5  }
0xe1: {  	[tilespmem:$0x130] =	vst v0  }
0xe2: {  	[tilespmem:$0x100] =	vst v1  }
0xe3: {  	[tilespmem:s9], [sflag:$0x2] =	stream.indirect.gather [hbm4b:s3+s6], $0x80, s12, s6, $0xb8;
	[tilespmem:$0x8180] =	vst v63  }
0xe4: {  	_ =	swait.ge [sflag:s8], $0x4000  }
0xe5: {  	[sflag:s8] =	ssyncset.done $0x0  }
0xe6: {  	[sflag:s8] =	ssyncadd.s32 $0xFFFFC000  }
0xe7: {  	[hbm4b:s14+s2] =	stream.linear.scatter [tilespmem:s4], [sflag:$0x3], $0x4000, $0x38;
	[tilespmem:$0x8180] =	vst v63  }
0xe8: {  	_ = 	snop  }
0xe9: {  	[tilespmem:s2], [sflag:$0x5] =	stream.linear.gather [hbm4b:s15+s2], $0x80, $0x38;
	[tilespmem:$0x8180] =	vst v63  }
0xea: {  	_ =	swait.ge [sflag:s5], $0x80  }
0xeb: {  	[sflag:s5] =	ssyncset.done $0x0  }
0xec: {  	[sflag:s5] =	ssyncadd.s32 $0xFFFFFF80  }
0xed: {  	v0 =	vld [tilespmem:$0x10]  }
0xee: {  	v1 =	vld [tilespmem:$0x30]  }
0xef: {  	v2 =	vld [tilespmem:$0x0]  }
0xf0: {  	v3 =	vld [tilespmem:$0x20]  }
0xf1: {  	v4 =	vld [tilespmem:$0x50]  }
0xf2: {  	v5 =	vld [tilespmem:$0x60];
	[tilespmem:$0xE0] =	vst v0  }
0xf3: {  	v0 =	vld [tilespmem:$0x40];
	[tilespmem:$0xC0] =	vst v1  }
0xf4: {  	v1 =	vld [tilespmem:$0x70];
	[tilespmem:$0xF0] =	vst v2  }
0xf5: {  	[tilespmem:$0xD0] =	vst v3  }
0xf6: {  	[tilespmem:$0xA0] =	vst v4  }
0xf7: {  	[tilespmem:$0x90] =	vst v5  }
0xf8: {  	[tilespmem:$0xB0] =	vst v0  }
0xf9: {  	[tilespmem:$0x80] =	vst v1  }
0xfa: {  	_ =	swait.ge [sflag:s11], $0x4000  }
0xfb: {  	[sflag:s11] =	ssyncset.done $0x0  }
0xfc: {  	[sflag:s11] =	ssyncadd.s32 $0xFFFFC000  }
0xfd: {  	[tilespmem:s4], [sflag:$0x1] =	stream.indirect.gather [hbm4b:s3+s6], $0x80, s6, s6, $0xb8;
	[tilespmem:$0x8180] =	vst v63  }
0xfe: {  	_ =	swait.ge [sflag:s13], $0x4000  }
0xff: {  	[sflag:s13] =	ssyncset.done $0x0  }
0x100: {  	[sflag:s13] =	ssyncadd.s32 $0xFFFFC000  }
0x101: {  	[hbm4b:s17+s2] =	stream.linear.scatter [tilespmem:s9], [sflag:$0x4], $0x4000, $0x38;
	[tilespmem:$0x8180] =	vst v63  }
0x102: {  	_ = 	snop  }
0x103: {  	[tilespmem:s2], [sflag:$0x5] =	stream.linear.gather [hbm4b:s18+s2], $0x80, $0x38;
	[tilespmem:$0x8180] =	vst v63  }
0x104: {  	_ =	swait.ge [sflag:s5], $0x80  }
0x105: {  	[sflag:s5] =	ssyncset.done $0x0  }
0x106: {  	[sflag:s5] =	ssyncadd.s32 $0xFFFFFF80  }
0x107: {  	v0 =	vld [tilespmem:$0x10]  }
0x108: {  	v1 =	vld [tilespmem:$0x30]  }
0x109: {  	v2 =	vld [tilespmem:$0x0]  }
0x10a: {  	v3 =	vld [tilespmem:$0x20]  }
0x10b: {  	v4 =	vld [tilespmem:$0x60]  }
0x10c: {  	v5 =	vld [tilespmem:$0x50];
	[tilespmem:$0x160] =	vst v0  }
0x10d: {  	v0 =	vld [tilespmem:$0x40];
	[tilespmem:$0x140] =	vst v1  }
0x10e: {  	v1 =	vld [tilespmem:$0x70];
	[tilespmem:$0x170] =	vst v2  }
0x10f: {  	[tilespmem:$0x150] =	vst v3  }
0x110: {  	[tilespmem:$0x110] =	vst v4  }
0x111: {  	[tilespmem:$0x120] =	vst v5  }
0x112: {  	[tilespmem:$0x130] =	vst v0  }
0x113: {  	[tilespmem:$0x100] =	vst v1  }
0x114: {  	_ =	swait.ge [sflag:s16], $0x4000  }
0x115: {  	[sflag:s16] =	ssyncset.done $0x0  }
0x116: {  	[sflag:s16] =	ssyncadd.s32 $0xFFFFC000  }
0x117: {  	[tilespmem:s9], [sflag:$0x2] =	stream.indirect.gather [hbm4b:s3+s6], $0x80, s12, s6, $0xb8;
	[tilespmem:$0x8180] =	vst v63  }
0x118: {  	_ =	swait.ge [sflag:s8], $0x4000  }
0x119: {  	[sflag:s8] =	ssyncset.done $0x0  }
0x11a: {  	[sflag:s8] =	ssyncadd.s32 $0xFFFFC000  }
0x11b: {  	[hbm4b:s19+s2] =	stream.linear.scatter [tilespmem:s4], [sflag:$0x3], $0x4000, $0x38;
	[tilespmem:$0x8180] =	vst v63  }
0x11c: {  	_ = 	snop  }
0x11d: {  	[tilespmem:s2], [sflag:$0x5] =	stream.linear.gather [hbm4b:s20+s2], $0x80, $0x38;
	[tilespmem:$0x8180] =	vst v63  }
0x11e: {  	_ =	swait.ge [sflag:s5], $0x80  }
0x11f: {  	[sflag:s5] =	ssyncset.done $0x0  }
0x120: {  	[sflag:s5] =	ssyncadd.s32 $0xFFFFFF80  }
0x121: {  	v0 =	vld [tilespmem:$0x10]  }
0x122: {  	v1 =	vld [tilespmem:$0x0]  }
0x123: {  	v2 =	vld [tilespmem:$0x20]  }
0x124: {  	v3 =	vld [tilespmem:$0x50]  }
0x125: {  	v4 =	vld [tilespmem:$0x60]  }
0x126: {  	v5 =	vld [tilespmem:$0x30];
	[tilespmem:$0xE0] =	vst v0  }
0x127: {  	v0 =	vld [tilespmem:$0x40];
	[tilespmem:$0xF0] =	vst v1  }
0x128: {  	v1 =	vld [tilespmem:$0x70];
	[tilespmem:$0xD0] =	vst v2  }
0x129: {  	[tilespmem:$0xA0] =	vst v3  }
0x12a: {  	[tilespmem:$0x90] =	vst v4  }
0x12b: {  	[tilespmem:$0xC0] =	vst v5  }
0x12c: {  	[tilespmem:$0xB0] =	vst v0  }
0x12d: {  	[tilespmem:$0x80] =	vst v1  }
0x12e: {  	_ =	swait.ge [sflag:s11], $0x4000  }
0x12f: {  	[sflag:s11] =	ssyncset.done $0x0  }
0x130: {  	[sflag:s11] =	ssyncadd.s32 $0xFFFFC000  }
0x131: {  	[tilespmem:s4], [sflag:$0x1] =	stream.indirect.gather [hbm4b:s3+s6], $0x80, s6, s6, $0xb8;
	[tilespmem:$0x8180] =	vst v63  }
0x132: {  	_ =	swait.ge [sflag:s13], $0x4000  }
0x133: {  	[sflag:s13] =	ssyncset.done $0x0  }
0x134: {  	[sflag:s13] =	ssyncadd.s32 $0xFFFFC000  }
0x135: {  	[hbm4b:s23+s2] =	stream.linear.scatter [tilespmem:s9], [sflag:$0x4], $0x4000, $0x38;
	[tilespmem:$0x8180] =	vst v63  }
0x136: {  	_ = 	snop  }
0x137: {  	[tilespmem:s2], [sflag:$0x5] =	stream.linear.gather [hbm4b:s25+s2], $0x80, $0x38;
	[tilespmem:$0x8180] =	vst v63  }
0x138: {  	_ =	swait.ge [sflag:s5], $0x80  }
0x139: {  	[sflag:s5] =	ssyncset.done $0x0  }
0x13a: {  	[sflag:s5] =	ssyncadd.s32 $0xFFFFFF80  }
0x13b: {  	v3 =	vld [tilespmem:$0x70]  }
0x13c: {  	v4 =	vld [tilespmem:$0x60]  }
.Ltmp1:
0x13d: {  	v0 =	vld [tilespmem:$0x50];
	(pc) =	sbr.rel @p0 .LBB2_1-.Ltmp1, $4  }
0x13e: {  	v1 =	vld [tilespmem:$0x40]  }
0x13f: {  	v2 =	vld [tilespmem:$0x30]  }
0x140: {  	[tilespmem:$0x100] =	vst v3;
	v3 =	vld [tilespmem:$0x20]  }
0x141: {  	[tilespmem:$0x110] =	vst v4;
	v4 =	vld [tilespmem:$0x10]  }
.LBB2_2:
0x142: {  	v5 =	vld [tilespmem:$0x0];
	[tilespmem:$0x120] =	vst v0  }
0x143: {  	[tilespmem:$0x130] =	vst v1  }
0x144: {  	[tilespmem:$0x140] =	vst v2  }
0x145: {  	[tilespmem:$0x150] =	vst v3  }
0x146: {  	[tilespmem:$0x160] =	vst v4  }
0x147: {  	[tilespmem:$0x170] =	vst v5  }
0x148: {  	_ =	swait.ge [sflag:s16], $0x4000  }
0x149: {  	[sflag:s16] =	ssyncset.done $0x0  }
0x14a: {  	[sflag:s16] =	ssyncadd.s32 $0xFFFFC000  }
0x14b: {  	[tilespmem:s9], [sflag:$0x2] =	stream.indirect.gather [hbm4b:s3+s6], $0x80, s12, s6, $0xb8;
	[tilespmem:$0x8180] =	vst v63  }
0x14c: {  	_ =	swait.ge [sflag:s8], $0x4000  }
0x14d: {  	[sflag:s8] =	ssyncset.done $0x0  }
0x14e: {  	[sflag:s8] =	ssyncadd.s32 $0xFFFFC000  }
0x14f: {  	[hbm4b:s26+s2] =	stream.linear.scatter [tilespmem:s4], [sflag:$0x3], $0x4000, $0x38;
	[tilespmem:$0x8180] =	vst v63  }
0x150: {  	_ = 	snop  }
0x151: {  	[tilespmem:s2], [sflag:$0x5] =	stream.linear.gather [hbm4b:s24+s2], $0x80, $0x38;
	[tilespmem:$0x8180] =	vst v63  }
0x152: {  	_ =	swait.ge [sflag:s5], $0x80  }
0x153: {  	[sflag:s5] =	ssyncset.done $0x0  }
0x154: {  	[sflag:s5] =	ssyncadd.s32 $0xFFFFFF80  }
0x155: {  	v56 =	vld [tilespmem:$0x0]  }
0x156: {  	v57 =	vld [tilespmem:$0x10]  }
0x157: {  	v58 =	vld [tilespmem:$0x30]  }
0x158: {  	v59 =	vld [tilespmem:$0x70]  }
0x159: {  	v60 =	vld [tilespmem:$0x20]  }
0x15a: {  	v61 =	vld [tilespmem:$0x40];
	[tilespmem:$0xF0] =	vst v56  }
0x15b: {  	v62 =	vld [tilespmem:$0x50];
	[tilespmem:$0xE0] =	vst v57  }
0x15c: {  	v63 =	vld [tilespmem:$0x60];
	[tilespmem:$0xC0] =	vst v58  }
0x15d: {  	[tilespmem:$0x80] =	vst v59  }
0x15e: {  	[tilespmem:$0xD0] =	vst v60  }
0x15f: {  	[tilespmem:$0xB0] =	vst v61  }
0x160: {  	[tilespmem:$0xA0] =	vst v62  }
0x161: {  	[tilespmem:$0x90] =	vst v63  }
0x162: {  	_ =	swait.ge [sflag:s11], $0x4000  }
0x163: {  	[sflag:s11] =	ssyncset.done $0x0  }
0x164: {  	[sflag:s11] =	ssyncadd.s32 $0xFFFFC000  }
0x165: {  	[tilespmem:s4], [sflag:$0x1] =	stream.indirect.gather [hbm4b:s3+s6], $0x80, s6, s6, $0xb8;
	[tilespmem:$0x8180] =	vst v63  }
0x166: {  	_ =	swait.ge [sflag:s13], $0x4000  }
0x167: {  	[sflag:s13] =	ssyncset.done $0x0  }
0x168: {  	[sflag:s13] =	ssyncadd.s32 $0xFFFFC000  }
0x169: {  	[hbm4b:s22+s2] =	stream.linear.scatter [tilespmem:s9], [sflag:$0x4], $0x4000, $0x38;
	[tilespmem:$0x8180] =	vst v63  }
0x16a: {  	_ =	swait.ge [sflag:s8], $0x4000  }
0x16b: {  	[sflag:s8] =	ssyncset.done $0x0  }
0x16c: {  	[sflag:s8] =	ssyncadd.s32 $0xFFFFC000  }
0x16d: {  	[hbm4b:s21+s2] =	stream.linear.scatter [tilespmem:s4], [sflag:$0x3], $0x4000, $0x38;
	[tilespmem:$0x8180] =	vst v63  }
0x16e: {  	_ =	swait.ge [sflag:s11], $0x4000  }
0x16f: {  	[sflag:s11] =	ssyncset.done $0x0  }
0x170: {  	[sflag:s11] =	ssyncadd.s32 $0xFFFFC000  }
0x171: {  	_ =	swait.ge [sflag:s16], $0x4000  }
0x172: {  	[sflag:s16] =	ssyncset.done $0x0  }
0x173: {  	[sflag:s16] =	ssyncadd.s32 $0xFFFFC000  }
0x174: {  	_ =	sfence.sel $0x180000  }
0x175: {  	[bflag:$0x0] =	sbarrier.arrive $0xFFFF  }
0x176: {  	p0 =	sne.s32 s0, $0x0;
	_ =	strace $0x9000004A  }
0x177: {  	s0 =	sadd.s32 @!p0 $0x100000, s1;
	[bflag:$0x2] =	sbarrier.arrive $0xFFFF  }
0x178: {  	[sflag:s0] =	ssyncadd.tile.s32 @!p0 $0x1;
	_ =	shalt  }
.Lfunc_end2:
_tile_overlayer_lowered:
.L_overlay_start_2:
0x179: {  	(tag) =	ssettag $0x2  }
0x17a: {  	s0 =	rddreg [dreg:$0x0];
	s2 =	stileid.u32  }
0x17b: {  	s1 =	rddreg [dreg:$0x1];
	p0 =	sne.s32 s2, $0x0  }
0x17c: {  	s3 =	rddreg [dreg:$0x2];
	[bflag:$0x3] =	sbarrier.arrive $0xFFFF;
	s2 =	simm.s32 @!p0 $0x1C05  }
0x17d: {  	[timem:s3], [sflag:s2] =	dma.local @!p0 [hbm:s0], s1  }
0x17e: {  	s0 =	simm.s32 @!p0 $0x5  }
0x17f: {  	_ =	swait.ge @!p0 [sflag:s0], s1  }
0x180: {  	s1 =	ssub.s32 @!p0 $0x0, s1;
	[sflag:s0] =	ssyncset.done @!p0 $0x0  }
0x181: {  	[sflag:s0] =	ssyncadd.s32 @!p0 s1  }
0x182: {  	[bflag:$0x3] =	sbarrier.arrive $0xFFFF  }
0x183: {  	_ =	shalt  }

</sc_bundles>
